<compile_context>
chip_gen: v7x
topology: tpu7x:2x2x1
jax: 0.10.2.dev20260603
libtpu: 0.0.44.dev20260713+nightly
codegen_flags: <defaults>
</compile_context>

<pallas_src>
import functools

import jax
import jax.numpy as jnp
from jax import lax
from jax.experimental import pallas as pl
from jax.experimental.pallas import tpu as pltpu
from jax.experimental.pallas import tpu_sc as plsc

N = 10000
E = 320000
D = 128

NC = 2
NS = 16
NW = NC * NS
EPW = E // NW
CH = 80
NCH = EPW // CH
NP = 10240
RPS = NP // NS
NBD = 5
NRD = NCH // NBD
CHA = 80
NCHA = EPW // CHA
NBA = 4
NRA = NCHA // NBA
NTA = NCHA - NBA * NRA

_MESH = plsc.VectorSubcoreMesh(core_axis_name="c", subcore_axis_name="s")



def _sc_degree(dst, zeros, ones):

    @functools.partial(
        pl.kernel,
        mesh=_MESH,
        out_type=jax.ShapeDtypeStruct((NC, NP, 128), jnp.float32),
        scratch_types=(
            [pltpu.VMEM((CH,), jnp.int32)] * NBD
            + [pltpu.VMEM((CH, 128), jnp.float32),
               pltpu.VMEM_SHARED((NP, 128), jnp.float32)]
            + [pltpu.SemaphoreType.DMA] * (2 * NBD)
        ),
    )
    def deg_kernel(dst_hbm, zeros_hbm, ones_hbm, out_hbm, *sc):
        didx = sc[0:NBD]
        ones_v = sc[NBD]
        acc = sc[NBD + 1]
        dsem = sc[NBD + 2:2 * NBD + 2]
        ssem = sc[2 * NBD + 2:3 * NBD + 2]
        c = lax.axis_index("c")
        s = lax.axis_index("s")
        pltpu.sync_copy(ones_hbm, ones_v)
        base = (c * NS + s) * EPW
        for b in range(NBD):
            pltpu.async_copy(dst_hbm.at[pl.ds(base + b * CH, CH)],
                             didx[b], dsem[b])
        pltpu.sync_copy(zeros_hbm.at[pl.ds(s * RPS, RPS)],
                        acc.at[pl.ds(s * RPS, RPS)])
        plsc.subcore_barrier()

        def round_(j, carry):
            for b in range(NBD):
                pltpu.make_async_copy(dst_hbm.at[pl.ds(base, CH)],
                                      didx[b], dsem[b]).wait()
                pltpu.async_copy(ones_v, acc.at[didx[b]], ssem[b], add=True)

            @pl.when(j < NRD - 1)
            def _():
                for b in range(NBD):
                    offn = base + ((j + 1) * NBD + b) * CH
                    pltpu.make_async_copy(ones_v, acc.at[didx[b]],
                                          ssem[b]).wait()
                    pltpu.async_copy(dst_hbm.at[pl.ds(offn, CH)],
                                     didx[b], dsem[b])
            return carry

        lax.fori_loop(0, NRD, round_, 0)
        for b in range(NBD):
            pltpu.make_async_copy(ones_v, acc.at[didx[b]], ssem[b]).wait()
        plsc.subcore_barrier()
        pltpu.sync_copy(acc.at[pl.ds(s * RPS, RPS)],
                        out_hbm.at[c, pl.ds(s * RPS, RPS)])

    return deg_kernel(dst, zeros, ones)


def _sc_aggregate(src, dst, hhat, zeros, feat):

    @functools.partial(
        pl.kernel,
        mesh=_MESH,
        out_type=jax.ShapeDtypeStruct((NC, NP, feat), jnp.float32),
        scratch_types=(
            [pltpu.VMEM((CHA,), jnp.int32)] * NBA
            + [pltpu.VMEM((CHA,), jnp.int32)] * NBA
            + [pltpu.VMEM((CHA, feat), jnp.float32)] * NBA
            + [pltpu.VMEM_SHARED((NP, feat), jnp.float32)]
            + [pltpu.SemaphoreType.DMA] * (4 * NBA)
        ),
    )
    def agg_kernel(src_hbm, dst_hbm, h_hbm, zeros_hbm, out_hbm, *sc):
        sidx = sc[0:NBA]
        didx = sc[NBA:2 * NBA]
        rows = sc[2 * NBA:3 * NBA]
        acc = sc[3 * NBA]
        gsem = sc[3 * NBA + 1:4 * NBA + 1]
        dsem = sc[4 * NBA + 1:5 * NBA + 1]
        ssem = sc[5 * NBA + 1:6 * NBA + 1]
        isem = sc[6 * NBA + 1:7 * NBA + 1]
        c = lax.axis_index("c")
        s = lax.axis_index("s")
        base = (c * NS + s) * EPW
        for b in range(NBA):
            off = base + b * CHA
            pltpu.sync_copy(src_hbm.at[pl.ds(off, CHA)], sidx[b])
            pltpu.async_copy(h_hbm.at[sidx[b]], rows[b], gsem[b])
            pltpu.async_copy(dst_hbm.at[pl.ds(off, CHA)], didx[b], dsem[b])
        pltpu.sync_copy(zeros_hbm.at[pl.ds(s * RPS, RPS)],
                        acc.at[pl.ds(s * RPS, RPS)])
        plsc.subcore_barrier()

        def round_(j, carry):
            for b in range(NBA):
                pltpu.make_async_copy(h_hbm.at[sidx[b]], rows[b],
                                      gsem[b]).wait()

                @pl.when(j < NRA - 1)
                def _():
                    offn = base + ((j + 1) * NBA + b) * CHA
                    pltpu.async_copy(src_hbm.at[pl.ds(offn, CHA)],
                                     sidx[b], isem[b])

                pltpu.make_async_copy(dst_hbm.at[pl.ds(base, CHA)],
                                      didx[b], dsem[b]).wait()
                pltpu.async_copy(rows[b], acc.at[didx[b]], ssem[b], add=True)

            @pl.when(j < NRA - 1)
            def _():
                for b in range(NBA):
                    offn = base + ((j + 1) * NBA + b) * CHA
                    pltpu.make_async_copy(src_hbm.at[pl.ds(offn, CHA)],
                                          sidx[b], isem[b]).wait()
                    pltpu.make_async_copy(rows[b], acc.at[didx[b]],
                                          ssem[b]).wait()
                    pltpu.async_copy(h_hbm.at[sidx[b]], rows[b], gsem[b])
                    pltpu.async_copy(dst_hbm.at[pl.ds(offn, CHA)],
                                     didx[b], dsem[b])
            return carry

        lax.fori_loop(0, NRA, round_, 0)
        for t in range(NTA):
            offt = base + (NBA * NRA + t) * CHA
            pltpu.sync_copy(src_hbm.at[pl.ds(offt, CHA)], sidx[t])
            pltpu.make_async_copy(rows[t], acc.at[didx[t]], ssem[t]).wait()
            pltpu.async_copy(h_hbm.at[sidx[t]], rows[t], gsem[t]).wait()
            pltpu.sync_copy(dst_hbm.at[pl.ds(offt, CHA)], didx[t])
            pltpu.async_copy(rows[t], acc.at[didx[t]], ssem[t], add=True)
        for b in range(NBA):
            pltpu.make_async_copy(rows[b], acc.at[didx[b]], ssem[b]).wait()
        plsc.subcore_barrier()
        pltpu.sync_copy(acc.at[pl.ds(s * RPS, RPS)],
                        out_hbm.at[c, pl.ds(s * RPS, RPS)])

    return agg_kernel(src, dst, hhat, zeros)



BN = 2000


def _tc_first(degp, x, w):

    def body(degp_ref, x_ref, w_ref, dis_ref, h_ref):
        deg = degp_ref[0, :, 0:1] + degp_ref[1, :, 0:1]
        dis = lax.rsqrt(deg + 1.0)
        dis_ref[...] = dis
        h = jnp.dot(x_ref[...], w_ref[...], preferred_element_type=jnp.float32)
        h_ref[...] = h * dis

    return pl.pallas_call(
        body,
        grid=(N // BN,),
        in_specs=[
            pl.BlockSpec((NC, BN, 128), lambda i: (0, i, 0)),
            pl.BlockSpec((BN, D), lambda i: (i, 0)),
            pl.BlockSpec(w.shape, lambda i: (0, 0)),
        ],
        out_specs=[
            pl.BlockSpec((BN, 1), lambda i: (i, 0)),
            pl.BlockSpec((BN, w.shape[1]), lambda i: (i, 0)),
        ],
        out_shape=[
            jax.ShapeDtypeStruct((N, 1), jnp.float32),
            jax.ShapeDtypeStruct((N, w.shape[1]), jnp.float32),
        ],
    )(degp, x, w)


def _tc_mid(aggp, hhat, dis, b, w):
    f_in = hhat.shape[1]
    f_out = w.shape[1]

    def body(aggp_ref, h_ref, dis_ref, b_ref, w_ref, o_ref):
        t = (aggp_ref[0] + aggp_ref[1] + h_ref[...]) * dis_ref[...] + b_ref[...]
        t = jnp.maximum(t, 0.0)
        o_ref[...] = jnp.dot(t, w_ref[...],
                             preferred_element_type=jnp.float32) * dis_ref[...]

    return pl.pallas_call(
        body,
        grid=(N // BN,),
        in_specs=[
            pl.BlockSpec((NC, BN, f_in), lambda i: (0, i, 0)),
            pl.BlockSpec((BN, f_in), lambda i: (i, 0)),
            pl.BlockSpec((BN, 1), lambda i: (i, 0)),
            pl.BlockSpec((1, f_in), lambda i: (0, 0)),
            pl.BlockSpec((f_in, f_out), lambda i: (0, 0)),
        ],
        out_specs=pl.BlockSpec((BN, f_out), lambda i: (i, 0)),
        out_shape=jax.ShapeDtypeStruct((N, f_out), jnp.float32),
    )(aggp, hhat, dis, b, w)


def _tc_final(aggp, hhat, dis, b):
    f = hhat.shape[1]

    def body(aggp_ref, h_ref, dis_ref, b_ref, o_ref):
        o_ref[...] = ((aggp_ref[0] + aggp_ref[1] + h_ref[...])
                      * dis_ref[...] + b_ref[...])

    return pl.pallas_call(
        body,
        grid=(N // BN,),
        in_specs=[
            pl.BlockSpec((NC, BN, f), lambda i: (0, i, 0)),
            pl.BlockSpec((BN, f), lambda i: (i, 0)),
            pl.BlockSpec((BN, 1), lambda i: (i, 0)),
            pl.BlockSpec((1, f), lambda i: (0, 0)),
        ],
        out_specs=pl.BlockSpec((BN, f), lambda i: (i, 0)),
        out_shape=jax.ShapeDtypeStruct((N, f), jnp.float32),
    )(aggp, hhat, dis, b)



def kernel(x, edge_index, W1, b1, Wm, bm, W2, b2):
    src = edge_index[0]
    dst = edge_index[1]
    H = W1.shape[1]
    C = W2.shape[1]
    CP = 128

    zerosH = jnp.zeros((NP, H), jnp.float32)
    ones128 = jnp.ones((CH, 128), jnp.float32)
    w2p = jnp.zeros((H, CP), jnp.float32).at[:, :C].set(W2)
    b2p = jnp.zeros((CP,), jnp.float32).at[:C].set(b2)

    degp = _sc_degree(dst, zerosH, ones128)
    dis, h1 = _tc_first(degp, x, W1)

    a1 = _sc_aggregate(src, dst, h1, zerosH, H)
    h2 = _tc_mid(a1, h1, dis, b1.reshape(1, H), Wm)

    a2 = _sc_aggregate(src, dst, h2, zerosH, H)
    h3 = _tc_mid(a2, h2, dis, bm.reshape(1, H), w2p)

    a3 = _sc_aggregate(src, dst, h3, zerosH, CP)
    outp = _tc_final(a3, h3, dis, b2p.reshape(1, CP))
    return outp[:, :C]

# --- scband reference (transcript-rebuilt; emitter-appended) ---
"""Pipeline reference for scband-gcn-64656437674592 (READ-ONLY COPY).

The authoritative reference and input builder live on the scoring server;
editing this copy changes nothing except your own understanding.
"""

import jax, jax.numpy as jnp
import numpy as np

N = 10000
E = 320000
D = 128
H = 128
C = 40


def _glorot(key, fan_in, fan_out):
    limit = float(np.sqrt(6.0 / (fan_in + fan_out)))
    return jax.random.uniform(key, (fan_in, fan_out), jnp.float32, -limit, limit)


def setup_inputs(seed: int = 0) -> dict:
    key = jax.random.key(seed)
    ks = jax.random.split(key, 8)
    x = jax.random.normal(ks[0], (N, D), dtype=jnp.float32)
    edge_index = jax.random.randint(ks[1], (2, E), 0, N, dtype=jnp.int32)
    W1 = _glorot(ks[2], D, H)
    b1 = jnp.zeros((H,), jnp.float32)
    Wm = _glorot(ks[3], H, H)
    bm = jnp.zeros((H,), jnp.float32)
    W2 = _glorot(ks[4], H, C)
    b2 = jnp.zeros((C,), jnp.float32)
    return {"x": x, "edge_index": edge_index, "W1": W1, "b1": b1, "Wm": Wm, "bm": bm, "W2": W2, "b2": b2}


def reference(x, edge_index, W1, b1, Wm, bm, W2, b2):
    # GCN in eval mode: dropout is identity.
    n = x.shape[0]
    loop = jnp.arange(n, dtype=edge_index.dtype)
    src = jnp.concatenate([edge_index[0], loop])
    dst = jnp.concatenate([edge_index[1], loop])
    # symmetric normalization D^{-1/2} (A+I) D^{-1/2}
    deg = jnp.zeros((n,), x.dtype).at[dst].add(1.0)
    dis = jax.lax.rsqrt(jnp.maximum(deg, 1.0))
    norm = dis[src] * dis[dst]

    def conv(h, W, b):
        h = h @ W
        msg = jnp.take(h, src, axis=0) * norm[:, None]
        agg = jnp.zeros((n, W.shape[1]), h.dtype).at[dst].add(msg)
        return agg + b

    h = jax.nn.relu(conv(x, W1, b1))
    h = jax.nn.relu(conv(h, Wm, bm))
    out = conv(h, W2, b2)
    return out

if __name__ == "__main__":
    import jax
    _d = setup_inputs()
    print(jax.jit(kernel)(*tuple(_d.values())))

</pallas_src>

<mosaic_0001>
#map = affine_map<(d0, d1) -> (0)>
#map1 = affine_map<(d0, d1) -> (0, 0)>
#map2 = affine_map<(d0, d1) -> (0, 0, 0)>
module attributes {stable_mosaic.version = 14 : i64} {
  func.func @deg_kernel(%arg0: i32, %arg1: i32, %arg2: memref<320000xi32, #tpu.memory_space<hbm>>, %arg3: memref<10240x128xf32, #tpu.memory_space<hbm>>, %arg4: memref<80x128xf32, #tpu.memory_space<hbm>>, %arg5: memref<2x10240x128xf32, #tpu.memory_space<hbm>>, %arg6: memref<80xi32, #tpu.memory_space<vmem>>, %arg7: memref<80xi32, #tpu.memory_space<vmem>>, %arg8: memref<80xi32, #tpu.memory_space<vmem>>, %arg9: memref<80xi32, #tpu.memory_space<vmem>>, %arg10: memref<80xi32, #tpu.memory_space<vmem>>, %arg11: memref<80x128xf32, #tpu.memory_space<vmem>>, %arg12: memref<10240x128xf32, #tpu.memory_space<vmem_shared>>, %arg13: memref<!tpu.dma_semaphore, #tpu.memory_space<semaphore_mem>>, %arg14: memref<!tpu.dma_semaphore, #tpu.memory_space<semaphore_mem>>, %arg15: memref<!tpu.dma_semaphore, #tpu.memory_space<semaphore_mem>>, %arg16: memref<!tpu.dma_semaphore, #tpu.memory_space<semaphore_mem>>, %arg17: memref<!tpu.dma_semaphore, #tpu.memory_space<semaphore_mem>>, %arg18: memref<!tpu.dma_semaphore, #tpu.memory_space<semaphore_mem>>, %arg19: memref<!tpu.dma_semaphore, #tpu.memory_space<semaphore_mem>>, %arg20: memref<!tpu.dma_semaphore, #tpu.memory_space<semaphore_mem>>, %arg21: memref<!tpu.dma_semaphore, #tpu.memory_space<semaphore_mem>>, %arg22: memref<!tpu.dma_semaphore, #tpu.memory_space<semaphore_mem>>) attributes {dimension_semantics = [#tpu.dimension_semantics<core_parallel>, #tpu.dimension_semantics<subcore_parallel>], iteration_bounds = array<i64: 2, 16>, scalar_prefetch = 0 : i64, scratch_operands = 17 : i64, tpu.core_type = #tpu.core_type<sc_vector_subcore>, window_params = [{transform_indices = #map}, {transform_indices = #map1}, {transform_indices = #map1}, {transform_indices = #map2}]} {
    "tpu.region"() ({
      %run_scoped3A = tpu.sem_alloc : memref<!tpu.dma_semaphore, #tpu.memory_space<semaphore_mem>>
      tpu.enqueue_dma source(%arg4 : memref<80x128xf32, #tpu.memory_space<hbm>>) target(%arg11 : memref<80x128xf32, #tpu.memory_space<vmem>>) target_semaphore(%run_scoped3A : memref<!tpu.dma_semaphore, #tpu.memory_space<semaphore_mem>>)
      tpu.wait_dma2 semaphore(%run_scoped3A : memref<!tpu.dma_semaphore, #tpu.memory_space<semaphore_mem>>) src(%arg4 : memref<80x128xf32, #tpu.memory_space<hbm>>) dst(%arg11 : memref<80x128xf32, #tpu.memory_space<vmem>>)
      tpu.yield
    }) : () -> ()
    %mul3A = arith.constant 16 : i32
    %mul3A_0 = arith.muli %arg0, %mul3A : i32
    %add3A = arith.addi %mul3A_0, %arg1 : i32
    %mul3A_1 = arith.constant 10000 : i32
    %mul3A_2 = arith.muli %add3A, %mul3A_1 : i32
    %add3A_3 = arith.constant 0 : i32
    %add3A_4 = arith.addi %mul3A_2, %add3A_3 : i32
    %dma_start3A = tpu.memref_slice %arg2[%add3A_4] : memref<320000xi32, #tpu.memory_space<hbm>> -> memref<80xi32, #tpu.memory_space<hbm>>
    %dma_start3A_5 = tpu.memref_slice %arg2[%add3A_4] : memref<320000xi32, #tpu.memory_space<hbm>> -> memref<80xi32, #tpu.memory_space<hbm>>
    tpu.enqueue_dma source(%dma_start3A_5 : memref<80xi32, #tpu.memory_space<hbm>>) target(%arg6 : memref<80xi32, #tpu.memory_space<vmem>>) target_semaphore(%arg13 : memref<!tpu.dma_semaphore, #tpu.memory_space<semaphore_mem>>)
    %add3A_6 = arith.constant 80 : i32
    %add3A_7 = arith.addi %mul3A_2, %add3A_6 : i32
    %dma_start3A_8 = tpu.memref_slice %arg2[%add3A_7] : memref<320000xi32, #tpu.memory_space<hbm>> -> memref<80xi32, #tpu.memory_space<hbm>>
    %dma_start3A_9 = tpu.memref_slice %arg2[%add3A_7] : memref<320000xi32, #tpu.memory_space<hbm>> -> memref<80xi32, #tpu.memory_space<hbm>>
    tpu.enqueue_dma source(%dma_start3A_9 : memref<80xi32, #tpu.memory_space<hbm>>) target(%arg7 : memref<80xi32, #tpu.memory_space<vmem>>) target_semaphore(%arg14 : memref<!tpu.dma_semaphore, #tpu.memory_space<semaphore_mem>>)
    %add3A_10 = arith.constant 160 : i32
    %add3A_11 = arith.addi %mul3A_2, %add3A_10 : i32
    %dma_start3A_12 = tpu.memref_slice %arg2[%add3A_11] : memref<320000xi32, #tpu.memory_space<hbm>> -> memref<80xi32, #tpu.memory_space<hbm>>
    %dma_start3A_13 = tpu.memref_slice %arg2[%add3A_11] : memref<320000xi32, #tpu.memory_space<hbm>> -> memref<80xi32, #tpu.memory_space<hbm>>
    tpu.enqueue_dma source(%dma_start3A_13 : memref<80xi32, #tpu.memory_space<hbm>>) target(%arg8 : memref<80xi32, #tpu.memory_space<vmem>>) target_semaphore(%arg15 : memref<!tpu.dma_semaphore, #tpu.memory_space<semaphore_mem>>)
    %add3A_14 = arith.constant 240 : i32
    %add3A_15 = arith.addi %mul3A_2, %add3A_14 : i32
    %dma_start3A_16 = tpu.memref_slice %arg2[%add3A_15] : memref<320000xi32, #tpu.memory_space<hbm>> -> memref<80xi32, #tpu.memory_space<hbm>>
    %dma_start3A_17 = tpu.memref_slice %arg2[%add3A_15] : memref<320000xi32, #tpu.memory_space<hbm>> -> memref<80xi32, #tpu.memory_space<hbm>>
    tpu.enqueue_dma source(%dma_start3A_17 : memref<80xi32, #tpu.memory_space<hbm>>) target(%arg9 : memref<80xi32, #tpu.memory_space<vmem>>) target_semaphore(%arg16 : memref<!tpu.dma_semaphore, #tpu.memory_space<semaphore_mem>>)
    %add3A_18 = arith.constant 320 : i32
    %add3A_19 = arith.addi %mul3A_2, %add3A_18 : i32
    %dma_start3A_20 = tpu.memref_slice %arg2[%add3A_19] : memref<320000xi32, #tpu.memory_space<hbm>> -> memref<80xi32, #tpu.memory_space<hbm>>
    %dma_start3A_21 = tpu.memref_slice %arg2[%add3A_19] : memref<320000xi32, #tpu.memory_space<hbm>> -> memref<80xi32, #tpu.memory_space<hbm>>
    tpu.enqueue_dma source(%dma_start3A_21 : memref<80xi32, #tpu.memory_space<hbm>>) target(%arg10 : memref<80xi32, #tpu.memory_space<vmem>>) target_semaphore(%arg17 : memref<!tpu.dma_semaphore, #tpu.memory_space<semaphore_mem>>)
    %mul3A_22 = arith.constant 640 : i32
    %mul3A_23 = arith.muli %arg1, %mul3A_22 : i32
    %mul3A_24 = arith.constant 640 : i32
    %mul3A_25 = arith.muli %arg1, %mul3A_24 : i32
    "tpu.region"() ({
      %run_scoped3A = tpu.sem_alloc : memref<!tpu.dma_semaphore, #tpu.memory_space<semaphore_mem>>
      %dma_start3A_50 = arith.constant 0 : i32
      %dma_start3A_51 = tpu.memref_slice %arg12[%mul3A_25, %dma_start3A_50] : memref<10240x128xf32, #tpu.memory_space<vmem_shared>> -> memref<640x128xf32, #tpu.memory_space<vmem_shared>>
      %dma_start3A_52 = arith.constant 0 : i32
      %dma_start3A_53 = tpu.memref_slice %arg3[%mul3A_23, %dma_start3A_52] : memref<10240x128xf32, #tpu.memory_space<hbm>> -> memref<640x128xf32, #tpu.memory_space<hbm>>
      tpu.enqueue_dma source(%dma_start3A_53 : memref<640x128xf32, #tpu.memory_space<hbm>>) target(%dma_start3A_51 : memref<640x128xf32, #tpu.memory_space<vmem_shared>>) target_semaphore(%run_scoped3A : memref<!tpu.dma_semaphore, #tpu.memory_space<semaphore_mem>>)
      %dma_wait3A_54 = arith.constant 0 : i32
      %dma_wait3A_55 = tpu.memref_slice %arg12[%mul3A_25, %dma_wait3A_54] : memref<10240x128xf32, #tpu.memory_space<vmem_shared>> -> memref<640x128xf32, #tpu.memory_space<vmem_shared>>
      %dma_wait3A_56 = arith.constant 0 : i32
      %dma_wait3A_57 = tpu.memref_slice %arg3[%mul3A_23, %dma_wait3A_56] : memref<10240x128xf32, #tpu.memory_space<hbm>> -> memref<640x128xf32, #tpu.memory_space<hbm>>
      tpu.wait_dma2 semaphore(%run_scoped3A : memref<!tpu.dma_semaphore, #tpu.memory_space<semaphore_mem>>) src(%dma_wait3A_57 : memref<640x128xf32, #tpu.memory_space<hbm>>) dst(%dma_wait3A_55 : memref<640x128xf32, #tpu.memory_space<vmem_shared>>)
      tpu.yield
    }) : () -> ()
    %barrier3A = arith.constant 0 : index
    tpu.barrier barrier_id(%barrier3A)
    %scan3A = arith.constant 0 : i32
    %scan3A_26 = arith.constant 0 : i32
    %scan3A_27 = arith.constant 25 : i32
    %scan3A_28 = arith.addi %scan3A_26, %scan3A_27 : i32
    %scan3A_29 = arith.constant 1 : i32
    scf.for %scan3A_50 = %scan3A_26 to %scan3A_28 step %scan3A_29  : i32 {
      %dma_wait3A_51 = tpu.memref_slice %arg2[%mul3A_2] : memref<320000xi32, #tpu.memory_space<hbm>> -> memref<80xi32, #tpu.memory_space<hbm>>
      %dma_wait3A_52 = tpu.memref_slice %arg2[%mul3A_2] : memref<320000xi32, #tpu.memory_space<hbm>> -> memref<80xi32, #tpu.memory_space<hbm>>
      tpu.wait_dma2 semaphore(%arg13 : memref<!tpu.dma_semaphore, #tpu.memory_space<semaphore_mem>>) src(%dma_wait3A_52 : memref<80xi32, #tpu.memory_space<hbm>>) dst(%arg6 : memref<80xi32, #tpu.memory_space<vmem>>)
      %dma_start3A_53 = arith.constant 0 : i32
      %dma_start3A_54 = arith.constant 0 : i32
      %dma_start3A_55 = tpu.memref_slice %arg12[%dma_start3A_53, %dma_start3A_54] : memref<10240x128xf32, #tpu.memory_space<vmem_shared>> -> memref<10240x128xf32, #tpu.memory_space<vmem_shared>>
      tpu.enqueue_indirect_dma source(%arg11 : memref<80x128xf32, #tpu.memory_space<vmem>>) target(%dma_start3A_55 : memref<10240x128xf32, #tpu.memory_space<vmem_shared>>) offsets(%arg6 : memref<80xi32, #tpu.memory_space<vmem>>) semaphore(%arg18 : memref<!tpu.dma_semaphore, #tpu.memory_space<semaphore_mem>>) {add = true}
      %dma_wait3A_56 = tpu.memref_slice %arg2[%mul3A_2] : memref<320000xi32, #tpu.memory_space<hbm>> -> memref<80xi32, #tpu.memory_space<hbm>>
      %dma_wait3A_57 = tpu.memref_slice %arg2[%mul3A_2] : memref<320000xi32, #tpu.memory_space<hbm>> -> memref<80xi32, #tpu.memory_space<hbm>>
      tpu.wait_dma2 semaphore(%arg14 : memref<!tpu.dma_semaphore, #tpu.memory_space<semaphore_mem>>) src(%dma_wait3A_57 : memref<80xi32, #tpu.memory_space<hbm>>) dst(%arg7 : memref<80xi32, #tpu.memory_space<vmem>>)
      %dma_start3A_58 = arith.constant 0 : i32
      %dma_start3A_59 = arith.constant 0 : i32
      %dma_start3A_60 = tpu.memref_slice %arg12[%dma_start3A_58, %dma_start3A_59] : memref<10240x128xf32, #tpu.memory_space<vmem_shared>> -> memref<10240x128xf32, #tpu.memory_space<vmem_shared>>
      tpu.enqueue_indirect_dma source(%arg11 : memref<80x128xf32, #tpu.memory_space<vmem>>) target(%dma_start3A_60 : memref<10240x128xf32, #tpu.memory_space<vmem_shared>>) offsets(%arg7 : memref<80xi32, #tpu.memory_space<vmem>>) semaphore(%arg19 : memref<!tpu.dma_semaphore, #tpu.memory_space<semaphore_mem>>) {add = true}
      %dma_wait3A_61 = tpu.memref_slice %arg2[%mul3A_2] : memref<320000xi32, #tpu.memory_space<hbm>> -> memref<80xi32, #tpu.memory_space<hbm>>
      %dma_wait3A_62 = tpu.memref_slice %arg2[%mul3A_2] : memref<320000xi32, #tpu.memory_space<hbm>> -> memref<80xi32, #tpu.memory_space<hbm>>
      tpu.wait_dma2 semaphore(%arg15 : memref<!tpu.dma_semaphore, #tpu.memory_space<semaphore_mem>>) src(%dma_wait3A_62 : memref<80xi32, #tpu.memory_space<hbm>>) dst(%arg8 : memref<80xi32, #tpu.memory_space<vmem>>)
      %dma_start3A_63 = arith.constant 0 : i32
      %dma_start3A_64 = arith.constant 0 : i32
      %dma_start3A_65 = tpu.memref_slice %arg12[%dma_start3A_63, %dma_start3A_64] : memref<10240x128xf32, #tpu.memory_space<vmem_shared>> -> memref<10240x128xf32, #tpu.memory_space<vmem_shared>>
      tpu.enqueue_indirect_dma source(%arg11 : memref<80x128xf32, #tpu.memory_space<vmem>>) target(%dma_start3A_65 : memref<10240x128xf32, #tpu.memory_space<vmem_shared>>) offsets(%arg8 : memref<80xi32, #tpu.memory_space<vmem>>) semaphore(%arg20 : memref<!tpu.dma_semaphore, #tpu.memory_space<semaphore_mem>>) {add = true}
      %dma_wait3A_66 = tpu.memref_slice %arg2[%mul3A_2] : memref<320000xi32, #tpu.memory_space<hbm>> -> memref<80xi32, #tpu.memory_space<hbm>>
      %dma_wait3A_67 = tpu.memref_slice %arg2[%mul3A_2] : memref<320000xi32, #tpu.memory_space<hbm>> -> memref<80xi32, #tpu.memory_space<hbm>>
      tpu.wait_dma2 semaphore(%arg16 : memref<!tpu.dma_semaphore, #tpu.memory_space<semaphore_mem>>) src(%dma_wait3A_67 : memref<80xi32, #tpu.memory_space<hbm>>) dst(%arg9 : memref<80xi32, #tpu.memory_space<vmem>>)
      %dma_start3A_68 = arith.constant 0 : i32
      %dma_start3A_69 = arith.constant 0 : i32
      %dma_start3A_70 = tpu.memref_slice %arg12[%dma_start3A_68, %dma_start3A_69] : memref<10240x128xf32, #tpu.memory_space<vmem_shared>> -> memref<10240x128xf32, #tpu.memory_space<vmem_shared>>
      tpu.enqueue_indirect_dma source(%arg11 : memref<80x128xf32, #tpu.memory_space<vmem>>) target(%dma_start3A_70 : memref<10240x128xf32, #tpu.memory_space<vmem_shared>>) offsets(%arg9 : memref<80xi32, #tpu.memory_space<vmem>>) semaphore(%arg21 : memref<!tpu.dma_semaphore, #tpu.memory_space<semaphore_mem>>) {add = true}
      %dma_wait3A_71 = tpu.memref_slice %arg2[%mul3A_2] : memref<320000xi32, #tpu.memory_space<hbm>> -> memref<80xi32, #tpu.memory_space<hbm>>
      %dma_wait3A_72 = tpu.memref_slice %arg2[%mul3A_2] : memref<320000xi32, #tpu.memory_space<hbm>> -> memref<80xi32, #tpu.memory_space<hbm>>
      tpu.wait_dma2 semaphore(%arg17 : memref<!tpu.dma_semaphore, #tpu.memory_space<semaphore_mem>>) src(%dma_wait3A_72 : memref<80xi32, #tpu.memory_space<hbm>>) dst(%arg10 : memref<80xi32, #tpu.memory_space<vmem>>)
      %dma_start3A_73 = arith.constant 0 : i32
      %dma_start3A_74 = arith.constant 0 : i32
      %dma_start3A_75 = tpu.memref_slice %arg12[%dma_start3A_73, %dma_start3A_74] : memref<10240x128xf32, #tpu.memory_space<vmem_shared>> -> memref<10240x128xf32, #tpu.memory_space<vmem_shared>>
      tpu.enqueue_indirect_dma source(%arg11 : memref<80x128xf32, #tpu.memory_space<vmem>>) target(%dma_start3A_75 : memref<10240x128xf32, #tpu.memory_space<vmem_shared>>) offsets(%arg10 : memref<80xi32, #tpu.memory_space<vmem>>) semaphore(%arg22 : memref<!tpu.dma_semaphore, #tpu.memory_space<semaphore_mem>>) {add = true}
      %lt3A = arith.constant 24 : i32
      %lt3A_76 = arith.cmpi slt, %scan3A_50, %lt3A : i32
      %convert_element_type3A = arith.extui %lt3A_76 : i1 to i32
      %cond3A = arith.constant 0 : i32
      %cond3A_77 = arith.cmpi ne, %convert_element_type3A, %cond3A : i32
      scf.if %cond3A_77 {
        %add3A_78 = arith.constant 1 : i32
        %add3A_79 = arith.addi %scan3A_50, %add3A_78 : i32
        %mul3A_80 = arith.constant 5 : i32
        %mul3A_81 = arith.muli %add3A_79, %mul3A_80 : i32
        %add3A_82 = arith.constant 0 : i32
        %add3A_83 = arith.addi %mul3A_81, %add3A_82 : i32
        %mul3A_84 = arith.constant 80 : i32
        %mul3A_85 = arith.muli %add3A_83, %mul3A_84 : i32
        %add3A_86 = arith.addi %mul3A_2, %mul3A_85 : i32
        %dma_wait3A_87 = arith.constant 0 : i32
        %dma_wait3A_88 = arith.constant 0 : i32
        %dma_wait3A_89 = tpu.memref_slice %arg12[%dma_wait3A_87, %dma_wait3A_88] : memref<10240x128xf32, #tpu.memory_space<vmem_shared>> -> memref<10240x128xf32, #tpu.memory_space<vmem_shared>>
        tpu.wait_indirect_dma semaphore(%arg18 : memref<!tpu.dma_semaphore, #tpu.memory_space<semaphore_mem>>) src(%arg11 : memref<80x128xf32, #tpu.memory_space<vmem>>) dst(%dma_wait3A_89 : memref<10240x128xf32, #tpu.memory_space<vmem_shared>>)
        %dma_start3A_90 = tpu.memref_slice %arg2[%add3A_86] : memref<320000xi32, #tpu.memory_space<hbm>> -> memref<80xi32, #tpu.memory_space<hbm>>
        %dma_start3A_91 = tpu.memref_slice %arg2[%add3A_86] : memref<320000xi32, #tpu.memory_space<hbm>> -> memref<80xi32, #tpu.memory_space<hbm>>
        tpu.enqueue_dma source(%dma_start3A_91 : memref<80xi32, #tpu.memory_space<hbm>>) target(%arg6 : memref<80xi32, #tpu.memory_space<vmem>>) target_semaphore(%arg13 : memref<!tpu.dma_semaphore, #tpu.memory_space<semaphore_mem>>)
        %add3A_92 = arith.constant 1 : i32
        %add3A_93 = arith.addi %scan3A_50, %add3A_92 : i32
        %mul3A_94 = arith.constant 5 : i32
        %mul3A_95 = arith.muli %add3A_93, %mul3A_94 : i32
        %add3A_96 = arith.constant 1 : i32
        %add3A_97 = arith.addi %mul3A_95, %add3A_96 : i32
        %mul3A_98 = arith.constant 80 : i32
        %mul3A_99 = arith.muli %add3A_97, %mul3A_98 : i32
        %add3A_100 = arith.addi %mul3A_2, %mul3A_99 : i32
        %dma_wait3A_101 = arith.constant 0 : i32
        %dma_wait3A_102 = arith.constant 0 : i32
        %dma_wait3A_103 = tpu.memref_slice %arg12[%dma_wait3A_101, %dma_wait3A_102] : memref<10240x128xf32, #tpu.memory_space<vmem_shared>> -> memref<10240x128xf32, #tpu.memory_space<vmem_shared>>
        tpu.wait_indirect_dma semaphore(%arg19 : memref<!tpu.dma_semaphore, #tpu.memory_space<semaphore_mem>>) src(%arg11 : memref<80x128xf32, #tpu.memory_space<vmem>>) dst(%dma_wait3A_103 : memref<10240x128xf32, #tpu.memory_space<vmem_shared>>)
        %dma_start3A_104 = tpu.memref_slice %arg2[%add3A_100] : memref<320000xi32, #tpu.memory_space<hbm>> -> memref<80xi32, #tpu.memory_space<hbm>>
        %dma_start3A_105 = tpu.memref_slice %arg2[%add3A_100] : memref<320000xi32, #tpu.memory_space<hbm>> -> memref<80xi32, #tpu.memory_space<hbm>>
        tpu.enqueue_dma source(%dma_start3A_105 : memref<80xi32, #tpu.memory_space<hbm>>) target(%arg7 : memref<80xi32, #tpu.memory_space<vmem>>) target_semaphore(%arg14 : memref<!tpu.dma_semaphore, #tpu.memory_space<semaphore_mem>>)
        %add3A_106 = arith.constant 1 : i32
        %add3A_107 = arith.addi %scan3A_50, %add3A_106 : i32
        %mul3A_108 = arith.constant 5 : i32
        %mul3A_109 = arith.muli %add3A_107, %mul3A_108 : i32
        %add3A_110 = arith.constant 2 : i32
        %add3A_111 = arith.addi %mul3A_109, %add3A_110 : i32
        %mul3A_112 = arith.constant 80 : i32
        %mul3A_113 = arith.muli %add3A_111, %mul3A_112 : i32
        %add3A_114 = arith.addi %mul3A_2, %mul3A_113 : i32
        %dma_wait3A_115 = arith.constant 0 : i32
        %dma_wait3A_116 = arith.constant 0 : i32
        %dma_wait3A_117 = tpu.memref_slice %arg12[%dma_wait3A_115, %dma_wait3A_116] : memref<10240x128xf32, #tpu.memory_space<vmem_shared>> -> memref<10240x128xf32, #tpu.memory_space<vmem_shared>>
        tpu.wait_indirect_dma semaphore(%arg20 : memref<!tpu.dma_semaphore, #tpu.memory_space<semaphore_mem>>) src(%arg11 : memref<80x128xf32, #tpu.memory_space<vmem>>) dst(%dma_wait3A_117 : memref<10240x128xf32, #tpu.memory_space<vmem_shared>>)
        %dma_start3A_118 = tpu.memref_slice %arg2[%add3A_114] : memref<320000xi32, #tpu.memory_space<hbm>> -> memref<80xi32, #tpu.memory_space<hbm>>
        %dma_start3A_119 = tpu.memref_slice %arg2[%add3A_114] : memref<320000xi32, #tpu.memory_space<hbm>> -> memref<80xi32, #tpu.memory_space<hbm>>
        tpu.enqueue_dma source(%dma_start3A_119 : memref<80xi32, #tpu.memory_space<hbm>>) target(%arg8 : memref<80xi32, #tpu.memory_space<vmem>>) target_semaphore(%arg15 : memref<!tpu.dma_semaphore, #tpu.memory_space<semaphore_mem>>)
        %add3A_120 = arith.constant 1 : i32
        %add3A_121 = arith.addi %scan3A_50, %add3A_120 : i32
        %mul3A_122 = arith.constant 5 : i32
        %mul3A_123 = arith.muli %add3A_121, %mul3A_122 : i32
        %add3A_124 = arith.constant 3 : i32
        %add3A_125 = arith.addi %mul3A_123, %add3A_124 : i32
        %mul3A_126 = arith.constant 80 : i32
        %mul3A_127 = arith.muli %add3A_125, %mul3A_126 : i32
        %add3A_128 = arith.addi %mul3A_2, %mul3A_127 : i32
        %dma_wait3A_129 = arith.constant 0 : i32
        %dma_wait3A_130 = arith.constant 0 : i32
        %dma_wait3A_131 = tpu.memref_slice %arg12[%dma_wait3A_129, %dma_wait3A_130] : memref<10240x128xf32, #tpu.memory_space<vmem_shared>> -> memref<10240x128xf32, #tpu.memory_space<vmem_shared>>
        tpu.wait_indirect_dma semaphore(%arg21 : memref<!tpu.dma_semaphore, #tpu.memory_space<semaphore_mem>>) src(%arg11 : memref<80x128xf32, #tpu.memory_space<vmem>>) dst(%dma_wait3A_131 : memref<10240x128xf32, #tpu.memory_space<vmem_shared>>)
        %dma_start3A_132 = tpu.memref_slice %arg2[%add3A_128] : memref<320000xi32, #tpu.memory_space<hbm>> -> memref<80xi32, #tpu.memory_space<hbm>>
        %dma_start3A_133 = tpu.memref_slice %arg2[%add3A_128] : memref<320000xi32, #tpu.memory_space<hbm>> -> memref<80xi32, #tpu.memory_space<hbm>>
        tpu.enqueue_dma source(%dma_start3A_133 : memref<80xi32, #tpu.memory_space<hbm>>) target(%arg9 : memref<80xi32, #tpu.memory_space<vmem>>) target_semaphore(%arg16 : memref<!tpu.dma_semaphore, #tpu.memory_space<semaphore_mem>>)
        %add3A_134 = arith.constant 1 : i32
        %add3A_135 = arith.addi %scan3A_50, %add3A_134 : i32
        %mul3A_136 = arith.constant 5 : i32
        %mul3A_137 = arith.muli %add3A_135, %mul3A_136 : i32
        %add3A_138 = arith.constant 4 : i32
        %add3A_139 = arith.addi %mul3A_137, %add3A_138 : i32
        %mul3A_140 = arith.constant 80 : i32
        %mul3A_141 = arith.muli %add3A_139, %mul3A_140 : i32
        %add3A_142 = arith.addi %mul3A_2, %mul3A_141 : i32
        %dma_wait3A_143 = arith.constant 0 : i32
        %dma_wait3A_144 = arith.constant 0 : i32
        %dma_wait3A_145 = tpu.memref_slice %arg12[%dma_wait3A_143, %dma_wait3A_144] : memref<10240x128xf32, #tpu.memory_space<vmem_shared>> -> memref<10240x128xf32, #tpu.memory_space<vmem_shared>>
        tpu.wait_indirect_dma semaphore(%arg22 : memref<!tpu.dma_semaphore, #tpu.memory_space<semaphore_mem>>) src(%arg11 : memref<80x128xf32, #tpu.memory_space<vmem>>) dst(%dma_wait3A_145 : memref<10240x128xf32, #tpu.memory_space<vmem_shared>>)
        %dma_start3A_146 = tpu.memref_slice %arg2[%add3A_142] : memref<320000xi32, #tpu.memory_space<hbm>> -> memref<80xi32, #tpu.memory_space<hbm>>
        %dma_start3A_147 = tpu.memref_slice %arg2[%add3A_142] : memref<320000xi32, #tpu.memory_space<hbm>> -> memref<80xi32, #tpu.memory_space<hbm>>
        tpu.enqueue_dma source(%dma_start3A_147 : memref<80xi32, #tpu.memory_space<hbm>>) target(%arg10 : memref<80xi32, #tpu.memory_space<vmem>>) target_semaphore(%arg17 : memref<!tpu.dma_semaphore, #tpu.memory_space<semaphore_mem>>)
      } else {
      }
    }
    %scan3A_30 = arith.constant 25 : i32
    %dma_wait3A = arith.constant 0 : i32
    %dma_wait3A_31 = arith.constant 0 : i32
    %dma_wait3A_32 = tpu.memref_slice %arg12[%dma_wait3A, %dma_wait3A_31] : memref<10240x128xf32, #tpu.memory_space<vmem_shared>> -> memref<10240x128xf32, #tpu.memory_space<vmem_shared>>
    tpu.wait_indirect_dma semaphore(%arg18 : memref<!tpu.dma_semaphore, #tpu.memory_space<semaphore_mem>>) src(%arg11 : memref<80x128xf32, #tpu.memory_space<vmem>>) dst(%dma_wait3A_32 : memref<10240x128xf32, #tpu.memory_space<vmem_shared>>)
    %dma_wait3A_33 = arith.constant 0 : i32
    %dma_wait3A_34 = arith.constant 0 : i32
    %dma_wait3A_35 = tpu.memref_slice %arg12[%dma_wait3A_33, %dma_wait3A_34] : memref<10240x128xf32, #tpu.memory_space<vmem_shared>> -> memref<10240x128xf32, #tpu.memory_space<vmem_shared>>
    tpu.wait_indirect_dma semaphore(%arg19 : memref<!tpu.dma_semaphore, #tpu.memory_space<semaphore_mem>>) src(%arg11 : memref<80x128xf32, #tpu.memory_space<vmem>>) dst(%dma_wait3A_35 : memref<10240x128xf32, #tpu.memory_space<vmem_shared>>)
    %dma_wait3A_36 = arith.constant 0 : i32
    %dma_wait3A_37 = arith.constant 0 : i32
    %dma_wait3A_38 = tpu.memref_slice %arg12[%dma_wait3A_36, %dma_wait3A_37] : memref<10240x128xf32, #tpu.memory_space<vmem_shared>> -> memref<10240x128xf32, #tpu.memory_space<vmem_shared>>
    tpu.wait_indirect_dma semaphore(%arg20 : memref<!tpu.dma_semaphore, #tpu.memory_space<semaphore_mem>>) src(%arg11 : memref<80x128xf32, #tpu.memory_space<vmem>>) dst(%dma_wait3A_38 : memref<10240x128xf32, #tpu.memory_space<vmem_shared>>)
    %dma_wait3A_39 = arith.constant 0 : i32
    %dma_wait3A_40 = arith.constant 0 : i32
    %dma_wait3A_41 = tpu.memref_slice %arg12[%dma_wait3A_39, %dma_wait3A_40] : memref<10240x128xf32, #tpu.memory_space<vmem_shared>> -> memref<10240x128xf32, #tpu.memory_space<vmem_shared>>
    tpu.wait_indirect_dma semaphore(%arg21 : memref<!tpu.dma_semaphore, #tpu.memory_space<semaphore_mem>>) src(%arg11 : memref<80x128xf32, #tpu.memory_space<vmem>>) dst(%dma_wait3A_41 : memref<10240x128xf32, #tpu.memory_space<vmem_shared>>)
    %dma_wait3A_42 = arith.constant 0 : i32
    %dma_wait3A_43 = arith.constant 0 : i32
    %dma_wait3A_44 = tpu.memref_slice %arg12[%dma_wait3A_42, %dma_wait3A_43] : memref<10240x128xf32, #tpu.memory_space<vmem_shared>> -> memref<10240x128xf32, #tpu.memory_space<vmem_shared>>
    tpu.wait_indirect_dma semaphore(%arg22 : memref<!tpu.dma_semaphore, #tpu.memory_space<semaphore_mem>>) src(%arg11 : memref<80x128xf32, #tpu.memory_space<vmem>>) dst(%dma_wait3A_44 : memref<10240x128xf32, #tpu.memory_space<vmem_shared>>)
    %barrier3A_45 = arith.constant 0 : index
    tpu.barrier barrier_id(%barrier3A_45)
    %mul3A_46 = arith.constant 640 : i32
    %mul3A_47 = arith.muli %arg1, %mul3A_46 : i32
    %mul3A_48 = arith.constant 640 : i32
    %mul3A_49 = arith.muli %arg1, %mul3A_48 : i32
    "tpu.region"() ({
      %run_scoped3A = tpu.sem_alloc : memref<!tpu.dma_semaphore, #tpu.memory_space<semaphore_mem>>
      %dma_start3A_50 = arith.constant 0 : i32
      %dma_start3A_51 = tpu.memref_slice %arg5[%arg0, %mul3A_49, %dma_start3A_50] : memref<2x10240x128xf32, #tpu.memory_space<hbm>> -> memref<1x640x128xf32, #tpu.memory_space<hbm>>
      %dma_start3A_52 = tpu.memref_squeeze %dma_start3A_51 : memref<1x640x128xf32, #tpu.memory_space<hbm>> -> memref<640x128xf32, #tpu.memory_space<hbm>>
      %dma_start3A_53 = arith.constant 0 : i32
      %dma_start3A_54 = tpu.memref_slice %arg12[%mul3A_47, %dma_start3A_53] : memref<10240x128xf32, #tpu.memory_space<vmem_shared>> -> memref<640x128xf32, #tpu.memory_space<vmem_shared>>
      tpu.enqueue_dma source(%dma_start3A_54 : memref<640x128xf32, #tpu.memory_space<vmem_shared>>) target(%dma_start3A_52 : memref<640x128xf32, #tpu.memory_space<hbm>>) target_semaphore(%run_scoped3A : memref<!tpu.dma_semaphore, #tpu.memory_space<semaphore_mem>>)
      %dma_wait3A_55 = arith.constant 0 : i32
      %dma_wait3A_56 = tpu.memref_slice %arg5[%arg0, %mul3A_49, %dma_wait3A_55] : memref<2x10240x128xf32, #tpu.memory_space<hbm>> -> memref<1x640x128xf32, #tpu.memory_space<hbm>>
      %dma_wait3A_57 = tpu.memref_squeeze %dma_wait3A_56 : memref<1x640x128xf32, #tpu.memory_space<hbm>> -> memref<640x128xf32, #tpu.memory_space<hbm>>
      %dma_wait3A_58 = arith.constant 0 : i32
      %dma_wait3A_59 = tpu.memref_slice %arg12[%mul3A_47, %dma_wait3A_58] : memref<10240x128xf32, #tpu.memory_space<vmem_shared>> -> memref<640x128xf32, #tpu.memory_space<vmem_shared>>
      tpu.wait_dma2 semaphore(%run_scoped3A : memref<!tpu.dma_semaphore, #tpu.memory_space<semaphore_mem>>) src(%dma_wait3A_59 : memref<640x128xf32, #tpu.memory_space<vmem_shared>>) dst(%dma_wait3A_57 : memref<640x128xf32, #tpu.memory_space<hbm>>)
      tpu.yield
    }) : () -> ()
    return
  }
}

#map = affine_map<(d0, d1) -> (0)>
#map1 = affine_map<(d0, d1) -> (0, 0)>
#map2 = affine_map<(d0, d1) -> (0, 0, 0)>
module attributes {stable_mosaic.version = 14 : i64} {
  func.func @agg_kernel(%arg0: i32, %arg1: i32, %arg2: memref<320000xi32, #tpu.memory_space<hbm>>, %arg3: memref<320000xi32, #tpu.memory_space<hbm>>, %arg4: memref<10000x128xf32, #tpu.memory_space<hbm>>, %arg5: memref<10240x128xf32, #tpu.memory_space<hbm>>, %arg6: memref<2x10240x128xf32, #tpu.memory_space<hbm>>, %arg7: memref<80xi32, #tpu.memory_space<vmem>>, %arg8: memref<80xi32, #tpu.memory_space<vmem>>, %arg9: memref<80xi32, #tpu.memory_space<vmem>>, %arg10: memref<80xi32, #tpu.memory_space<vmem>>, %arg11: memref<80xi32, #tpu.memory_space<vmem>>, %arg12: memref<80xi32, #tpu.memory_space<vmem>>, %arg13: memref<80xi32, #tpu.memory_space<vmem>>, %arg14: memref<80xi32, #tpu.memory_space<vmem>>, %arg15: memref<80x128xf32, #tpu.memory_space<vmem>>, %arg16: memref<80x128xf32, #tpu.memory_space<vmem>>, %arg17: memref<80x128xf32, #tpu.memory_space<vmem>>, %arg18: memref<80x128xf32, #tpu.memory_space<vmem>>, %arg19: memref<10240x128xf32, #tpu.memory_space<vmem_shared>>, %arg20: memref<!tpu.dma_semaphore, #tpu.memory_space<semaphore_mem>>, %arg21: memref<!tpu.dma_semaphore, #tpu.memory_space<semaphore_mem>>, %arg22: memref<!tpu.dma_semaphore, #tpu.memory_space<semaphore_mem>>, %arg23: memref<!tpu.dma_semaphore, #tpu.memory_space<semaphore_mem>>, %arg24: memref<!tpu.dma_semaphore, #tpu.memory_space<semaphore_mem>>, %arg25: memref<!tpu.dma_semaphore, #tpu.memory_space<semaphore_mem>>, %arg26: memref<!tpu.dma_semaphore, #tpu.memory_space<semaphore_mem>>, %arg27: memref<!tpu.dma_semaphore, #tpu.memory_space<semaphore_mem>>, %arg28: memref<!tpu.dma_semaphore, #tpu.memory_space<semaphore_mem>>, %arg29: memref<!tpu.dma_semaphore, #tpu.memory_space<semaphore_mem>>, %arg30: memref<!tpu.dma_semaphore, #tpu.memory_space<semaphore_mem>>, %arg31: memref<!tpu.dma_semaphore, #tpu.memory_space<semaphore_mem>>, %arg32: memref<!tpu.dma_semaphore, #tpu.memory_space<semaphore_mem>>, %arg33: memref<!tpu.dma_semaphore, #tpu.memory_space<semaphore_mem>>, %arg34: memref<!tpu.dma_semaphore, #tpu.memory_space<semaphore_mem>>, %arg35: memref<!tpu.dma_semaphore, #tpu.memory_space<semaphore_mem>>) attributes {dimension_semantics = [#tpu.dimension_semantics<core_parallel>, #tpu.dimension_semantics<subcore_parallel>], iteration_bounds = array<i64: 2, 16>, scalar_prefetch = 0 : i64, scratch_operands = 29 : i64, tpu.core_type = #tpu.core_type<sc_vector_subcore>, window_params = [{transform_indices = #map}, {transform_indices = #map}, {transform_indices = #map1}, {transform_indices = #map1}, {transform_indices = #map2}]} {
    %mul3A = arith.constant 16 : i32
    %mul3A_0 = arith.muli %arg0, %mul3A : i32
    %add3A = arith.addi %mul3A_0, %arg1 : i32
    %mul3A_1 = arith.constant 10000 : i32
    %mul3A_2 = arith.muli %add3A, %mul3A_1 : i32
    %add3A_3 = arith.constant 0 : i32
    %add3A_4 = arith.addi %mul3A_2, %add3A_3 : i32
    "tpu.region"() ({
      %run_scoped3A = tpu.sem_alloc : memref<!tpu.dma_semaphore, #tpu.memory_space<semaphore_mem>>
      %dma_start3A_69 = tpu.memref_slice %arg2[%add3A_4] : memref<320000xi32, #tpu.memory_space<hbm>> -> memref<80xi32, #tpu.memory_space<hbm>>
      %dma_start3A_70 = tpu.memref_slice %arg2[%add3A_4] : memref<320000xi32, #tpu.memory_space<hbm>> -> memref<80xi32, #tpu.memory_space<hbm>>
      tpu.enqueue_dma source(%dma_start3A_70 : memref<80xi32, #tpu.memory_space<hbm>>) target(%arg7 : memref<80xi32, #tpu.memory_space<vmem>>) target_semaphore(%run_scoped3A : memref<!tpu.dma_semaphore, #tpu.memory_space<semaphore_mem>>)
      %dma_wait3A_71 = tpu.memref_slice %arg2[%add3A_4] : memref<320000xi32, #tpu.memory_space<hbm>> -> memref<80xi32, #tpu.memory_space<hbm>>
      %dma_wait3A_72 = tpu.memref_slice %arg2[%add3A_4] : memref<320000xi32, #tpu.memory_space<hbm>> -> memref<80xi32, #tpu.memory_space<hbm>>
      tpu.wait_dma2 semaphore(%run_scoped3A : memref<!tpu.dma_semaphore, #tpu.memory_space<semaphore_mem>>) src(%dma_wait3A_72 : memref<80xi32, #tpu.memory_space<hbm>>) dst(%arg7 : memref<80xi32, #tpu.memory_space<vmem>>)
      tpu.yield
    }) : () -> ()
    %dma_start3A = arith.constant 0 : i32
    %dma_start3A_5 = arith.constant 0 : i32
    %dma_start3A_6 = tpu.memref_slice %arg4[%dma_start3A, %dma_start3A_5] : memref<10000x128xf32, #tpu.memory_space<hbm>> -> memref<10000x128xf32, #tpu.memory_space<hbm>>
    tpu.enqueue_indirect_dma source(%dma_start3A_6 : memref<10000x128xf32, #tpu.memory_space<hbm>>) target(%arg15 : memref<80x128xf32, #tpu.memory_space<vmem>>) offsets(%arg7 : memref<80xi32, #tpu.memory_space<vmem>>) semaphore(%arg20 : memref<!tpu.dma_semaphore, #tpu.memory_space<semaphore_mem>>)
    %dma_start3A_7 = tpu.memref_slice %arg3[%add3A_4] : memref<320000xi32, #tpu.memory_space<hbm>> -> memref<80xi32, #tpu.memory_space<hbm>>
    %dma_start3A_8 = tpu.memref_slice %arg3[%add3A_4] : memref<320000xi32, #tpu.memory_space<hbm>> -> memref<80xi32, #tpu.memory_space<hbm>>
    tpu.enqueue_dma source(%dma_start3A_8 : memref<80xi32, #tpu.memory_space<hbm>>) target(%arg11 : memref<80xi32, #tpu.memory_space<vmem>>) target_semaphore(%arg24 : memref<!tpu.dma_semaphore, #tpu.memory_space<semaphore_mem>>)
    %add3A_9 = arith.constant 80 : i32
    %add3A_10 = arith.addi %mul3A_2, %add3A_9 : i32
    "tpu.region"() ({
      %run_scoped3A = tpu.sem_alloc : memref<!tpu.dma_semaphore, #tpu.memory_space<semaphore_mem>>
      %dma_start3A_69 = tpu.memref_slice %arg2[%add3A_10] : memref<320000xi32, #tpu.memory_space<hbm>> -> memref<80xi32, #tpu.memory_space<hbm>>
      %dma_start3A_70 = tpu.memref_slice %arg2[%add3A_10] : memref<320000xi32, #tpu.memory_space<hbm>> -> memref<80xi32, #tpu.memory_space<hbm>>
      tpu.enqueue_dma source(%dma_start3A_70 : memref<80xi32, #tpu.memory_space<hbm>>) target(%arg8 : memref<80xi32, #tpu.memory_space<vmem>>) target_semaphore(%run_scoped3A : memref<!tpu.dma_semaphore, #tpu.memory_space<semaphore_mem>>)
      %dma_wait3A_71 = tpu.memref_slice %arg2[%add3A_10] : memref<320000xi32, #tpu.memory_space<hbm>> -> memref<80xi32, #tpu.memory_space<hbm>>
      %dma_wait3A_72 = tpu.memref_slice %arg2[%add3A_10] : memref<320000xi32, #tpu.memory_space<hbm>> -> memref<80xi32, #tpu.memory_space<hbm>>
      tpu.wait_dma2 semaphore(%run_scoped3A : memref<!tpu.dma_semaphore, #tpu.memory_space<semaphore_mem>>) src(%dma_wait3A_72 : memref<80xi32, #tpu.memory_space<hbm>>) dst(%arg8 : memref<80xi32, #tpu.memory_space<vmem>>)
      tpu.yield
    }) : () -> ()
    %dma_start3A_11 = arith.constant 0 : i32
    %dma_start3A_12 = arith.constant 0 : i32
    %dma_start3A_13 = tpu.memref_slice %arg4[%dma_start3A_11, %dma_start3A_12] : memref<10000x128xf32, #tpu.memory_space<hbm>> -> memref<10000x128xf32, #tpu.memory_space<hbm>>
    tpu.enqueue_indirect_dma source(%dma_start3A_13 : memref<10000x128xf32, #tpu.memory_space<hbm>>) target(%arg16 : memref<80x128xf32, #tpu.memory_space<vmem>>) offsets(%arg8 : memref<80xi32, #tpu.memory_space<vmem>>) semaphore(%arg21 : memref<!tpu.dma_semaphore, #tpu.memory_space<semaphore_mem>>)
    %dma_start3A_14 = tpu.memref_slice %arg3[%add3A_10] : memref<320000xi32, #tpu.memory_space<hbm>> -> memref<80xi32, #tpu.memory_space<hbm>>
    %dma_start3A_15 = tpu.memref_slice %arg3[%add3A_10] : memref<320000xi32, #tpu.memory_space<hbm>> -> memref<80xi32, #tpu.memory_space<hbm>>
    tpu.enqueue_dma source(%dma_start3A_15 : memref<80xi32, #tpu.memory_space<hbm>>) target(%arg12 : memref<80xi32, #tpu.memory_space<vmem>>) target_semaphore(%arg25 : memref<!tpu.dma_semaphore, #tpu.memory_space<semaphore_mem>>)
    %add3A_16 = arith.constant 160 : i32
    %add3A_17 = arith.addi %mul3A_2, %add3A_16 : i32
    "tpu.region"() ({
      %run_scoped3A = tpu.sem_alloc : memref<!tpu.dma_semaphore, #tpu.memory_space<semaphore_mem>>
      %dma_start3A_69 = tpu.memref_slice %arg2[%add3A_17] : memref<320000xi32, #tpu.memory_space<hbm>> -> memref<80xi32, #tpu.memory_space<hbm>>
      %dma_start3A_70 = tpu.memref_slice %arg2[%add3A_17] : memref<320000xi32, #tpu.memory_space<hbm>> -> memref<80xi32, #tpu.memory_space<hbm>>
      tpu.enqueue_dma source(%dma_start3A_70 : memref<80xi32, #tpu.memory_space<hbm>>) target(%arg9 : memref<80xi32, #tpu.memory_space<vmem>>) target_semaphore(%run_scoped3A : memref<!tpu.dma_semaphore, #tpu.memory_space<semaphore_mem>>)
      %dma_wait3A_71 = tpu.memref_slice %arg2[%add3A_17] : memref<320000xi32, #tpu.memory_space<hbm>> -> memref<80xi32, #tpu.memory_space<hbm>>
      %dma_wait3A_72 = tpu.memref_slice %arg2[%add3A_17] : memref<320000xi32, #tpu.memory_space<hbm>> -> memref<80xi32, #tpu.memory_space<hbm>>
      tpu.wait_dma2 semaphore(%run_scoped3A : memref<!tpu.dma_semaphore, #tpu.memory_space<semaphore_mem>>) src(%dma_wait3A_72 : memref<80xi32, #tpu.memory_space<hbm>>) dst(%arg9 : memref<80xi32, #tpu.memory_space<vmem>>)
      tpu.yield
    }) : () -> ()
    %dma_start3A_18 = arith.constant 0 : i32
    %dma_start3A_19 = arith.constant 0 : i32
    %dma_start3A_20 = tpu.memref_slice %arg4[%dma_start3A_18, %dma_start3A_19] : memref<10000x128xf32, #tpu.memory_space<hbm>> -> memref<10000x128xf32, #tpu.memory_space<hbm>>
    tpu.enqueue_indirect_dma source(%dma_start3A_20 : memref<10000x128xf32, #tpu.memory_space<hbm>>) target(%arg17 : memref<80x128xf32, #tpu.memory_space<vmem>>) offsets(%arg9 : memref<80xi32, #tpu.memory_space<vmem>>) semaphore(%arg22 : memref<!tpu.dma_semaphore, #tpu.memory_space<semaphore_mem>>)
    %dma_start3A_21 = tpu.memref_slice %arg3[%add3A_17] : memref<320000xi32, #tpu.memory_space<hbm>> -> memref<80xi32, #tpu.memory_space<hbm>>
    %dma_start3A_22 = tpu.memref_slice %arg3[%add3A_17] : memref<320000xi32, #tpu.memory_space<hbm>> -> memref<80xi32, #tpu.memory_space<hbm>>
    tpu.enqueue_dma source(%dma_start3A_22 : memref<80xi32, #tpu.memory_space<hbm>>) target(%arg13 : memref<80xi32, #tpu.memory_space<vmem>>) target_semaphore(%arg26 : memref<!tpu.dma_semaphore, #tpu.memory_space<semaphore_mem>>)
    %add3A_23 = arith.constant 240 : i32
    %add3A_24 = arith.addi %mul3A_2, %add3A_23 : i32
    "tpu.region"() ({
      %run_scoped3A = tpu.sem_alloc : memref<!tpu.dma_semaphore, #tpu.memory_space<semaphore_mem>>
      %dma_start3A_69 = tpu.memref_slice %arg2[%add3A_24] : memref<320000xi32, #tpu.memory_space<hbm>> -> memref<80xi32, #tpu.memory_space<hbm>>
      %dma_start3A_70 = tpu.memref_slice %arg2[%add3A_24] : memref<320000xi32, #tpu.memory_space<hbm>> -> memref<80xi32, #tpu.memory_space<hbm>>
      tpu.enqueue_dma source(%dma_start3A_70 : memref<80xi32, #tpu.memory_space<hbm>>) target(%arg10 : memref<80xi32, #tpu.memory_space<vmem>>) target_semaphore(%run_scoped3A : memref<!tpu.dma_semaphore, #tpu.memory_space<semaphore_mem>>)
      %dma_wait3A_71 = tpu.memref_slice %arg2[%add3A_24] : memref<320000xi32, #tpu.memory_space<hbm>> -> memref<80xi32, #tpu.memory_space<hbm>>
      %dma_wait3A_72 = tpu.memref_slice %arg2[%add3A_24] : memref<320000xi32, #tpu.memory_space<hbm>> -> memref<80xi32, #tpu.memory_space<hbm>>
      tpu.wait_dma2 semaphore(%run_scoped3A : memref<!tpu.dma_semaphore, #tpu.memory_space<semaphore_mem>>) src(%dma_wait3A_72 : memref<80xi32, #tpu.memory_space<hbm>>) dst(%arg10 : memref<80xi32, #tpu.memory_space<vmem>>)
      tpu.yield
    }) : () -> ()
    %dma_start3A_25 = arith.constant 0 : i32
    %dma_start3A_26 = arith.constant 0 : i32
    %dma_start3A_27 = tpu.memref_slice %arg4[%dma_start3A_25, %dma_start3A_26] : memref<10000x128xf32, #tpu.memory_space<hbm>> -> memref<10000x128xf32, #tpu.memory_space<hbm>>
    tpu.enqueue_indirect_dma source(%dma_start3A_27 : memref<10000x128xf32, #tpu.memory_space<hbm>>) target(%arg18 : memref<80x128xf32, #tpu.memory_space<vmem>>) offsets(%arg10 : memref<80xi32, #tpu.memory_space<vmem>>) semaphore(%arg23 : memref<!tpu.dma_semaphore, #tpu.memory_space<semaphore_mem>>)
    %dma_start3A_28 = tpu.memref_slice %arg3[%add3A_24] : memref<320000xi32, #tpu.memory_space<hbm>> -> memref<80xi32, #tpu.memory_space<hbm>>
    %dma_start3A_29 = tpu.memref_slice %arg3[%add3A_24] : memref<320000xi32, #tpu.memory_space<hbm>> -> memref<80xi32, #tpu.memory_space<hbm>>
    tpu.enqueue_dma source(%dma_start3A_29 : memref<80xi32, #tpu.memory_space<hbm>>) target(%arg14 : memref<80xi32, #tpu.memory_space<vmem>>) target_semaphore(%arg27 : memref<!tpu.dma_semaphore, #tpu.memory_space<semaphore_mem>>)
    %mul3A_30 = arith.constant 640 : i32
    %mul3A_31 = arith.muli %arg1, %mul3A_30 : i32
    %mul3A_32 = arith.constant 640 : i32
    %mul3A_33 = arith.muli %arg1, %mul3A_32 : i32
    "tpu.region"() ({
      %run_scoped3A = tpu.sem_alloc : memref<!tpu.dma_semaphore, #tpu.memory_space<semaphore_mem>>
      %dma_start3A_69 = arith.constant 0 : i32
      %dma_start3A_70 = tpu.memref_slice %arg19[%mul3A_33, %dma_start3A_69] : memref<10240x128xf32, #tpu.memory_space<vmem_shared>> -> memref<640x128xf32, #tpu.memory_space<vmem_shared>>
      %dma_start3A_71 = arith.constant 0 : i32
      %dma_start3A_72 = tpu.memref_slice %arg5[%mul3A_31, %dma_start3A_71] : memref<10240x128xf32, #tpu.memory_space<hbm>> -> memref<640x128xf32, #tpu.memory_space<hbm>>
      tpu.enqueue_dma source(%dma_start3A_72 : memref<640x128xf32, #tpu.memory_space<hbm>>) target(%dma_start3A_70 : memref<640x128xf32, #tpu.memory_space<vmem_shared>>) target_semaphore(%run_scoped3A : memref<!tpu.dma_semaphore, #tpu.memory_space<semaphore_mem>>)
      %dma_wait3A_73 = arith.constant 0 : i32
      %dma_wait3A_74 = tpu.memref_slice %arg19[%mul3A_33, %dma_wait3A_73] : memref<10240x128xf32, #tpu.memory_space<vmem_shared>> -> memref<640x128xf32, #tpu.memory_space<vmem_shared>>
      %dma_wait3A_75 = arith.constant 0 : i32
      %dma_wait3A_76 = tpu.memref_slice %arg5[%mul3A_31, %dma_wait3A_75] : memref<10240x128xf32, #tpu.memory_space<hbm>> -> memref<640x128xf32, #tpu.memory_space<hbm>>
      tpu.wait_dma2 semaphore(%run_scoped3A : memref<!tpu.dma_semaphore, #tpu.memory_space<semaphore_mem>>) src(%dma_wait3A_76 : memref<640x128xf32, #tpu.memory_space<hbm>>) dst(%dma_wait3A_74 : memref<640x128xf32, #tpu.memory_space<vmem_shared>>)
      tpu.yield
    }) : () -> ()
    %barrier3A = arith.constant 0 : index
    tpu.barrier barrier_id(%barrier3A)
    %scan3A = arith.constant 0 : i32
    %scan3A_34 = arith.constant 0 : i32
    %scan3A_35 = arith.constant 31 : i32
    %scan3A_36 = arith.addi %scan3A_34, %scan3A_35 : i32
    %scan3A_37 = arith.constant 1 : i32
    scf.for %scan3A_69 = %scan3A_34 to %scan3A_36 step %scan3A_37  : i32 {
      %dma_wait3A_70 = arith.constant 0 : i32
      %dma_wait3A_71 = arith.constant 0 : i32
      %dma_wait3A_72 = tpu.memref_slice %arg4[%dma_wait3A_70, %dma_wait3A_71] : memref<10000x128xf32, #tpu.memory_space<hbm>> -> memref<10000x128xf32, #tpu.memory_space<hbm>>
      tpu.wait_indirect_dma semaphore(%arg20 : memref<!tpu.dma_semaphore, #tpu.memory_space<semaphore_mem>>) src(%dma_wait3A_72 : memref<10000x128xf32, #tpu.memory_space<hbm>>) dst(%arg15 : memref<80x128xf32, #tpu.memory_space<vmem>>)
      %lt3A = arith.constant 30 : i32
      %lt3A_73 = arith.cmpi slt, %scan3A_69, %lt3A : i32
      %convert_element_type3A = arith.extui %lt3A_73 : i1 to i32
      %cond3A = arith.constant 0 : i32
      %cond3A_74 = arith.cmpi ne, %convert_element_type3A, %cond3A : i32
      scf.if %cond3A_74 {
        %add3A_124 = arith.constant 1 : i32
        %add3A_125 = arith.addi %scan3A_69, %add3A_124 : i32
        %mul3A_126 = arith.constant 4 : i32
        %mul3A_127 = arith.muli %add3A_125, %mul3A_126 : i32
        %add3A_128 = arith.constant 0 : i32
        %add3A_129 = arith.addi %mul3A_127, %add3A_128 : i32
        %mul3A_130 = arith.constant 80 : i32
        %mul3A_131 = arith.muli %add3A_129, %mul3A_130 : i32
        %add3A_132 = arith.addi %mul3A_2, %mul3A_131 : i32
        %dma_start3A_133 = tpu.memref_slice %arg2[%add3A_132] : memref<320000xi32, #tpu.memory_space<hbm>> -> memref<80xi32, #tpu.memory_space<hbm>>
        %dma_start3A_134 = tpu.memref_slice %arg2[%add3A_132] : memref<320000xi32, #tpu.memory_space<hbm>> -> memref<80xi32, #tpu.memory_space<hbm>>
        tpu.enqueue_dma source(%dma_start3A_134 : memref<80xi32, #tpu.memory_space<hbm>>) target(%arg7 : memref<80xi32, #tpu.memory_space<vmem>>) target_semaphore(%arg32 : memref<!tpu.dma_semaphore, #tpu.memory_space<semaphore_mem>>)
      } else {
      }
      %dma_wait3A_75 = tpu.memref_slice %arg3[%mul3A_2] : memref<320000xi32, #tpu.memory_space<hbm>> -> memref<80xi32, #tpu.memory_space<hbm>>
      %dma_wait3A_76 = tpu.memref_slice %arg3[%mul3A_2] : memref<320000xi32, #tpu.memory_space<hbm>> -> memref<80xi32, #tpu.memory_space<hbm>>
      tpu.wait_dma2 semaphore(%arg24 : memref<!tpu.dma_semaphore, #tpu.memory_space<semaphore_mem>>) src(%dma_wait3A_76 : memref<80xi32, #tpu.memory_space<hbm>>) dst(%arg11 : memref<80xi32, #tpu.memory_space<vmem>>)
      %dma_start3A_77 = arith.constant 0 : i32
      %dma_start3A_78 = arith.constant 0 : i32
      %dma_start3A_79 = tpu.memref_slice %arg19[%dma_start3A_77, %dma_start3A_78] : memref<10240x128xf32, #tpu.memory_space<vmem_shared>> -> memref<10240x128xf32, #tpu.memory_space<vmem_shared>>
      tpu.enqueue_indirect_dma source(%arg15 : memref<80x128xf32, #tpu.memory_space<vmem>>) target(%dma_start3A_79 : memref<10240x128xf32, #tpu.memory_space<vmem_shared>>) offsets(%arg11 : memref<80xi32, #tpu.memory_space<vmem>>) semaphore(%arg28 : memref<!tpu.dma_semaphore, #tpu.memory_space<semaphore_mem>>) {add = true}
      %dma_wait3A_80 = arith.constant 0 : i32
      %dma_wait3A_81 = arith.constant 0 : i32
      %dma_wait3A_82 = tpu.memref_slice %arg4[%dma_wait3A_80, %dma_wait3A_81] : memref<10000x128xf32, #tpu.memory_space<hbm>> -> memref<10000x128xf32, #tpu.memory_space<hbm>>
      tpu.wait_indirect_dma semaphore(%arg21 : memref<!tpu.dma_semaphore, #tpu.memory_space<semaphore_mem>>) src(%dma_wait3A_82 : memref<10000x128xf32, #tpu.memory_space<hbm>>) dst(%arg16 : memref<80x128xf32, #tpu.memory_space<vmem>>)
      %lt3A_83 = arith.constant 30 : i32
      %lt3A_84 = arith.cmpi slt, %scan3A_69, %lt3A_83 : i32
      %convert_element_type3A_85 = arith.extui %lt3A_84 : i1 to i32
      %cond3A_86 = arith.constant 0 : i32
      %cond3A_87 = arith.cmpi ne, %convert_element_type3A_85, %cond3A_86 : i32
      scf.if %cond3A_87 {
        %add3A_124 = arith.constant 1 : i32
        %add3A_125 = arith.addi %scan3A_69, %add3A_124 : i32
        %mul3A_126 = arith.constant 4 : i32
        %mul3A_127 = arith.muli %add3A_125, %mul3A_126 : i32
        %add3A_128 = arith.constant 1 : i32
        %add3A_129 = arith.addi %mul3A_127, %add3A_128 : i32
        %mul3A_130 = arith.constant 80 : i32
        %mul3A_131 = arith.muli %add3A_129, %mul3A_130 : i32
        %add3A_132 = arith.addi %mul3A_2, %mul3A_131 : i32
        %dma_start3A_133 = tpu.memref_slice %arg2[%add3A_132] : memref<320000xi32, #tpu.memory_space<hbm>> -> memref<80xi32, #tpu.memory_space<hbm>>
        %dma_start3A_134 = tpu.memref_slice %arg2[%add3A_132] : memref<320000xi32, #tpu.memory_space<hbm>> -> memref<80xi32, #tpu.memory_space<hbm>>
        tpu.enqueue_dma source(%dma_start3A_134 : memref<80xi32, #tpu.memory_space<hbm>>) target(%arg8 : memref<80xi32, #tpu.memory_space<vmem>>) target_semaphore(%arg33 : memref<!tpu.dma_semaphore, #tpu.memory_space<semaphore_mem>>)
      } else {
      }
      %dma_wait3A_88 = tpu.memref_slice %arg3[%mul3A_2] : memref<320000xi32, #tpu.memory_space<hbm>> -> memref<80xi32, #tpu.memory_space<hbm>>
      %dma_wait3A_89 = tpu.memref_slice %arg3[%mul3A_2] : memref<320000xi32, #tpu.memory_space<hbm>> -> memref<80xi32, #tpu.memory_space<hbm>>
      tpu.wait_dma2 semaphore(%arg25 : memref<!tpu.dma_semaphore, #tpu.memory_space<semaphore_mem>>) src(%dma_wait3A_89 : memref<80xi32, #tpu.memory_space<hbm>>) dst(%arg12 : memref<80xi32, #tpu.memory_space<vmem>>)
      %dma_start3A_90 = arith.constant 0 : i32
      %dma_start3A_91 = arith.constant 0 : i32
      %dma_start3A_92 = tpu.memref_slice %arg19[%dma_start3A_90, %dma_start3A_91] : memref<10240x128xf32, #tpu.memory_space<vmem_shared>> -> memref<10240x128xf32, #tpu.memory_space<vmem_shared>>
      tpu.enqueue_indirect_dma source(%arg16 : memref<80x128xf32, #tpu.memory_space<vmem>>) target(%dma_start3A_92 : memref<10240x128xf32, #tpu.memory_space<vmem_shared>>) offsets(%arg12 : memref<80xi32, #tpu.memory_space<vmem>>) semaphore(%arg29 : memref<!tpu.dma_semaphore, #tpu.memory_space<semaphore_mem>>) {add = true}
      %dma_wait3A_93 = arith.constant 0 : i32
      %dma_wait3A_94 = arith.constant 0 : i32
      %dma_wait3A_95 = tpu.memref_slice %arg4[%dma_wait3A_93, %dma_wait3A_94] : memref<10000x128xf32, #tpu.memory_space<hbm>> -> memref<10000x128xf32, #tpu.memory_space<hbm>>
      tpu.wait_indirect_dma semaphore(%arg22 : memref<!tpu.dma_semaphore, #tpu.memory_space<semaphore_mem>>) src(%dma_wait3A_95 : memref<10000x128xf32, #tpu.memory_space<hbm>>) dst(%arg17 : memref<80x128xf32, #tpu.memory_space<vmem>>)
      %lt3A_96 = arith.constant 30 : i32
      %lt3A_97 = arith.cmpi slt, %scan3A_69, %lt3A_96 : i32
      %convert_element_type3A_98 = arith.extui %lt3A_97 : i1 to i32
      %cond3A_99 = arith.constant 0 : i32
      %cond3A_100 = arith.cmpi ne, %convert_element_type3A_98, %cond3A_99 : i32
      scf.if %cond3A_100 {
        %add3A_124 = arith.constant 1 : i32
        %add3A_125 = arith.addi %scan3A_69, %add3A_124 : i32
        %mul3A_126 = arith.constant 4 : i32
        %mul3A_127 = arith.muli %add3A_125, %mul3A_126 : i32
        %add3A_128 = arith.constant 2 : i32
        %add3A_129 = arith.addi %mul3A_127, %add3A_128 : i32
        %mul3A_130 = arith.constant 80 : i32
        %mul3A_131 = arith.muli %add3A_129, %mul3A_130 : i32
        %add3A_132 = arith.addi %mul3A_2, %mul3A_131 : i32
        %dma_start3A_133 = tpu.memref_slice %arg2[%add3A_132] : memref<320000xi32, #tpu.memory_space<hbm>> -> memref<80xi32, #tpu.memory_space<hbm>>
        %dma_start3A_134 = tpu.memref_slice %arg2[%add3A_132] : memref<320000xi32, #tpu.memory_space<hbm>> -> memref<80xi32, #tpu.memory_space<hbm>>
        tpu.enqueue_dma source(%dma_start3A_134 : memref<80xi32, #tpu.memory_space<hbm>>) target(%arg9 : memref<80xi32, #tpu.memory_space<vmem>>) target_semaphore(%arg34 : memref<!tpu.dma_semaphore, #tpu.memory_space<semaphore_mem>>)
      } else {
      }
      %dma_wait3A_101 = tpu.memref_slice %arg3[%mul3A_2] : memref<320000xi32, #tpu.memory_space<hbm>> -> memref<80xi32, #tpu.memory_space<hbm>>
      %dma_wait3A_102 = tpu.memref_slice %arg3[%mul3A_2] : memref<320000xi32, #tpu.memory_space<hbm>> -> memref<80xi32, #tpu.memory_space<hbm>>
      tpu.wait_dma2 semaphore(%arg26 : memref<!tpu.dma_semaphore, #tpu.memory_space<semaphore_mem>>) src(%dma_wait3A_102 : memref<80xi32, #tpu.memory_space<hbm>>) dst(%arg13 : memref<80xi32, #tpu.memory_space<vmem>>)
      %dma_start3A_103 = arith.constant 0 : i32
      %dma_start3A_104 = arith.constant 0 : i32
      %dma_start3A_105 = tpu.memref_slice %arg19[%dma_start3A_103, %dma_start3A_104] : memref<10240x128xf32, #tpu.memory_space<vmem_shared>> -> memref<10240x128xf32, #tpu.memory_space<vmem_shared>>
      tpu.enqueue_indirect_dma source(%arg17 : memref<80x128xf32, #tpu.memory_space<vmem>>) target(%dma_start3A_105 : memref<10240x128xf32, #tpu.memory_space<vmem_shared>>) offsets(%arg13 : memref<80xi32, #tpu.memory_space<vmem>>) semaphore(%arg30 : memref<!tpu.dma_semaphore, #tpu.memory_space<semaphore_mem>>) {add = true}
      %dma_wait3A_106 = arith.constant 0 : i32
      %dma_wait3A_107 = arith.constant 0 : i32
      %dma_wait3A_108 = tpu.memref_slice %arg4[%dma_wait3A_106, %dma_wait3A_107] : memref<10000x128xf32, #tpu.memory_space<hbm>> -> memref<10000x128xf32, #tpu.memory_space<hbm>>
      tpu.wait_indirect_dma semaphore(%arg23 : memref<!tpu.dma_semaphore, #tpu.memory_space<semaphore_mem>>) src(%dma_wait3A_108 : memref<10000x128xf32, #tpu.memory_space<hbm>>) dst(%arg18 : memref<80x128xf32, #tpu.memory_space<vmem>>)
      %lt3A_109 = arith.constant 30 : i32
      %lt3A_110 = arith.cmpi slt, %scan3A_69, %lt3A_109 : i32
      %convert_element_type3A_111 = arith.extui %lt3A_110 : i1 to i32
      %cond3A_112 = arith.constant 0 : i32
      %cond3A_113 = arith.cmpi ne, %convert_element_type3A_111, %cond3A_112 : i32
      scf.if %cond3A_113 {
        %add3A_124 = arith.constant 1 : i32
        %add3A_125 = arith.addi %scan3A_69, %add3A_124 : i32
        %mul3A_126 = arith.constant 4 : i32
        %mul3A_127 = arith.muli %add3A_125, %mul3A_126 : i32
        %add3A_128 = arith.constant 3 : i32
        %add3A_129 = arith.addi %mul3A_127, %add3A_128 : i32
        %mul3A_130 = arith.constant 80 : i32
        %mul3A_131 = arith.muli %add3A_129, %mul3A_130 : i32
        %add3A_132 = arith.addi %mul3A_2, %mul3A_131 : i32
        %dma_start3A_133 = tpu.memref_slice %arg2[%add3A_132] : memref<320000xi32, #tpu.memory_space<hbm>> -> memref<80xi32, #tpu.memory_space<hbm>>
        %dma_start3A_134 = tpu.memref_slice %arg2[%add3A_132] : memref<320000xi32, #tpu.memory_space<hbm>> -> memref<80xi32, #tpu.memory_space<hbm>>
        tpu.enqueue_dma source(%dma_start3A_134 : memref<80xi32, #tpu.memory_space<hbm>>) target(%arg10 : memref<80xi32, #tpu.memory_space<vmem>>) target_semaphore(%arg35 : memref<!tpu.dma_semaphore, #tpu.memory_space<semaphore_mem>>)
      } else {
      }
      %dma_wait3A_114 = tpu.memref_slice %arg3[%mul3A_2] : memref<320000xi32, #tpu.memory_space<hbm>> -> memref<80xi32, #tpu.memory_space<hbm>>
      %dma_wait3A_115 = tpu.memref_slice %arg3[%mul3A_2] : memref<320000xi32, #tpu.memory_space<hbm>> -> memref<80xi32, #tpu.memory_space<hbm>>
      tpu.wait_dma2 semaphore(%arg27 : memref<!tpu.dma_semaphore, #tpu.memory_space<semaphore_mem>>) src(%dma_wait3A_115 : memref<80xi32, #tpu.memory_space<hbm>>) dst(%arg14 : memref<80xi32, #tpu.memory_space<vmem>>)
      %dma_start3A_116 = arith.constant 0 : i32
      %dma_start3A_117 = arith.constant 0 : i32
      %dma_start3A_118 = tpu.memref_slice %arg19[%dma_start3A_116, %dma_start3A_117] : memref<10240x128xf32, #tpu.memory_space<vmem_shared>> -> memref<10240x128xf32, #tpu.memory_space<vmem_shared>>
      tpu.enqueue_indirect_dma source(%arg18 : memref<80x128xf32, #tpu.memory_space<vmem>>) target(%dma_start3A_118 : memref<10240x128xf32, #tpu.memory_space<vmem_shared>>) offsets(%arg14 : memref<80xi32, #tpu.memory_space<vmem>>) semaphore(%arg31 : memref<!tpu.dma_semaphore, #tpu.memory_space<semaphore_mem>>) {add = true}
      %lt3A_119 = arith.constant 30 : i32
      %lt3A_120 = arith.cmpi slt, %scan3A_69, %lt3A_119 : i32
      %convert_element_type3A_121 = arith.extui %lt3A_120 : i1 to i32
      %cond3A_122 = arith.constant 0 : i32
      %cond3A_123 = arith.cmpi ne, %convert_element_type3A_121, %cond3A_122 : i32
      scf.if %cond3A_123 {
        %add3A_124 = arith.constant 1 : i32
        %add3A_125 = arith.addi %scan3A_69, %add3A_124 : i32
        %mul3A_126 = arith.constant 4 : i32
        %mul3A_127 = arith.muli %add3A_125, %mul3A_126 : i32
        %add3A_128 = arith.constant 0 : i32
        %add3A_129 = arith.addi %mul3A_127, %add3A_128 : i32
        %mul3A_130 = arith.constant 80 : i32
        %mul3A_131 = arith.muli %add3A_129, %mul3A_130 : i32
        %add3A_132 = arith.addi %mul3A_2, %mul3A_131 : i32
        %dma_wait3A_133 = tpu.memref_slice %arg2[%add3A_132] : memref<320000xi32, #tpu.memory_space<hbm>> -> memref<80xi32, #tpu.memory_space<hbm>>
        %dma_wait3A_134 = tpu.memref_slice %arg2[%add3A_132] : memref<320000xi32, #tpu.memory_space<hbm>> -> memref<80xi32, #tpu.memory_space<hbm>>
        tpu.wait_dma2 semaphore(%arg32 : memref<!tpu.dma_semaphore, #tpu.memory_space<semaphore_mem>>) src(%dma_wait3A_134 : memref<80xi32, #tpu.memory_space<hbm>>) dst(%arg7 : memref<80xi32, #tpu.memory_space<vmem>>)
        %dma_wait3A_135 = arith.constant 0 : i32
        %dma_wait3A_136 = arith.constant 0 : i32
        %dma_wait3A_137 = tpu.memref_slice %arg19[%dma_wait3A_135, %dma_wait3A_136] : memref<10240x128xf32, #tpu.memory_space<vmem_shared>> -> memref<10240x128xf32, #tpu.memory_space<vmem_shared>>
        tpu.wait_indirect_dma semaphore(%arg28 : memref<!tpu.dma_semaphore, #tpu.memory_space<semaphore_mem>>) src(%arg15 : memref<80x128xf32, #tpu.memory_space<vmem>>) dst(%dma_wait3A_137 : memref<10240x128xf32, #tpu.memory_space<vmem_shared>>)
        %dma_start3A_138 = arith.constant 0 : i32
        %dma_start3A_139 = arith.constant 0 : i32
        %dma_start3A_140 = tpu.memref_slice %arg4[%dma_start3A_138, %dma_start3A_139] : memref<10000x128xf32, #tpu.memory_space<hbm>> -> memref<10000x128xf32, #tpu.memory_space<hbm>>
        tpu.enqueue_indirect_dma source(%dma_start3A_140 : memref<10000x128xf32, #tpu.memory_space<hbm>>) target(%arg15 : memref<80x128xf32, #tpu.memory_space<vmem>>) offsets(%arg7 : memref<80xi32, #tpu.memory_space<vmem>>) semaphore(%arg20 : memref<!tpu.dma_semaphore, #tpu.memory_space<semaphore_mem>>)
        %dma_start3A_141 = tpu.memref_slice %arg3[%add3A_132] : memref<320000xi32, #tpu.memory_space<hbm>> -> memref<80xi32, #tpu.memory_space<hbm>>
        %dma_start3A_142 = tpu.memref_slice %arg3[%add3A_132] : memref<320000xi32, #tpu.memory_space<hbm>> -> memref<80xi32, #tpu.memory_space<hbm>>
        tpu.enqueue_dma source(%dma_start3A_142 : memref<80xi32, #tpu.memory_space<hbm>>) target(%arg11 : memref<80xi32, #tpu.memory_space<vmem>>) target_semaphore(%arg24 : memref<!tpu.dma_semaphore, #tpu.memory_space<semaphore_mem>>)
        %add3A_143 = arith.constant 1 : i32
        %add3A_144 = arith.addi %scan3A_69, %add3A_143 : i32
        %mul3A_145 = arith.constant 4 : i32
        %mul3A_146 = arith.muli %add3A_144, %mul3A_145 : i32
        %add3A_147 = arith.constant 1 : i32
        %add3A_148 = arith.addi %mul3A_146, %add3A_147 : i32
        %mul3A_149 = arith.constant 80 : i32
        %mul3A_150 = arith.muli %add3A_148, %mul3A_149 : i32
        %add3A_151 = arith.addi %mul3A_2, %mul3A_150 : i32
        %dma_wait3A_152 = tpu.memref_slice %arg2[%add3A_151] : memref<320000xi32, #tpu.memory_space<hbm>> -> memref<80xi32, #tpu.memory_space<hbm>>
        %dma_wait3A_153 = tpu.memref_slice %arg2[%add3A_151] : memref<320000xi32, #tpu.memory_space<hbm>> -> memref<80xi32, #tpu.memory_space<hbm>>
        tpu.wait_dma2 semaphore(%arg33 : memref<!tpu.dma_semaphore, #tpu.memory_space<semaphore_mem>>) src(%dma_wait3A_153 : memref<80xi32, #tpu.memory_space<hbm>>) dst(%arg8 : memref<80xi32, #tpu.memory_space<vmem>>)
        %dma_wait3A_154 = arith.constant 0 : i32
        %dma_wait3A_155 = arith.constant 0 : i32
        %dma_wait3A_156 = tpu.memref_slice %arg19[%dma_wait3A_154, %dma_wait3A_155] : memref<10240x128xf32, #tpu.memory_space<vmem_shared>> -> memref<10240x128xf32, #tpu.memory_space<vmem_shared>>
        tpu.wait_indirect_dma semaphore(%arg29 : memref<!tpu.dma_semaphore, #tpu.memory_space<semaphore_mem>>) src(%arg16 : memref<80x128xf32, #tpu.memory_space<vmem>>) dst(%dma_wait3A_156 : memref<10240x128xf32, #tpu.memory_space<vmem_shared>>)
        %dma_start3A_157 = arith.constant 0 : i32
        %dma_start3A_158 = arith.constant 0 : i32
        %dma_start3A_159 = tpu.memref_slice %arg4[%dma_start3A_157, %dma_start3A_158] : memref<10000x128xf32, #tpu.memory_space<hbm>> -> memref<10000x128xf32, #tpu.memory_space<hbm>>
        tpu.enqueue_indirect_dma source(%dma_start3A_159 : memref<10000x128xf32, #tpu.memory_space<hbm>>) target(%arg16 : memref<80x128xf32, #tpu.memory_space<vmem>>) offsets(%arg8 : memref<80xi32, #tpu.memory_space<vmem>>) semaphore(%arg21 : memref<!tpu.dma_semaphore, #tpu.memory_space<semaphore_mem>>)
        %dma_start3A_160 = tpu.memref_slice %arg3[%add3A_151] : memref<320000xi32, #tpu.memory_space<hbm>> -> memref<80xi32, #tpu.memory_space<hbm>>
        %dma_start3A_161 = tpu.memref_slice %arg3[%add3A_151] : memref<320000xi32, #tpu.memory_space<hbm>> -> memref<80xi32, #tpu.memory_space<hbm>>
        tpu.enqueue_dma source(%dma_start3A_161 : memref<80xi32, #tpu.memory_space<hbm>>) target(%arg12 : memref<80xi32, #tpu.memory_space<vmem>>) target_semaphore(%arg25 : memref<!tpu.dma_semaphore, #tpu.memory_space<semaphore_mem>>)
        %add3A_162 = arith.constant 1 : i32
        %add3A_163 = arith.addi %scan3A_69, %add3A_162 : i32
        %mul3A_164 = arith.constant 4 : i32
        %mul3A_165 = arith.muli %add3A_163, %mul3A_164 : i32
        %add3A_166 = arith.constant 2 : i32
        %add3A_167 = arith.addi %mul3A_165, %add3A_166 : i32
        %mul3A_168 = arith.constant 80 : i32
        %mul3A_169 = arith.muli %add3A_167, %mul3A_168 : i32
        %add3A_170 = arith.addi %mul3A_2, %mul3A_169 : i32
        %dma_wait3A_171 = tpu.memref_slice %arg2[%add3A_170] : memref<320000xi32, #tpu.memory_space<hbm>> -> memref<80xi32, #tpu.memory_space<hbm>>
        %dma_wait3A_172 = tpu.memref_slice %arg2[%add3A_170] : memref<320000xi32, #tpu.memory_space<hbm>> -> memref<80xi32, #tpu.memory_space<hbm>>
        tpu.wait_dma2 semaphore(%arg34 : memref<!tpu.dma_semaphore, #tpu.memory_space<semaphore_mem>>) src(%dma_wait3A_172 : memref<80xi32, #tpu.memory_space<hbm>>) dst(%arg9 : memref<80xi32, #tpu.memory_space<vmem>>)
        %dma_wait3A_173 = arith.constant 0 : i32
        %dma_wait3A_174 = arith.constant 0 : i32
        %dma_wait3A_175 = tpu.memref_slice %arg19[%dma_wait3A_173, %dma_wait3A_174] : memref<10240x128xf32, #tpu.memory_space<vmem_shared>> -> memref<10240x128xf32, #tpu.memory_space<vmem_shared>>
        tpu.wait_indirect_dma semaphore(%arg30 : memref<!tpu.dma_semaphore, #tpu.memory_space<semaphore_mem>>) src(%arg17 : memref<80x128xf32, #tpu.memory_space<vmem>>) dst(%dma_wait3A_175 : memref<10240x128xf32, #tpu.memory_space<vmem_shared>>)
        %dma_start3A_176 = arith.constant 0 : i32
        %dma_start3A_177 = arith.constant 0 : i32
        %dma_start3A_178 = tpu.memref_slice %arg4[%dma_start3A_176, %dma_start3A_177] : memref<10000x128xf32, #tpu.memory_space<hbm>> -> memref<10000x128xf32, #tpu.memory_space<hbm>>
        tpu.enqueue_indirect_dma source(%dma_start3A_178 : memref<10000x128xf32, #tpu.memory_space<hbm>>) target(%arg17 : memref<80x128xf32, #tpu.memory_space<vmem>>) offsets(%arg9 : memref<80xi32, #tpu.memory_space<vmem>>) semaphore(%arg22 : memref<!tpu.dma_semaphore, #tpu.memory_space<semaphore_mem>>)
        %dma_start3A_179 = tpu.memref_slice %arg3[%add3A_170] : memref<320000xi32, #tpu.memory_space<hbm>> -> memref<80xi32, #tpu.memory_space<hbm>>
        %dma_start3A_180 = tpu.memref_slice %arg3[%add3A_170] : memref<320000xi32, #tpu.memory_space<hbm>> -> memref<80xi32, #tpu.memory_space<hbm>>
        tpu.enqueue_dma source(%dma_start3A_180 : memref<80xi32, #tpu.memory_space<hbm>>) target(%arg13 : memref<80xi32, #tpu.memory_space<vmem>>) target_semaphore(%arg26 : memref<!tpu.dma_semaphore, #tpu.memory_space<semaphore_mem>>)
        %add3A_181 = arith.constant 1 : i32
        %add3A_182 = arith.addi %scan3A_69, %add3A_181 : i32
        %mul3A_183 = arith.constant 4 : i32
        %mul3A_184 = arith.muli %add3A_182, %mul3A_183 : i32
        %add3A_185 = arith.constant 3 : i32
        %add3A_186 = arith.addi %mul3A_184, %add3A_185 : i32
        %mul3A_187 = arith.constant 80 : i32
        %mul3A_188 = arith.muli %add3A_186, %mul3A_187 : i32
        %add3A_189 = arith.addi %mul3A_2, %mul3A_188 : i32
        %dma_wait3A_190 = tpu.memref_slice %arg2[%add3A_189] : memref<320000xi32, #tpu.memory_space<hbm>> -> memref<80xi32, #tpu.memory_space<hbm>>
        %dma_wait3A_191 = tpu.memref_slice %arg2[%add3A_189] : memref<320000xi32, #tpu.memory_space<hbm>> -> memref<80xi32, #tpu.memory_space<hbm>>
        tpu.wait_dma2 semaphore(%arg35 : memref<!tpu.dma_semaphore, #tpu.memory_space<semaphore_mem>>) src(%dma_wait3A_191 : memref<80xi32, #tpu.memory_space<hbm>>) dst(%arg10 : memref<80xi32, #tpu.memory_space<vmem>>)
        %dma_wait3A_192 = arith.constant 0 : i32
        %dma_wait3A_193 = arith.constant 0 : i32
        %dma_wait3A_194 = tpu.memref_slice %arg19[%dma_wait3A_192, %dma_wait3A_193] : memref<10240x128xf32, #tpu.memory_space<vmem_shared>> -> memref<10240x128xf32, #tpu.memory_space<vmem_shared>>
        tpu.wait_indirect_dma semaphore(%arg31 : memref<!tpu.dma_semaphore, #tpu.memory_space<semaphore_mem>>) src(%arg18 : memref<80x128xf32, #tpu.memory_space<vmem>>) dst(%dma_wait3A_194 : memref<10240x128xf32, #tpu.memory_space<vmem_shared>>)
        %dma_start3A_195 = arith.constant 0 : i32
        %dma_start3A_196 = arith.constant 0 : i32
        %dma_start3A_197 = tpu.memref_slice %arg4[%dma_start3A_195, %dma_start3A_196] : memref<10000x128xf32, #tpu.memory_space<hbm>> -> memref<10000x128xf32, #tpu.memory_space<hbm>>
        tpu.enqueue_indirect_dma source(%dma_start3A_197 : memref<10000x128xf32, #tpu.memory_space<hbm>>) target(%arg18 : memref<80x128xf32, #tpu.memory_space<vmem>>) offsets(%arg10 : memref<80xi32, #tpu.memory_space<vmem>>) semaphore(%arg23 : memref<!tpu.dma_semaphore, #tpu.memory_space<semaphore_mem>>)
        %dma_start3A_198 = tpu.memref_slice %arg3[%add3A_189] : memref<320000xi32, #tpu.memory_space<hbm>> -> memref<80xi32, #tpu.memory_space<hbm>>
        %dma_start3A_199 = tpu.memref_slice %arg3[%add3A_189] : memref<320000xi32, #tpu.memory_space<hbm>> -> memref<80xi32, #tpu.memory_space<hbm>>
        tpu.enqueue_dma source(%dma_start3A_199 : memref<80xi32, #tpu.memory_space<hbm>>) target(%arg14 : memref<80xi32, #tpu.memory_space<vmem>>) target_semaphore(%arg27 : memref<!tpu.dma_semaphore, #tpu.memory_space<semaphore_mem>>)
      } else {
      }
    }
    %scan3A_38 = arith.constant 31 : i32
    %add3A_39 = arith.constant 9920 : i32
    %add3A_40 = arith.addi %mul3A_2, %add3A_39 : i32
    "tpu.region"() ({
      %run_scoped3A = tpu.sem_alloc : memref<!tpu.dma_semaphore, #tpu.memory_space<semaphore_mem>>
      %dma_start3A_69 = tpu.memref_slice %arg2[%add3A_40] : memref<320000xi32, #tpu.memory_space<hbm>> -> memref<80xi32, #tpu.memory_space<hbm>>
      %dma_start3A_70 = tpu.memref_slice %arg2[%add3A_40] : memref<320000xi32, #tpu.memory_space<hbm>> -> memref<80xi32, #tpu.memory_space<hbm>>
      tpu.enqueue_dma source(%dma_start3A_70 : memref<80xi32, #tpu.memory_space<hbm>>) target(%arg7 : memref<80xi32, #tpu.memory_space<vmem>>) target_semaphore(%run_scoped3A : memref<!tpu.dma_semaphore, #tpu.memory_space<semaphore_mem>>)
      %dma_wait3A_71 = tpu.memref_slice %arg2[%add3A_40] : memref<320000xi32, #tpu.memory_space<hbm>> -> memref<80xi32, #tpu.memory_space<hbm>>
      %dma_wait3A_72 = tpu.memref_slice %arg2[%add3A_40] : memref<320000xi32, #tpu.memory_space<hbm>> -> memref<80xi32, #tpu.memory_space<hbm>>
      tpu.wait_dma2 semaphore(%run_scoped3A : memref<!tpu.dma_semaphore, #tpu.memory_space<semaphore_mem>>) src(%dma_wait3A_72 : memref<80xi32, #tpu.memory_space<hbm>>) dst(%arg7 : memref<80xi32, #tpu.memory_space<vmem>>)
      tpu.yield
    }) : () -> ()
    %dma_wait3A = arith.constant 0 : i32
    %dma_wait3A_41 = arith.constant 0 : i32
    %dma_wait3A_42 = tpu.memref_slice %arg19[%dma_wait3A, %dma_wait3A_41] : memref<10240x128xf32, #tpu.memory_space<vmem_shared>> -> memref<10240x128xf32, #tpu.memory_space<vmem_shared>>
    tpu.wait_indirect_dma semaphore(%arg28 : memref<!tpu.dma_semaphore, #tpu.memory_space<semaphore_mem>>) src(%arg15 : memref<80x128xf32, #tpu.memory_space<vmem>>) dst(%dma_wait3A_42 : memref<10240x128xf32, #tpu.memory_space<vmem_shared>>)
    %dma_start3A_43 = arith.constant 0 : i32
    %dma_start3A_44 = arith.constant 0 : i32
    %dma_start3A_45 = tpu.memref_slice %arg4[%dma_start3A_43, %dma_start3A_44] : memref<10000x128xf32, #tpu.memory_space<hbm>> -> memref<10000x128xf32, #tpu.memory_space<hbm>>
    tpu.enqueue_indirect_dma source(%dma_start3A_45 : memref<10000x128xf32, #tpu.memory_space<hbm>>) target(%arg15 : memref<80x128xf32, #tpu.memory_space<vmem>>) offsets(%arg7 : memref<80xi32, #tpu.memory_space<vmem>>) semaphore(%arg20 : memref<!tpu.dma_semaphore, #tpu.memory_space<semaphore_mem>>)
    %dma_wait3A_46 = arith.constant 0 : i32
    %dma_wait3A_47 = arith.constant 0 : i32
    %dma_wait3A_48 = tpu.memref_slice %arg4[%dma_wait3A_46, %dma_wait3A_47] : memref<10000x128xf32, #tpu.memory_space<hbm>> -> memref<10000x128xf32, #tpu.memory_space<hbm>>
    tpu.wait_indirect_dma semaphore(%arg20 : memref<!tpu.dma_semaphore, #tpu.memory_space<semaphore_mem>>) src(%dma_wait3A_48 : memref<10000x128xf32, #tpu.memory_space<hbm>>) dst(%arg15 : memref<80x128xf32, #tpu.memory_space<vmem>>)
    "tpu.region"() ({
      %run_scoped3A = tpu.sem_alloc : memref<!tpu.dma_semaphore, #tpu.memory_space<semaphore_mem>>
      %dma_start3A_69 = tpu.memref_slice %arg3[%add3A_40] : memref<320000xi32, #tpu.memory_space<hbm>> -> memref<80xi32, #tpu.memory_space<hbm>>
      %dma_start3A_70 = tpu.memref_slice %arg3[%add3A_40] : memref<320000xi32, #tpu.memory_space<hbm>> -> memref<80xi32, #tpu.memory_space<hbm>>
      tpu.enqueue_dma source(%dma_start3A_70 : memref<80xi32, #tpu.memory_space<hbm>>) target(%arg11 : memref<80xi32, #tpu.memory_space<vmem>>) target_semaphore(%run_scoped3A : memref<!tpu.dma_semaphore, #tpu.memory_space<semaphore_mem>>)
      %dma_wait3A_71 = tpu.memref_slice %arg3[%add3A_40] : memref<320000xi32, #tpu.memory_space<hbm>> -> memref<80xi32, #tpu.memory_space<hbm>>
      %dma_wait3A_72 = tpu.memref_slice %arg3[%add3A_40] : memref<320000xi32, #tpu.memory_space<hbm>> -> memref<80xi32, #tpu.memory_space<hbm>>
      tpu.wait_dma2 semaphore(%run_scoped3A : memref<!tpu.dma_semaphore, #tpu.memory_space<semaphore_mem>>) src(%dma_wait3A_72 : memref<80xi32, #tpu.memory_space<hbm>>) dst(%arg11 : memref<80xi32, #tpu.memory_space<vmem>>)
      tpu.yield
    }) : () -> ()
    %dma_start3A_49 = arith.constant 0 : i32
    %dma_start3A_50 = arith.constant 0 : i32
    %dma_start3A_51 = tpu.memref_slice %arg19[%dma_start3A_49, %dma_start3A_50] : memref<10240x128xf32, #tpu.memory_space<vmem_shared>> -> memref<10240x128xf32, #tpu.memory_space<vmem_shared>>
    tpu.enqueue_indirect_dma source(%arg15 : memref<80x128xf32, #tpu.memory_space<vmem>>) target(%dma_start3A_51 : memref<10240x128xf32, #tpu.memory_space<vmem_shared>>) offsets(%arg11 : memref<80xi32, #tpu.memory_space<vmem>>) semaphore(%arg28 : memref<!tpu.dma_semaphore, #tpu.memory_space<semaphore_mem>>) {add = true}
    %dma_wait3A_52 = arith.constant 0 : i32
    %dma_wait3A_53 = arith.constant 0 : i32
    %dma_wait3A_54 = tpu.memref_slice %arg19[%dma_wait3A_52, %dma_wait3A_53] : memref<10240x128xf32, #tpu.memory_space<vmem_shared>> -> memref<10240x128xf32, #tpu.memory_space<vmem_shared>>
    tpu.wait_indirect_dma semaphore(%arg28 : memref<!tpu.dma_semaphore, #tpu.memory_space<semaphore_mem>>) src(%arg15 : memref<80x128xf32, #tpu.memory_space<vmem>>) dst(%dma_wait3A_54 : memref<10240x128xf32, #tpu.memory_space<vmem_shared>>)
    %dma_wait3A_55 = arith.constant 0 : i32
    %dma_wait3A_56 = arith.constant 0 : i32
    %dma_wait3A_57 = tpu.memref_slice %arg19[%dma_wait3A_55, %dma_wait3A_56] : memref<10240x128xf32, #tpu.memory_space<vmem_shared>> -> memref<10240x128xf32, #tpu.memory_space<vmem_shared>>
    tpu.wait_indirect_dma semaphore(%arg29 : memref<!tpu.dma_semaphore, #tpu.memory_space<semaphore_mem>>) src(%arg16 : memref<80x128xf32, #tpu.memory_space<vmem>>) dst(%dma_wait3A_57 : memref<10240x128xf32, #tpu.memory_space<vmem_shared>>)
    %dma_wait3A_58 = arith.constant 0 : i32
    %dma_wait3A_59 = arith.constant 0 : i32
    %dma_wait3A_60 = tpu.memref_slice %arg19[%dma_wait3A_58, %dma_wait3A_59] : memref<10240x128xf32, #tpu.memory_space<vmem_shared>> -> memref<10240x128xf32, #tpu.memory_space<vmem_shared>>
    tpu.wait_indirect_dma semaphore(%arg30 : memref<!tpu.dma_semaphore, #tpu.memory_space<semaphore_mem>>) src(%arg17 : memref<80x128xf32, #tpu.memory_space<vmem>>) dst(%dma_wait3A_60 : memref<10240x128xf32, #tpu.memory_space<vmem_shared>>)
    %dma_wait3A_61 = arith.constant 0 : i32
    %dma_wait3A_62 = arith.constant 0 : i32
    %dma_wait3A_63 = tpu.memref_slice %arg19[%dma_wait3A_61, %dma_wait3A_62] : memref<10240x128xf32, #tpu.memory_space<vmem_shared>> -> memref<10240x128xf32, #tpu.memory_space<vmem_shared>>
    tpu.wait_indirect_dma semaphore(%arg31 : memref<!tpu.dma_semaphore, #tpu.memory_space<semaphore_mem>>) src(%arg18 : memref<80x128xf32, #tpu.memory_space<vmem>>) dst(%dma_wait3A_63 : memref<10240x128xf32, #tpu.memory_space<vmem_shared>>)
    %barrier3A_64 = arith.constant 0 : index
    tpu.barrier barrier_id(%barrier3A_64)
    %mul3A_65 = arith.constant 640 : i32
    %mul3A_66 = arith.muli %arg1, %mul3A_65 : i32
    %mul3A_67 = arith.constant 640 : i32
    %mul3A_68 = arith.muli %arg1, %mul3A_67 : i32
    "tpu.region"() ({
      %run_scoped3A = tpu.sem_alloc : memref<!tpu.dma_semaphore, #tpu.memory_space<semaphore_mem>>
      %dma_start3A_69 = arith.constant 0 : i32
      %dma_start3A_70 = tpu.memref_slice %arg6[%arg0, %mul3A_68, %dma_start3A_69] : memref<2x10240x128xf32, #tpu.memory_space<hbm>> -> memref<1x640x128xf32, #tpu.memory_space<hbm>>
      %dma_start3A_71 = tpu.memref_squeeze %dma_start3A_70 : memref<1x640x128xf32, #tpu.memory_space<hbm>> -> memref<640x128xf32, #tpu.memory_space<hbm>>
      %dma_start3A_72 = arith.constant 0 : i32
      %dma_start3A_73 = tpu.memref_slice %arg19[%mul3A_66, %dma_start3A_72] : memref<10240x128xf32, #tpu.memory_space<vmem_shared>> -> memref<640x128xf32, #tpu.memory_space<vmem_shared>>
      tpu.enqueue_dma source(%dma_start3A_73 : memref<640x128xf32, #tpu.memory_space<vmem_shared>>) target(%dma_start3A_71 : memref<640x128xf32, #tpu.memory_space<hbm>>) target_semaphore(%run_scoped3A : memref<!tpu.dma_semaphore, #tpu.memory_space<semaphore_mem>>)
      %dma_wait3A_74 = arith.constant 0 : i32
      %dma_wait3A_75 = tpu.memref_slice %arg6[%arg0, %mul3A_68, %dma_wait3A_74] : memref<2x10240x128xf32, #tpu.memory_space<hbm>> -> memref<1x640x128xf32, #tpu.memory_space<hbm>>
      %dma_wait3A_76 = tpu.memref_squeeze %dma_wait3A_75 : memref<1x640x128xf32, #tpu.memory_space<hbm>> -> memref<640x128xf32, #tpu.memory_space<hbm>>
      %dma_wait3A_77 = arith.constant 0 : i32
      %dma_wait3A_78 = tpu.memref_slice %arg19[%mul3A_66, %dma_wait3A_77] : memref<10240x128xf32, #tpu.memory_space<vmem_shared>> -> memref<640x128xf32, #tpu.memory_space<vmem_shared>>
      tpu.wait_dma2 semaphore(%run_scoped3A : memref<!tpu.dma_semaphore, #tpu.memory_space<semaphore_mem>>) src(%dma_wait3A_78 : memref<640x128xf32, #tpu.memory_space<vmem_shared>>) dst(%dma_wait3A_76 : memref<640x128xf32, #tpu.memory_space<hbm>>)
      tpu.yield
    }) : () -> ()
    return
  }
}

#map = affine_map<(d0, d1) -> (0)>
#map1 = affine_map<(d0, d1) -> (0, 0)>
#map2 = affine_map<(d0, d1) -> (0, 0, 0)>
module attributes {stable_mosaic.version = 14 : i64} {
  func.func @agg_kernel(%arg0: i32, %arg1: i32, %arg2: memref<320000xi32, #tpu.memory_space<hbm>>, %arg3: memref<320000xi32, #tpu.memory_space<hbm>>, %arg4: memref<10000x128xf32, #tpu.memory_space<hbm>>, %arg5: memref<10240x128xf32, #tpu.memory_space<hbm>>, %arg6: memref<2x10240x128xf32, #tpu.memory_space<hbm>>, %arg7: memref<80xi32, #tpu.memory_space<vmem>>, %arg8: memref<80xi32, #tpu.memory_space<vmem>>, %arg9: memref<80xi32, #tpu.memory_space<vmem>>, %arg10: memref<80xi32, #tpu.memory_space<vmem>>, %arg11: memref<80xi32, #tpu.memory_space<vmem>>, %arg12: memref<80xi32, #tpu.memory_space<vmem>>, %arg13: memref<80xi32, #tpu.memory_space<vmem>>, %arg14: memref<80xi32, #tpu.memory_space<vmem>>, %arg15: memref<80x128xf32, #tpu.memory_space<vmem>>, %arg16: memref<80x128xf32, #tpu.memory_space<vmem>>, %arg17: memref<80x128xf32, #tpu.memory_space<vmem>>, %arg18: memref<80x128xf32, #tpu.memory_space<vmem>>, %arg19: memref<10240x128xf32, #tpu.memory_space<vmem_shared>>, %arg20: memref<!tpu.dma_semaphore, #tpu.memory_space<semaphore_mem>>, %arg21: memref<!tpu.dma_semaphore, #tpu.memory_space<semaphore_mem>>, %arg22: memref<!tpu.dma_semaphore, #tpu.memory_space<semaphore_mem>>, %arg23: memref<!tpu.dma_semaphore, #tpu.memory_space<semaphore_mem>>, %arg24: memref<!tpu.dma_semaphore, #tpu.memory_space<semaphore_mem>>, %arg25: memref<!tpu.dma_semaphore, #tpu.memory_space<semaphore_mem>>, %arg26: memref<!tpu.dma_semaphore, #tpu.memory_space<semaphore_mem>>, %arg27: memref<!tpu.dma_semaphore, #tpu.memory_space<semaphore_mem>>, %arg28: memref<!tpu.dma_semaphore, #tpu.memory_space<semaphore_mem>>, %arg29: memref<!tpu.dma_semaphore, #tpu.memory_space<semaphore_mem>>, %arg30: memref<!tpu.dma_semaphore, #tpu.memory_space<semaphore_mem>>, %arg31: memref<!tpu.dma_semaphore, #tpu.memory_space<semaphore_mem>>, %arg32: memref<!tpu.dma_semaphore, #tpu.memory_space<semaphore_mem>>, %arg33: memref<!tpu.dma_semaphore, #tpu.memory_space<semaphore_mem>>, %arg34: memref<!tpu.dma_semaphore, #tpu.memory_space<semaphore_mem>>, %arg35: memref<!tpu.dma_semaphore, #tpu.memory_space<semaphore_mem>>) attributes {dimension_semantics = [#tpu.dimension_semantics<core_parallel>, #tpu.dimension_semantics<subcore_parallel>], iteration_bounds = array<i64: 2, 16>, scalar_prefetch = 0 : i64, scratch_operands = 29 : i64, tpu.core_type = #tpu.core_type<sc_vector_subcore>, window_params = [{transform_indices = #map}, {transform_indices = #map}, {transform_indices = #map1}, {transform_indices = #map1}, {transform_indices = #map2}]} {
    %mul3A = arith.constant 16 : i32
    %mul3A_0 = arith.muli %arg0, %mul3A : i32
    %add3A = arith.addi %mul3A_0, %arg1 : i32
    %mul3A_1 = arith.constant 10000 : i32
    %mul3A_2 = arith.muli %add3A, %mul3A_1 : i32
    %add3A_3 = arith.constant 0 : i32
    %add3A_4 = arith.addi %mul3A_2, %add3A_3 : i32
    "tpu.region"() ({
      %run_scoped3A = tpu.sem_alloc : memref<!tpu.dma_semaphore, #tpu.memory_space<semaphore_mem>>
      %dma_start3A_69 = tpu.memref_slice %arg2[%add3A_4] : memref<320000xi32, #tpu.memory_space<hbm>> -> memref<80xi32, #tpu.memory_space<hbm>>
      %dma_start3A_70 = tpu.memref_slice %arg2[%add3A_4] : memref<320000xi32, #tpu.memory_space<hbm>> -> memref<80xi32, #tpu.memory_space<hbm>>
      tpu.enqueue_dma source(%dma_start3A_70 : memref<80xi32, #tpu.memory_space<hbm>>) target(%arg7 : memref<80xi32, #tpu.memory_space<vmem>>) target_semaphore(%run_scoped3A : memref<!tpu.dma_semaphore, #tpu.memory_space<semaphore_mem>>)
      %dma_wait3A_71 = tpu.memref_slice %arg2[%add3A_4] : memref<320000xi32, #tpu.memory_space<hbm>> -> memref<80xi32, #tpu.memory_space<hbm>>
      %dma_wait3A_72 = tpu.memref_slice %arg2[%add3A_4] : memref<320000xi32, #tpu.memory_space<hbm>> -> memref<80xi32, #tpu.memory_space<hbm>>
      tpu.wait_dma2 semaphore(%run_scoped3A : memref<!tpu.dma_semaphore, #tpu.memory_space<semaphore_mem>>) src(%dma_wait3A_72 : memref<80xi32, #tpu.memory_space<hbm>>) dst(%arg7 : memref<80xi32, #tpu.memory_space<vmem>>)
      tpu.yield
    }) : () -> ()
    %dma_start3A = arith.constant 0 : i32
    %dma_start3A_5 = arith.constant 0 : i32
    %dma_start3A_6 = tpu.memref_slice %arg4[%dma_start3A, %dma_start3A_5] : memref<10000x128xf32, #tpu.memory_space<hbm>> -> memref<10000x128xf32, #tpu.memory_space<hbm>>
    tpu.enqueue_indirect_dma source(%dma_start3A_6 : memref<10000x128xf32, #tpu.memory_space<hbm>>) target(%arg15 : memref<80x128xf32, #tpu.memory_space<vmem>>) offsets(%arg7 : memref<80xi32, #tpu.memory_space<vmem>>) semaphore(%arg20 : memref<!tpu.dma_semaphore, #tpu.memory_space<semaphore_mem>>)
    %dma_start3A_7 = tpu.memref_slice %arg3[%add3A_4] : memref<320000xi32, #tpu.memory_space<hbm>> -> memref<80xi32, #tpu.memory_space<hbm>>
    %dma_start3A_8 = tpu.memref_slice %arg3[%add3A_4] : memref<320000xi32, #tpu.memory_space<hbm>> -> memref<80xi32, #tpu.memory_space<hbm>>
    tpu.enqueue_dma source(%dma_start3A_8 : memref<80xi32, #tpu.memory_space<hbm>>) target(%arg11 : memref<80xi32, #tpu.memory_space<vmem>>) target_semaphore(%arg24 : memref<!tpu.dma_semaphore, #tpu.memory_space<semaphore_mem>>)
    %add3A_9 = arith.constant 80 : i32
    %add3A_10 = arith.addi %mul3A_2, %add3A_9 : i32
    "tpu.region"() ({
      %run_scoped3A = tpu.sem_alloc : memref<!tpu.dma_semaphore, #tpu.memory_space<semaphore_mem>>
      %dma_start3A_69 = tpu.memref_slice %arg2[%add3A_10] : memref<320000xi32, #tpu.memory_space<hbm>> -> memref<80xi32, #tpu.memory_space<hbm>>
      %dma_start3A_70 = tpu.memref_slice %arg2[%add3A_10] : memref<320000xi32, #tpu.memory_space<hbm>> -> memref<80xi32, #tpu.memory_space<hbm>>
      tpu.enqueue_dma source(%dma_start3A_70 : memref<80xi32, #tpu.memory_space<hbm>>) target(%arg8 : memref<80xi32, #tpu.memory_space<vmem>>) target_semaphore(%run_scoped3A : memref<!tpu.dma_semaphore, #tpu.memory_space<semaphore_mem>>)
      %dma_wait3A_71 = tpu.memref_slice %arg2[%add3A_10] : memref<320000xi32, #tpu.memory_space<hbm>> -> memref<80xi32, #tpu.memory_space<hbm>>
      %dma_wait3A_72 = tpu.memref_slice %arg2[%add3A_10] : memref<320000xi32, #tpu.memory_space<hbm>> -> memref<80xi32, #tpu.memory_space<hbm>>
      tpu.wait_dma2 semaphore(%run_scoped3A : memref<!tpu.dma_semaphore, #tpu.memory_space<semaphore_mem>>) src(%dma_wait3A_72 : memref<80xi32, #tpu.memory_space<hbm>>) dst(%arg8 : memref<80xi32, #tpu.memory_space<vmem>>)
      tpu.yield
    }) : () -> ()
    %dma_start3A_11 = arith.constant 0 : i32
    %dma_start3A_12 = arith.constant 0 : i32
    %dma_start3A_13 = tpu.memref_slice %arg4[%dma_start3A_11, %dma_start3A_12] : memref<10000x128xf32, #tpu.memory_space<hbm>> -> memref<10000x128xf32, #tpu.memory_space<hbm>>
    tpu.enqueue_indirect_dma source(%dma_start3A_13 : memref<10000x128xf32, #tpu.memory_space<hbm>>) target(%arg16 : memref<80x128xf32, #tpu.memory_space<vmem>>) offsets(%arg8 : memref<80xi32, #tpu.memory_space<vmem>>) semaphore(%arg21 : memref<!tpu.dma_semaphore, #tpu.memory_space<semaphore_mem>>)
    %dma_start3A_14 = tpu.memref_slice %arg3[%add3A_10] : memref<320000xi32, #tpu.memory_space<hbm>> -> memref<80xi32, #tpu.memory_space<hbm>>
    %dma_start3A_15 = tpu.memref_slice %arg3[%add3A_10] : memref<320000xi32, #tpu.memory_space<hbm>> -> memref<80xi32, #tpu.memory_space<hbm>>
    tpu.enqueue_dma source(%dma_start3A_15 : memref<80xi32, #tpu.memory_space<hbm>>) target(%arg12 : memref<80xi32, #tpu.memory_space<vmem>>) target_semaphore(%arg25 : memref<!tpu.dma_semaphore, #tpu.memory_space<semaphore_mem>>)
    %add3A_16 = arith.constant 160 : i32
    %add3A_17 = arith.addi %mul3A_2, %add3A_16 : i32
    "tpu.region"() ({
      %run_scoped3A = tpu.sem_alloc : memref<!tpu.dma_semaphore, #tpu.memory_space<semaphore_mem>>
      %dma_start3A_69 = tpu.memref_slice %arg2[%add3A_17] : memref<320000xi32, #tpu.memory_space<hbm>> -> memref<80xi32, #tpu.memory_space<hbm>>
      %dma_start3A_70 = tpu.memref_slice %arg2[%add3A_17] : memref<320000xi32, #tpu.memory_space<hbm>> -> memref<80xi32, #tpu.memory_space<hbm>>
      tpu.enqueue_dma source(%dma_start3A_70 : memref<80xi32, #tpu.memory_space<hbm>>) target(%arg9 : memref<80xi32, #tpu.memory_space<vmem>>) target_semaphore(%run_scoped3A : memref<!tpu.dma_semaphore, #tpu.memory_space<semaphore_mem>>)
      %dma_wait3A_71 = tpu.memref_slice %arg2[%add3A_17] : memref<320000xi32, #tpu.memory_space<hbm>> -> memref<80xi32, #tpu.memory_space<hbm>>
      %dma_wait3A_72 = tpu.memref_slice %arg2[%add3A_17] : memref<320000xi32, #tpu.memory_space<hbm>> -> memref<80xi32, #tpu.memory_space<hbm>>
      tpu.wait_dma2 semaphore(%run_scoped3A : memref<!tpu.dma_semaphore, #tpu.memory_space<semaphore_mem>>) src(%dma_wait3A_72 : memref<80xi32, #tpu.memory_space<hbm>>) dst(%arg9 : memref<80xi32, #tpu.memory_space<vmem>>)
      tpu.yield
    }) : () -> ()
    %dma_start3A_18 = arith.constant 0 : i32
    %dma_start3A_19 = arith.constant 0 : i32
    %dma_start3A_20 = tpu.memref_slice %arg4[%dma_start3A_18, %dma_start3A_19] : memref<10000x128xf32, #tpu.memory_space<hbm>> -> memref<10000x128xf32, #tpu.memory_space<hbm>>
    tpu.enqueue_indirect_dma source(%dma_start3A_20 : memref<10000x128xf32, #tpu.memory_space<hbm>>) target(%arg17 : memref<80x128xf32, #tpu.memory_space<vmem>>) offsets(%arg9 : memref<80xi32, #tpu.memory_space<vmem>>) semaphore(%arg22 : memref<!tpu.dma_semaphore, #tpu.memory_space<semaphore_mem>>)
    %dma_start3A_21 = tpu.memref_slice %arg3[%add3A_17] : memref<320000xi32, #tpu.memory_space<hbm>> -> memref<80xi32, #tpu.memory_space<hbm>>
    %dma_start3A_22 = tpu.memref_slice %arg3[%add3A_17] : memref<320000xi32, #tpu.memory_space<hbm>> -> memref<80xi32, #tpu.memory_space<hbm>>
    tpu.enqueue_dma source(%dma_start3A_22 : memref<80xi32, #tpu.memory_space<hbm>>) target(%arg13 : memref<80xi32, #tpu.memory_space<vmem>>) target_semaphore(%arg26 : memref<!tpu.dma_semaphore, #tpu.memory_space<semaphore_mem>>)
    %add3A_23 = arith.constant 240 : i32
    %add3A_24 = arith.addi %mul3A_2, %add3A_23 : i32
    "tpu.region"() ({
      %run_scoped3A = tpu.sem_alloc : memref<!tpu.dma_semaphore, #tpu.memory_space<semaphore_mem>>
      %dma_start3A_69 = tpu.memref_slice %arg2[%add3A_24] : memref<320000xi32, #tpu.memory_space<hbm>> -> memref<80xi32, #tpu.memory_space<hbm>>
      %dma_start3A_70 = tpu.memref_slice %arg2[%add3A_24] : memref<320000xi32, #tpu.memory_space<hbm>> -> memref<80xi32, #tpu.memory_space<hbm>>
      tpu.enqueue_dma source(%dma_start3A_70 : memref<80xi32, #tpu.memory_space<hbm>>) target(%arg10 : memref<80xi32, #tpu.memory_space<vmem>>) target_semaphore(%run_scoped3A : memref<!tpu.dma_semaphore, #tpu.memory_space<semaphore_mem>>)
      %dma_wait3A_71 = tpu.memref_slice %arg2[%add3A_24] : memref<320000xi32, #tpu.memory_space<hbm>> -> memref<80xi32, #tpu.memory_space<hbm>>
      %dma_wait3A_72 = tpu.memref_slice %arg2[%add3A_24] : memref<320000xi32, #tpu.memory_space<hbm>> -> memref<80xi32, #tpu.memory_space<hbm>>
      tpu.wait_dma2 semaphore(%run_scoped3A : memref<!tpu.dma_semaphore, #tpu.memory_space<semaphore_mem>>) src(%dma_wait3A_72 : memref<80xi32, #tpu.memory_space<hbm>>) dst(%arg10 : memref<80xi32, #tpu.memory_space<vmem>>)
      tpu.yield
    }) : () -> ()
    %dma_start3A_25 = arith.constant 0 : i32
    %dma_start3A_26 = arith.constant 0 : i32
    %dma_start3A_27 = tpu.memref_slice %arg4[%dma_start3A_25, %dma_start3A_26] : memref<10000x128xf32, #tpu.memory_space<hbm>> -> memref<10000x128xf32, #tpu.memory_space<hbm>>
    tpu.enqueue_indirect_dma source(%dma_start3A_27 : memref<10000x128xf32, #tpu.memory_space<hbm>>) target(%arg18 : memref<80x128xf32, #tpu.memory_space<vmem>>) offsets(%arg10 : memref<80xi32, #tpu.memory_space<vmem>>) semaphore(%arg23 : memref<!tpu.dma_semaphore, #tpu.memory_space<semaphore_mem>>)
    %dma_start3A_28 = tpu.memref_slice %arg3[%add3A_24] : memref<320000xi32, #tpu.memory_space<hbm>> -> memref<80xi32, #tpu.memory_space<hbm>>
    %dma_start3A_29 = tpu.memref_slice %arg3[%add3A_24] : memref<320000xi32, #tpu.memory_space<hbm>> -> memref<80xi32, #tpu.memory_space<hbm>>
    tpu.enqueue_dma source(%dma_start3A_29 : memref<80xi32, #tpu.memory_space<hbm>>) target(%arg14 : memref<80xi32, #tpu.memory_space<vmem>>) target_semaphore(%arg27 : memref<!tpu.dma_semaphore, #tpu.memory_space<semaphore_mem>>)
    %mul3A_30 = arith.constant 640 : i32
    %mul3A_31 = arith.muli %arg1, %mul3A_30 : i32
    %mul3A_32 = arith.constant 640 : i32
    %mul3A_33 = arith.muli %arg1, %mul3A_32 : i32
    "tpu.region"() ({
      %run_scoped3A = tpu.sem_alloc : memref<!tpu.dma_semaphore, #tpu.memory_space<semaphore_mem>>
      %dma_start3A_69 = arith.constant 0 : i32
      %dma_start3A_70 = tpu.memref_slice %arg19[%mul3A_33, %dma_start3A_69] : memref<10240x128xf32, #tpu.memory_space<vmem_shared>> -> memref<640x128xf32, #tpu.memory_space<vmem_shared>>
      %dma_start3A_71 = arith.constant 0 : i32
      %dma_start3A_72 = tpu.memref_slice %arg5[%mul3A_31, %dma_start3A_71] : memref<10240x128xf32, #tpu.memory_space<hbm>> -> memref<640x128xf32, #tpu.memory_space<hbm>>
      tpu.enqueue_dma source(%dma_start3A_72 : memref<640x128xf32, #tpu.memory_space<hbm>>) target(%dma_start3A_70 : memref<640x128xf32, #tpu.memory_space<vmem_shared>>) target_semaphore(%run_scoped3A : memref<!tpu.dma_semaphore, #tpu.memory_space<semaphore_mem>>)
      %dma_wait3A_73 = arith.constant 0 : i32
      %dma_wait3A_74 = tpu.memref_slice %arg19[%mul3A_33, %dma_wait3A_73] : memref<10240x128xf32, #tpu.memory_space<vmem_shared>> -> memref<640x128xf32, #tpu.memory_space<vmem_shared>>
      %dma_wait3A_75 = arith.constant 0 : i32
      %dma_wait3A_76 = tpu.memref_slice %arg5[%mul3A_31, %dma_wait3A_75] : memref<10240x128xf32, #tpu.memory_space<hbm>> -> memref<640x128xf32, #tpu.memory_space<hbm>>
      tpu.wait_dma2 semaphore(%run_scoped3A : memref<!tpu.dma_semaphore, #tpu.memory_space<semaphore_mem>>) src(%dma_wait3A_76 : memref<640x128xf32, #tpu.memory_space<hbm>>) dst(%dma_wait3A_74 : memref<640x128xf32, #tpu.memory_space<vmem_shared>>)
      tpu.yield
    }) : () -> ()
    %barrier3A = arith.constant 0 : index
    tpu.barrier barrier_id(%barrier3A)
    %scan3A = arith.constant 0 : i32
    %scan3A_34 = arith.constant 0 : i32
    %scan3A_35 = arith.constant 31 : i32
    %scan3A_36 = arith.addi %scan3A_34, %scan3A_35 : i32
    %scan3A_37 = arith.constant 1 : i32
    scf.for %scan3A_69 = %scan3A_34 to %scan3A_36 step %scan3A_37  : i32 {
      %dma_wait3A_70 = arith.constant 0 : i32
      %dma_wait3A_71 = arith.constant 0 : i32
      %dma_wait3A_72 = tpu.memref_slice %arg4[%dma_wait3A_70, %dma_wait3A_71] : memref<10000x128xf32, #tpu.memory_space<hbm>> -> memref<10000x128xf32, #tpu.memory_space<hbm>>
      tpu.wait_indirect_dma semaphore(%arg20 : memref<!tpu.dma_semaphore, #tpu.memory_space<semaphore_mem>>) src(%dma_wait3A_72 : memref<10000x128xf32, #tpu.memory_space<hbm>>) dst(%arg15 : memref<80x128xf32, #tpu.memory_space<vmem>>)
      %lt3A = arith.constant 30 : i32
      %lt3A_73 = arith.cmpi slt, %scan3A_69, %lt3A : i32
      %convert_element_type3A = arith.extui %lt3A_73 : i1 to i32
      %cond3A = arith.constant 0 : i32
      %cond3A_74 = arith.cmpi ne, %convert_element_type3A, %cond3A : i32
      scf.if %cond3A_74 {
        %add3A_124 = arith.constant 1 : i32
        %add3A_125 = arith.addi %scan3A_69, %add3A_124 : i32
        %mul3A_126 = arith.constant 4 : i32
        %mul3A_127 = arith.muli %add3A_125, %mul3A_126 : i32
        %add3A_128 = arith.constant 0 : i32
        %add3A_129 = arith.addi %mul3A_127, %add3A_128 : i32
        %mul3A_130 = arith.constant 80 : i32
        %mul3A_131 = arith.muli %add3A_129, %mul3A_130 : i32
        %add3A_132 = arith.addi %mul3A_2, %mul3A_131 : i32
        %dma_start3A_133 = tpu.memref_slice %arg2[%add3A_132] : memref<320000xi32, #tpu.memory_space<hbm>> -> memref<80xi32, #tpu.memory_space<hbm>>
        %dma_start3A_134 = tpu.memref_slice %arg2[%add3A_132] : memref<320000xi32, #tpu.memory_space<hbm>> -> memref<80xi32, #tpu.memory_space<hbm>>
        tpu.enqueue_dma source(%dma_start3A_134 : memref<80xi32, #tpu.memory_space<hbm>>) target(%arg7 : memref<80xi32, #tpu.memory_space<vmem>>) target_semaphore(%arg32 : memref<!tpu.dma_semaphore, #tpu.memory_space<semaphore_mem>>)
      } else {
      }
      %dma_wait3A_75 = tpu.memref_slice %arg3[%mul3A_2] : memref<320000xi32, #tpu.memory_space<hbm>> -> memref<80xi32, #tpu.memory_space<hbm>>
      %dma_wait3A_76 = tpu.memref_slice %arg3[%mul3A_2] : memref<320000xi32, #tpu.memory_space<hbm>> -> memref<80xi32, #tpu.memory_space<hbm>>
      tpu.wait_dma2 semaphore(%arg24 : memref<!tpu.dma_semaphore, #tpu.memory_space<semaphore_mem>>) src(%dma_wait3A_76 : memref<80xi32, #tpu.memory_space<hbm>>) dst(%arg11 : memref<80xi32, #tpu.memory_space<vmem>>)
      %dma_start3A_77 = arith.constant 0 : i32
      %dma_start3A_78 = arith.constant 0 : i32
      %dma_start3A_79 = tpu.memref_slice %arg19[%dma_start3A_77, %dma_start3A_78] : memref<10240x128xf32, #tpu.memory_space<vmem_shared>> -> memref<10240x128xf32, #tpu.memory_space<vmem_shared>>
      tpu.enqueue_indirect_dma source(%arg15 : memref<80x128xf32, #tpu.memory_space<vmem>>) target(%dma_start3A_79 : memref<10240x128xf32, #tpu.memory_space<vmem_shared>>) offsets(%arg11 : memref<80xi32, #tpu.memory_space<vmem>>) semaphore(%arg28 : memref<!tpu.dma_semaphore, #tpu.memory_space<semaphore_mem>>) {add = true}
      %dma_wait3A_80 = arith.constant 0 : i32
      %dma_wait3A_81 = arith.constant 0 : i32
      %dma_wait3A_82 = tpu.memref_slice %arg4[%dma_wait3A_80, %dma_wait3A_81] : memref<10000x128xf32, #tpu.memory_space<hbm>> -> memref<10000x128xf32, #tpu.memory_space<hbm>>
      tpu.wait_indirect_dma semaphore(%arg21 : memref<!tpu.dma_semaphore, #tpu.memory_space<semaphore_mem>>) src(%dma_wait3A_82 : memref<10000x128xf32, #tpu.memory_space<hbm>>) dst(%arg16 : memref<80x128xf32, #tpu.memory_space<vmem>>)
      %lt3A_83 = arith.constant 30 : i32
      %lt3A_84 = arith.cmpi slt, %scan3A_69, %lt3A_83 : i32
      %convert_element_type3A_85 = arith.extui %lt3A_84 : i1 to i32
      %cond3A_86 = arith.constant 0 : i32
      %cond3A_87 = arith.cmpi ne, %convert_element_type3A_85, %cond3A_86 : i32
      scf.if %cond3A_87 {
        %add3A_124 = arith.constant 1 : i32
        %add3A_125 = arith.addi %scan3A_69, %add3A_124 : i32
        %mul3A_126 = arith.constant 4 : i32
        %mul3A_127 = arith.muli %add3A_125, %mul3A_126 : i32
        %add3A_128 = arith.constant 1 : i32
        %add3A_129 = arith.addi %mul3A_127, %add3A_128 : i32
        %mul3A_130 = arith.constant 80 : i32
        %mul3A_131 = arith.muli %add3A_129, %mul3A_130 : i32
        %add3A_132 = arith.addi %mul3A_2, %mul3A_131 : i32
        %dma_start3A_133 = tpu.memref_slice %arg2[%add3A_132] : memref<320000xi32, #tpu.memory_space<hbm>> -> memref<80xi32, #tpu.memory_space<hbm>>
        %dma_start3A_134 = tpu.memref_slice %arg2[%add3A_132] : memref<320000xi32, #tpu.memory_space<hbm>> -> memref<80xi32, #tpu.memory_space<hbm>>
        tpu.enqueue_dma source(%dma_start3A_134 : memref<80xi32, #tpu.memory_space<hbm>>) target(%arg8 : memref<80xi32, #tpu.memory_space<vmem>>) target_semaphore(%arg33 : memref<!tpu.dma_semaphore, #tpu.memory_space<semaphore_mem>>)
      } else {
      }
      %dma_wait3A_88 = tpu.memref_slice %arg3[%mul3A_2] : memref<320000xi32, #tpu.memory_space<hbm>> -> memref<80xi32, #tpu.memory_space<hbm>>
      %dma_wait3A_89 = tpu.memref_slice %arg3[%mul3A_2] : memref<320000xi32, #tpu.memory_space<hbm>> -> memref<80xi32, #tpu.memory_space<hbm>>
      tpu.wait_dma2 semaphore(%arg25 : memref<!tpu.dma_semaphore, #tpu.memory_space<semaphore_mem>>) src(%dma_wait3A_89 : memref<80xi32, #tpu.memory_space<hbm>>) dst(%arg12 : memref<80xi32, #tpu.memory_space<vmem>>)
      %dma_start3A_90 = arith.constant 0 : i32
      %dma_start3A_91 = arith.constant 0 : i32
      %dma_start3A_92 = tpu.memref_slice %arg19[%dma_start3A_90, %dma_start3A_91] : memref<10240x128xf32, #tpu.memory_space<vmem_shared>> -> memref<10240x128xf32, #tpu.memory_space<vmem_shared>>
      tpu.enqueue_indirect_dma source(%arg16 : memref<80x128xf32, #tpu.memory_space<vmem>>) target(%dma_start3A_92 : memref<10240x128xf32, #tpu.memory_space<vmem_shared>>) offsets(%arg12 : memref<80xi32, #tpu.memory_space<vmem>>) semaphore(%arg29 : memref<!tpu.dma_semaphore, #tpu.memory_space<semaphore_mem>>) {add = true}
      %dma_wait3A_93 = arith.constant 0 : i32
      %dma_wait3A_94 = arith.constant 0 : i32
      %dma_wait3A_95 = tpu.memref_slice %arg4[%dma_wait3A_93, %dma_wait3A_94] : memref<10000x128xf32, #tpu.memory_space<hbm>> -> memref<10000x128xf32, #tpu.memory_space<hbm>>
      tpu.wait_indirect_dma semaphore(%arg22 : memref<!tpu.dma_semaphore, #tpu.memory_space<semaphore_mem>>) src(%dma_wait3A_95 : memref<10000x128xf32, #tpu.memory_space<hbm>>) dst(%arg17 : memref<80x128xf32, #tpu.memory_space<vmem>>)
      %lt3A_96 = arith.constant 30 : i32
      %lt3A_97 = arith.cmpi slt, %scan3A_69, %lt3A_96 : i32
      %convert_element_type3A_98 = arith.extui %lt3A_97 : i1 to i32
      %cond3A_99 = arith.constant 0 : i32
      %cond3A_100 = arith.cmpi ne, %convert_element_type3A_98, %cond3A_99 : i32
      scf.if %cond3A_100 {
        %add3A_124 = arith.constant 1 : i32
        %add3A_125 = arith.addi %scan3A_69, %add3A_124 : i32
        %mul3A_126 = arith.constant 4 : i32
        %mul3A_127 = arith.muli %add3A_125, %mul3A_126 : i32
        %add3A_128 = arith.constant 2 : i32
        %add3A_129 = arith.addi %mul3A_127, %add3A_128 : i32
        %mul3A_130 = arith.constant 80 : i32
        %mul3A_131 = arith.muli %add3A_129, %mul3A_130 : i32
        %add3A_132 = arith.addi %mul3A_2, %mul3A_131 : i32
        %dma_start3A_133 = tpu.memref_slice %arg2[%add3A_132] : memref<320000xi32, #tpu.memory_space<hbm>> -> memref<80xi32, #tpu.memory_space<hbm>>
        %dma_start3A_134 = tpu.memref_slice %arg2[%add3A_132] : memref<320000xi32, #tpu.memory_space<hbm>> -> memref<80xi32, #tpu.memory_space<hbm>>
        tpu.enqueue_dma source(%dma_start3A_134 : memref<80xi32, #tpu.memory_space<hbm>>) target(%arg9 : memref<80xi32, #tpu.memory_space<vmem>>) target_semaphore(%arg34 : memref<!tpu.dma_semaphore, #tpu.memory_space<semaphore_mem>>)
      } else {
      }
      %dma_wait3A_101 = tpu.memref_slice %arg3[%mul3A_2] : memref<320000xi32, #tpu.memory_space<hbm>> -> memref<80xi32, #tpu.memory_space<hbm>>
      %dma_wait3A_102 = tpu.memref_slice %arg3[%mul3A_2] : memref<320000xi32, #tpu.memory_space<hbm>> -> memref<80xi32, #tpu.memory_space<hbm>>
      tpu.wait_dma2 semaphore(%arg26 : memref<!tpu.dma_semaphore, #tpu.memory_space<semaphore_mem>>) src(%dma_wait3A_102 : memref<80xi32, #tpu.memory_space<hbm>>) dst(%arg13 : memref<80xi32, #tpu.memory_space<vmem>>)
      %dma_start3A_103 = arith.constant 0 : i32
      %dma_start3A_104 = arith.constant 0 : i32
      %dma_start3A_105 = tpu.memref_slice %arg19[%dma_start3A_103, %dma_start3A_104] : memref<10240x128xf32, #tpu.memory_space<vmem_shared>> -> memref<10240x128xf32, #tpu.memory_space<vmem_shared>>
      tpu.enqueue_indirect_dma source(%arg17 : memref<80x128xf32, #tpu.memory_space<vmem>>) target(%dma_start3A_105 : memref<10240x128xf32, #tpu.memory_space<vmem_shared>>) offsets(%arg13 : memref<80xi32, #tpu.memory_space<vmem>>) semaphore(%arg30 : memref<!tpu.dma_semaphore, #tpu.memory_space<semaphore_mem>>) {add = true}
      %dma_wait3A_106 = arith.constant 0 : i32
      %dma_wait3A_107 = arith.constant 0 : i32
      %dma_wait3A_108 = tpu.memref_slice %arg4[%dma_wait3A_106, %dma_wait3A_107] : memref<10000x128xf32, #tpu.memory_space<hbm>> -> memref<10000x128xf32, #tpu.memory_space<hbm>>
      tpu.wait_indirect_dma semaphore(%arg23 : memref<!tpu.dma_semaphore, #tpu.memory_space<semaphore_mem>>) src(%dma_wait3A_108 : memref<10000x128xf32, #tpu.memory_space<hbm>>) dst(%arg18 : memref<80x128xf32, #tpu.memory_space<vmem>>)
      %lt3A_109 = arith.constant 30 : i32
      %lt3A_110 = arith.cmpi slt, %scan3A_69, %lt3A_109 : i32
      %convert_element_type3A_111 = arith.extui %lt3A_110 : i1 to i32
      %cond3A_112 = arith.constant 0 : i32
      %cond3A_113 = arith.cmpi ne, %convert_element_type3A_111, %cond3A_112 : i32
      scf.if %cond3A_113 {
        %add3A_124 = arith.constant 1 : i32
        %add3A_125 = arith.addi %scan3A_69, %add3A_124 : i32
        %mul3A_126 = arith.constant 4 : i32
        %mul3A_127 = arith.muli %add3A_125, %mul3A_126 : i32
        %add3A_128 = arith.constant 3 : i32
        %add3A_129 = arith.addi %mul3A_127, %add3A_128 : i32
        %mul3A_130 = arith.constant 80 : i32
        %mul3A_131 = arith.muli %add3A_129, %mul3A_130 : i32
        %add3A_132 = arith.addi %mul3A_2, %mul3A_131 : i32
        %dma_start3A_133 = tpu.memref_slice %arg2[%add3A_132] : memref<320000xi32, #tpu.memory_space<hbm>> -> memref<80xi32, #tpu.memory_space<hbm>>
        %dma_start3A_134 = tpu.memref_slice %arg2[%add3A_132] : memref<320000xi32, #tpu.memory_space<hbm>> -> memref<80xi32, #tpu.memory_space<hbm>>
        tpu.enqueue_dma source(%dma_start3A_134 : memref<80xi32, #tpu.memory_space<hbm>>) target(%arg10 : memref<80xi32, #tpu.memory_space<vmem>>) target_semaphore(%arg35 : memref<!tpu.dma_semaphore, #tpu.memory_space<semaphore_mem>>)
      } else {
      }
      %dma_wait3A_114 = tpu.memref_slice %arg3[%mul3A_2] : memref<320000xi32, #tpu.memory_space<hbm>> -> memref<80xi32, #tpu.memory_space<hbm>>
      %dma_wait3A_115 = tpu.memref_slice %arg3[%mul3A_2] : memref<320000xi32, #tpu.memory_space<hbm>> -> memref<80xi32, #tpu.memory_space<hbm>>
      tpu.wait_dma2 semaphore(%arg27 : memref<!tpu.dma_semaphore, #tpu.memory_space<semaphore_mem>>) src(%dma_wait3A_115 : memref<80xi32, #tpu.memory_space<hbm>>) dst(%arg14 : memref<80xi32, #tpu.memory_space<vmem>>)
      %dma_start3A_116 = arith.constant 0 : i32
      %dma_start3A_117 = arith.constant 0 : i32
      %dma_start3A_118 = tpu.memref_slice %arg19[%dma_start3A_116, %dma_start3A_117] : memref<10240x128xf32, #tpu.memory_space<vmem_shared>> -> memref<10240x128xf32, #tpu.memory_space<vmem_shared>>
      tpu.enqueue_indirect_dma source(%arg18 : memref<80x128xf32, #tpu.memory_space<vmem>>) target(%dma_start3A_118 : memref<10240x128xf32, #tpu.memory_space<vmem_shared>>) offsets(%arg14 : memref<80xi32, #tpu.memory_space<vmem>>) semaphore(%arg31 : memref<!tpu.dma_semaphore, #tpu.memory_space<semaphore_mem>>) {add = true}
      %lt3A_119 = arith.constant 30 : i32
      %lt3A_120 = arith.cmpi slt, %scan3A_69, %lt3A_119 : i32
      %convert_element_type3A_121 = arith.extui %lt3A_120 : i1 to i32
      %cond3A_122 = arith.constant 0 : i32
      %cond3A_123 = arith.cmpi ne, %convert_element_type3A_121, %cond3A_122 : i32
      scf.if %cond3A_123 {
        %add3A_124 = arith.constant 1 : i32
        %add3A_125 = arith.addi %scan3A_69, %add3A_124 : i32
        %mul3A_126 = arith.constant 4 : i32
        %mul3A_127 = arith.muli %add3A_125, %mul3A_126 : i32
        %add3A_128 = arith.constant 0 : i32
        %add3A_129 = arith.addi %mul3A_127, %add3A_128 : i32
        %mul3A_130 = arith.constant 80 : i32
        %mul3A_131 = arith.muli %add3A_129, %mul3A_130 : i32
        %add3A_132 = arith.addi %mul3A_2, %mul3A_131 : i32
        %dma_wait3A_133 = tpu.memref_slice %arg2[%add3A_132] : memref<320000xi32, #tpu.memory_space<hbm>> -> memref<80xi32, #tpu.memory_space<hbm>>
        %dma_wait3A_134 = tpu.memref_slice %arg2[%add3A_132] : memref<320000xi32, #tpu.memory_space<hbm>> -> memref<80xi32, #tpu.memory_space<hbm>>
        tpu.wait_dma2 semaphore(%arg32 : memref<!tpu.dma_semaphore, #tpu.memory_space<semaphore_mem>>) src(%dma_wait3A_134 : memref<80xi32, #tpu.memory_space<hbm>>) dst(%arg7 : memref<80xi32, #tpu.memory_space<vmem>>)
        %dma_wait3A_135 = arith.constant 0 : i32
        %dma_wait3A_136 = arith.constant 0 : i32
        %dma_wait3A_137 = tpu.memref_slice %arg19[%dma_wait3A_135, %dma_wait3A_136] : memref<10240x128xf32, #tpu.memory_space<vmem_shared>> -> memref<10240x128xf32, #tpu.memory_space<vmem_shared>>
        tpu.wait_indirect_dma semaphore(%arg28 : memref<!tpu.dma_semaphore, #tpu.memory_space<semaphore_mem>>) src(%arg15 : memref<80x128xf32, #tpu.memory_space<vmem>>) dst(%dma_wait3A_137 : memref<10240x128xf32, #tpu.memory_space<vmem_shared>>)
        %dma_start3A_138 = arith.constant 0 : i32
        %dma_start3A_139 = arith.constant 0 : i32
        %dma_start3A_140 = tpu.memref_slice %arg4[%dma_start3A_138, %dma_start3A_139] : memref<10000x128xf32, #tpu.memory_space<hbm>> -> memref<10000x128xf32, #tpu.memory_space<hbm>>
        tpu.enqueue_indirect_dma source(%dma_start3A_140 : memref<10000x128xf32, #tpu.memory_space<hbm>>) target(%arg15 : memref<80x128xf32, #tpu.memory_space<vmem>>) offsets(%arg7 : memref<80xi32, #tpu.memory_space<vmem>>) semaphore(%arg20 : memref<!tpu.dma_semaphore, #tpu.memory_space<semaphore_mem>>)
        %dma_start3A_141 = tpu.memref_slice %arg3[%add3A_132] : memref<320000xi32, #tpu.memory_space<hbm>> -> memref<80xi32, #tpu.memory_space<hbm>>
        %dma_start3A_142 = tpu.memref_slice %arg3[%add3A_132] : memref<320000xi32, #tpu.memory_space<hbm>> -> memref<80xi32, #tpu.memory_space<hbm>>
        tpu.enqueue_dma source(%dma_start3A_142 : memref<80xi32, #tpu.memory_space<hbm>>) target(%arg11 : memref<80xi32, #tpu.memory_space<vmem>>) target_semaphore(%arg24 : memref<!tpu.dma_semaphore, #tpu.memory_space<semaphore_mem>>)
        %add3A_143 = arith.constant 1 : i32
        %add3A_144 = arith.addi %scan3A_69, %add3A_143 : i32
        %mul3A_145 = arith.constant 4 : i32
        %mul3A_146 = arith.muli %add3A_144, %mul3A_145 : i32
        %add3A_147 = arith.constant 1 : i32
        %add3A_148 = arith.addi %mul3A_146, %add3A_147 : i32
        %mul3A_149 = arith.constant 80 : i32
        %mul3A_150 = arith.muli %add3A_148, %mul3A_149 : i32
        %add3A_151 = arith.addi %mul3A_2, %mul3A_150 : i32
        %dma_wait3A_152 = tpu.memref_slice %arg2[%add3A_151] : memref<320000xi32, #tpu.memory_space<hbm>> -> memref<80xi32, #tpu.memory_space<hbm>>
        %dma_wait3A_153 = tpu.memref_slice %arg2[%add3A_151] : memref<320000xi32, #tpu.memory_space<hbm>> -> memref<80xi32, #tpu.memory_space<hbm>>
        tpu.wait_dma2 semaphore(%arg33 : memref<!tpu.dma_semaphore, #tpu.memory_space<semaphore_mem>>) src(%dma_wait3A_153 : memref<80xi32, #tpu.memory_space<hbm>>) dst(%arg8 : memref<80xi32, #tpu.memory_space<vmem>>)
        %dma_wait3A_154 = arith.constant 0 : i32
        %dma_wait3A_155 = arith.constant 0 : i32
        %dma_wait3A_156 = tpu.memref_slice %arg19[%dma_wait3A_154, %dma_wait3A_155] : memref<10240x128xf32, #tpu.memory_space<vmem_shared>> -> memref<10240x128xf32, #tpu.memory_space<vmem_shared>>
        tpu.wait_indirect_dma semaphore(%arg29 : memref<!tpu.dma_semaphore, #tpu.memory_space<semaphore_mem>>) src(%arg16 : memref<80x128xf32, #tpu.memory_space<vmem>>) dst(%dma_wait3A_156 : memref<10240x128xf32, #tpu.memory_space<vmem_shared>>)
        %dma_start3A_157 = arith.constant 0 : i32
        %dma_start3A_158 = arith.constant 0 : i32
        %dma_start3A_159 = tpu.memref_slice %arg4[%dma_start3A_157, %dma_start3A_158] : memref<10000x128xf32, #tpu.memory_space<hbm>> -> memref<10000x128xf32, #tpu.memory_space<hbm>>
        tpu.enqueue_indirect_dma source(%dma_start3A_159 : memref<10000x128xf32, #tpu.memory_space<hbm>>) target(%arg16 : memref<80x128xf32, #tpu.memory_space<vmem>>) offsets(%arg8 : memref<80xi32, #tpu.memory_space<vmem>>) semaphore(%arg21 : memref<!tpu.dma_semaphore, #tpu.memory_space<semaphore_mem>>)
        %dma_start3A_160 = tpu.memref_slice %arg3[%add3A_151] : memref<320000xi32, #tpu.memory_space<hbm>> -> memref<80xi32, #tpu.memory_space<hbm>>
        %dma_start3A_161 = tpu.memref_slice %arg3[%add3A_151] : memref<320000xi32, #tpu.memory_space<hbm>> -> memref<80xi32, #tpu.memory_space<hbm>>
        tpu.enqueue_dma source(%dma_start3A_161 : memref<80xi32, #tpu.memory_space<hbm>>) target(%arg12 : memref<80xi32, #tpu.memory_space<vmem>>) target_semaphore(%arg25 : memref<!tpu.dma_semaphore, #tpu.memory_space<semaphore_mem>>)
        %add3A_162 = arith.constant 1 : i32
        %add3A_163 = arith.addi %scan3A_69, %add3A_162 : i32
        %mul3A_164 = arith.constant 4 : i32
        %mul3A_165 = arith.muli %add3A_163, %mul3A_164 : i32
        %add3A_166 = arith.constant 2 : i32
        %add3A_167 = arith.addi %mul3A_165, %add3A_166 : i32
        %mul3A_168 = arith.constant 80 : i32
        %mul3A_169 = arith.muli %add3A_167, %mul3A_168 : i32
        %add3A_170 = arith.addi %mul3A_2, %mul3A_169 : i32
        %dma_wait3A_171 = tpu.memref_slice %arg2[%add3A_170] : memref<320000xi32, #tpu.memory_space<hbm>> -> memref<80xi32, #tpu.memory_space<hbm>>
        %dma_wait3A_172 = tpu.memref_slice %arg2[%add3A_170] : memref<320000xi32, #tpu.memory_space<hbm>> -> memref<80xi32, #tpu.memory_space<hbm>>
        tpu.wait_dma2 semaphore(%arg34 : memref<!tpu.dma_semaphore, #tpu.memory_space<semaphore_mem>>) src(%dma_wait3A_172 : memref<80xi32, #tpu.memory_space<hbm>>) dst(%arg9 : memref<80xi32, #tpu.memory_space<vmem>>)
        %dma_wait3A_173 = arith.constant 0 : i32
        %dma_wait3A_174 = arith.constant 0 : i32
        %dma_wait3A_175 = tpu.memref_slice %arg19[%dma_wait3A_173, %dma_wait3A_174] : memref<10240x128xf32, #tpu.memory_space<vmem_shared>> -> memref<10240x128xf32, #tpu.memory_space<vmem_shared>>
        tpu.wait_indirect_dma semaphore(%arg30 : memref<!tpu.dma_semaphore, #tpu.memory_space<semaphore_mem>>) src(%arg17 : memref<80x128xf32, #tpu.memory_space<vmem>>) dst(%dma_wait3A_175 : memref<10240x128xf32, #tpu.memory_space<vmem_shared>>)
        %dma_start3A_176 = arith.constant 0 : i32
        %dma_start3A_177 = arith.constant 0 : i32
        %dma_start3A_178 = tpu.memref_slice %arg4[%dma_start3A_176, %dma_start3A_177] : memref<10000x128xf32, #tpu.memory_space<hbm>> -> memref<10000x128xf32, #tpu.memory_space<hbm>>
        tpu.enqueue_indirect_dma source(%dma_start3A_178 : memref<10000x128xf32, #tpu.memory_space<hbm>>) target(%arg17 : memref<80x128xf32, #tpu.memory_space<vmem>>) offsets(%arg9 : memref<80xi32, #tpu.memory_space<vmem>>) semaphore(%arg22 : memref<!tpu.dma_semaphore, #tpu.memory_space<semaphore_mem>>)
        %dma_start3A_179 = tpu.memref_slice %arg3[%add3A_170] : memref<320000xi32, #tpu.memory_space<hbm>> -> memref<80xi32, #tpu.memory_space<hbm>>
        %dma_start3A_180 = tpu.memref_slice %arg3[%add3A_170] : memref<320000xi32, #tpu.memory_space<hbm>> -> memref<80xi32, #tpu.memory_space<hbm>>
        tpu.enqueue_dma source(%dma_start3A_180 : memref<80xi32, #tpu.memory_space<hbm>>) target(%arg13 : memref<80xi32, #tpu.memory_space<vmem>>) target_semaphore(%arg26 : memref<!tpu.dma_semaphore, #tpu.memory_space<semaphore_mem>>)
        %add3A_181 = arith.constant 1 : i32
        %add3A_182 = arith.addi %scan3A_69, %add3A_181 : i32
        %mul3A_183 = arith.constant 4 : i32
        %mul3A_184 = arith.muli %add3A_182, %mul3A_183 : i32
        %add3A_185 = arith.constant 3 : i32
        %add3A_186 = arith.addi %mul3A_184, %add3A_185 : i32
        %mul3A_187 = arith.constant 80 : i32
        %mul3A_188 = arith.muli %add3A_186, %mul3A_187 : i32
        %add3A_189 = arith.addi %mul3A_2, %mul3A_188 : i32
        %dma_wait3A_190 = tpu.memref_slice %arg2[%add3A_189] : memref<320000xi32, #tpu.memory_space<hbm>> -> memref<80xi32, #tpu.memory_space<hbm>>
        %dma_wait3A_191 = tpu.memref_slice %arg2[%add3A_189] : memref<320000xi32, #tpu.memory_space<hbm>> -> memref<80xi32, #tpu.memory_space<hbm>>
        tpu.wait_dma2 semaphore(%arg35 : memref<!tpu.dma_semaphore, #tpu.memory_space<semaphore_mem>>) src(%dma_wait3A_191 : memref<80xi32, #tpu.memory_space<hbm>>) dst(%arg10 : memref<80xi32, #tpu.memory_space<vmem>>)
        %dma_wait3A_192 = arith.constant 0 : i32
        %dma_wait3A_193 = arith.constant 0 : i32
        %dma_wait3A_194 = tpu.memref_slice %arg19[%dma_wait3A_192, %dma_wait3A_193] : memref<10240x128xf32, #tpu.memory_space<vmem_shared>> -> memref<10240x128xf32, #tpu.memory_space<vmem_shared>>
        tpu.wait_indirect_dma semaphore(%arg31 : memref<!tpu.dma_semaphore, #tpu.memory_space<semaphore_mem>>) src(%arg18 : memref<80x128xf32, #tpu.memory_space<vmem>>) dst(%dma_wait3A_194 : memref<10240x128xf32, #tpu.memory_space<vmem_shared>>)
        %dma_start3A_195 = arith.constant 0 : i32
        %dma_start3A_196 = arith.constant 0 : i32
        %dma_start3A_197 = tpu.memref_slice %arg4[%dma_start3A_195, %dma_start3A_196] : memref<10000x128xf32, #tpu.memory_space<hbm>> -> memref<10000x128xf32, #tpu.memory_space<hbm>>
        tpu.enqueue_indirect_dma source(%dma_start3A_197 : memref<10000x128xf32, #tpu.memory_space<hbm>>) target(%arg18 : memref<80x128xf32, #tpu.memory_space<vmem>>) offsets(%arg10 : memref<80xi32, #tpu.memory_space<vmem>>) semaphore(%arg23 : memref<!tpu.dma_semaphore, #tpu.memory_space<semaphore_mem>>)
        %dma_start3A_198 = tpu.memref_slice %arg3[%add3A_189] : memref<320000xi32, #tpu.memory_space<hbm>> -> memref<80xi32, #tpu.memory_space<hbm>>
        %dma_start3A_199 = tpu.memref_slice %arg3[%add3A_189] : memref<320000xi32, #tpu.memory_space<hbm>> -> memref<80xi32, #tpu.memory_space<hbm>>
        tpu.enqueue_dma source(%dma_start3A_199 : memref<80xi32, #tpu.memory_space<hbm>>) target(%arg14 : memref<80xi32, #tpu.memory_space<vmem>>) target_semaphore(%arg27 : memref<!tpu.dma_semaphore, #tpu.memory_space<semaphore_mem>>)
      } else {
      }
    }
    %scan3A_38 = arith.constant 31 : i32
    %add3A_39 = arith.constant 9920 : i32
    %add3A_40 = arith.addi %mul3A_2, %add3A_39 : i32
    "tpu.region"() ({
      %run_scoped3A = tpu.sem_alloc : memref<!tpu.dma_semaphore, #tpu.memory_space<semaphore_mem>>
      %dma_start3A_69 = tpu.memref_slice %arg2[%add3A_40] : memref<320000xi32, #tpu.memory_space<hbm>> -> memref<80xi32, #tpu.memory_space<hbm>>
      %dma_start3A_70 = tpu.memref_slice %arg2[%add3A_40] : memref<320000xi32, #tpu.memory_space<hbm>> -> memref<80xi32, #tpu.memory_space<hbm>>
      tpu.enqueue_dma source(%dma_start3A_70 : memref<80xi32, #tpu.memory_space<hbm>>) target(%arg7 : memref<80xi32, #tpu.memory_space<vmem>>) target_semaphore(%run_scoped3A : memref<!tpu.dma_semaphore, #tpu.memory_space<semaphore_mem>>)
      %dma_wait3A_71 = tpu.memref_slice %arg2[%add3A_40] : memref<320000xi32, #tpu.memory_space<hbm>> -> memref<80xi32, #tpu.memory_space<hbm>>
      %dma_wait3A_72 = tpu.memref_slice %arg2[%add3A_40] : memref<320000xi32, #tpu.memory_space<hbm>> -> memref<80xi32, #tpu.memory_space<hbm>>
      tpu.wait_dma2 semaphore(%run_scoped3A : memref<!tpu.dma_semaphore, #tpu.memory_space<semaphore_mem>>) src(%dma_wait3A_72 : memref<80xi32, #tpu.memory_space<hbm>>) dst(%arg7 : memref<80xi32, #tpu.memory_space<vmem>>)
      tpu.yield
    }) : () -> ()
    %dma_wait3A = arith.constant 0 : i32
    %dma_wait3A_41 = arith.constant 0 : i32
    %dma_wait3A_42 = tpu.memref_slice %arg19[%dma_wait3A, %dma_wait3A_41] : memref<10240x128xf32, #tpu.memory_space<vmem_shared>> -> memref<10240x128xf32, #tpu.memory_space<vmem_shared>>
    tpu.wait_indirect_dma semaphore(%arg28 : memref<!tpu.dma_semaphore, #tpu.memory_space<semaphore_mem>>) src(%arg15 : memref<80x128xf32, #tpu.memory_space<vmem>>) dst(%dma_wait3A_42 : memref<10240x128xf32, #tpu.memory_space<vmem_shared>>)
    %dma_start3A_43 = arith.constant 0 : i32
    %dma_start3A_44 = arith.constant 0 : i32
    %dma_start3A_45 = tpu.memref_slice %arg4[%dma_start3A_43, %dma_start3A_44] : memref<10000x128xf32, #tpu.memory_space<hbm>> -> memref<10000x128xf32, #tpu.memory_space<hbm>>
    tpu.enqueue_indirect_dma source(%dma_start3A_45 : memref<10000x128xf32, #tpu.memory_space<hbm>>) target(%arg15 : memref<80x128xf32, #tpu.memory_space<vmem>>) offsets(%arg7 : memref<80xi32, #tpu.memory_space<vmem>>) semaphore(%arg20 : memref<!tpu.dma_semaphore, #tpu.memory_space<semaphore_mem>>)
    %dma_wait3A_46 = arith.constant 0 : i32
    %dma_wait3A_47 = arith.constant 0 : i32
    %dma_wait3A_48 = tpu.memref_slice %arg4[%dma_wait3A_46, %dma_wait3A_47] : memref<10000x128xf32, #tpu.memory_space<hbm>> -> memref<10000x128xf32, #tpu.memory_space<hbm>>
    tpu.wait_indirect_dma semaphore(%arg20 : memref<!tpu.dma_semaphore, #tpu.memory_space<semaphore_mem>>) src(%dma_wait3A_48 : memref<10000x128xf32, #tpu.memory_space<hbm>>) dst(%arg15 : memref<80x128xf32, #tpu.memory_space<vmem>>)
    "tpu.region"() ({
      %run_scoped3A = tpu.sem_alloc : memref<!tpu.dma_semaphore, #tpu.memory_space<semaphore_mem>>
      %dma_start3A_69 = tpu.memref_slice %arg3[%add3A_40] : memref<320000xi32, #tpu.memory_space<hbm>> -> memref<80xi32, #tpu.memory_space<hbm>>
      %dma_start3A_70 = tpu.memref_slice %arg3[%add3A_40] : memref<320000xi32, #tpu.memory_space<hbm>> -> memref<80xi32, #tpu.memory_space<hbm>>
      tpu.enqueue_dma source(%dma_start3A_70 : memref<80xi32, #tpu.memory_space<hbm>>) target(%arg11 : memref<80xi32, #tpu.memory_space<vmem>>) target_semaphore(%run_scoped3A : memref<!tpu.dma_semaphore, #tpu.memory_space<semaphore_mem>>)
      %dma_wait3A_71 = tpu.memref_slice %arg3[%add3A_40] : memref<320000xi32, #tpu.memory_space<hbm>> -> memref<80xi32, #tpu.memory_space<hbm>>
      %dma_wait3A_72 = tpu.memref_slice %arg3[%add3A_40] : memref<320000xi32, #tpu.memory_space<hbm>> -> memref<80xi32, #tpu.memory_space<hbm>>
      tpu.wait_dma2 semaphore(%run_scoped3A : memref<!tpu.dma_semaphore, #tpu.memory_space<semaphore_mem>>) src(%dma_wait3A_72 : memref<80xi32, #tpu.memory_space<hbm>>) dst(%arg11 : memref<80xi32, #tpu.memory_space<vmem>>)
      tpu.yield
    }) : () -> ()
    %dma_start3A_49 = arith.constant 0 : i32
    %dma_start3A_50 = arith.constant 0 : i32
    %dma_start3A_51 = tpu.memref_slice %arg19[%dma_start3A_49, %dma_start3A_50] : memref<10240x128xf32, #tpu.memory_space<vmem_shared>> -> memref<10240x128xf32, #tpu.memory_space<vmem_shared>>
    tpu.enqueue_indirect_dma source(%arg15 : memref<80x128xf32, #tpu.memory_space<vmem>>) target(%dma_start3A_51 : memref<10240x128xf32, #tpu.memory_space<vmem_shared>>) offsets(%arg11 : memref<80xi32, #tpu.memory_space<vmem>>) semaphore(%arg28 : memref<!tpu.dma_semaphore, #tpu.memory_space<semaphore_mem>>) {add = true}
    %dma_wait3A_52 = arith.constant 0 : i32
    %dma_wait3A_53 = arith.constant 0 : i32
    %dma_wait3A_54 = tpu.memref_slice %arg19[%dma_wait3A_52, %dma_wait3A_53] : memref<10240x128xf32, #tpu.memory_space<vmem_shared>> -> memref<10240x128xf32, #tpu.memory_space<vmem_shared>>
    tpu.wait_indirect_dma semaphore(%arg28 : memref<!tpu.dma_semaphore, #tpu.memory_space<semaphore_mem>>) src(%arg15 : memref<80x128xf32, #tpu.memory_space<vmem>>) dst(%dma_wait3A_54 : memref<10240x128xf32, #tpu.memory_space<vmem_shared>>)
    %dma_wait3A_55 = arith.constant 0 : i32
    %dma_wait3A_56 = arith.constant 0 : i32
    %dma_wait3A_57 = tpu.memref_slice %arg19[%dma_wait3A_55, %dma_wait3A_56] : memref<10240x128xf32, #tpu.memory_space<vmem_shared>> -> memref<10240x128xf32, #tpu.memory_space<vmem_shared>>
    tpu.wait_indirect_dma semaphore(%arg29 : memref<!tpu.dma_semaphore, #tpu.memory_space<semaphore_mem>>) src(%arg16 : memref<80x128xf32, #tpu.memory_space<vmem>>) dst(%dma_wait3A_57 : memref<10240x128xf32, #tpu.memory_space<vmem_shared>>)
    %dma_wait3A_58 = arith.constant 0 : i32
    %dma_wait3A_59 = arith.constant 0 : i32
    %dma_wait3A_60 = tpu.memref_slice %arg19[%dma_wait3A_58, %dma_wait3A_59] : memref<10240x128xf32, #tpu.memory_space<vmem_shared>> -> memref<10240x128xf32, #tpu.memory_space<vmem_shared>>
    tpu.wait_indirect_dma semaphore(%arg30 : memref<!tpu.dma_semaphore, #tpu.memory_space<semaphore_mem>>) src(%arg17 : memref<80x128xf32, #tpu.memory_space<vmem>>) dst(%dma_wait3A_60 : memref<10240x128xf32, #tpu.memory_space<vmem_shared>>)
    %dma_wait3A_61 = arith.constant 0 : i32
    %dma_wait3A_62 = arith.constant 0 : i32
    %dma_wait3A_63 = tpu.memref_slice %arg19[%dma_wait3A_61, %dma_wait3A_62] : memref<10240x128xf32, #tpu.memory_space<vmem_shared>> -> memref<10240x128xf32, #tpu.memory_space<vmem_shared>>
    tpu.wait_indirect_dma semaphore(%arg31 : memref<!tpu.dma_semaphore, #tpu.memory_space<semaphore_mem>>) src(%arg18 : memref<80x128xf32, #tpu.memory_space<vmem>>) dst(%dma_wait3A_63 : memref<10240x128xf32, #tpu.memory_space<vmem_shared>>)
    %barrier3A_64 = arith.constant 0 : index
    tpu.barrier barrier_id(%barrier3A_64)
    %mul3A_65 = arith.constant 640 : i32
    %mul3A_66 = arith.muli %arg1, %mul3A_65 : i32
    %mul3A_67 = arith.constant 640 : i32
    %mul3A_68 = arith.muli %arg1, %mul3A_67 : i32
    "tpu.region"() ({
      %run_scoped3A = tpu.sem_alloc : memref<!tpu.dma_semaphore, #tpu.memory_space<semaphore_mem>>
      %dma_start3A_69 = arith.constant 0 : i32
      %dma_start3A_70 = tpu.memref_slice %arg6[%arg0, %mul3A_68, %dma_start3A_69] : memref<2x10240x128xf32, #tpu.memory_space<hbm>> -> memref<1x640x128xf32, #tpu.memory_space<hbm>>
      %dma_start3A_71 = tpu.memref_squeeze %dma_start3A_70 : memref<1x640x128xf32, #tpu.memory_space<hbm>> -> memref<640x128xf32, #tpu.memory_space<hbm>>
      %dma_start3A_72 = arith.constant 0 : i32
      %dma_start3A_73 = tpu.memref_slice %arg19[%mul3A_66, %dma_start3A_72] : memref<10240x128xf32, #tpu.memory_space<vmem_shared>> -> memref<640x128xf32, #tpu.memory_space<vmem_shared>>
      tpu.enqueue_dma source(%dma_start3A_73 : memref<640x128xf32, #tpu.memory_space<vmem_shared>>) target(%dma_start3A_71 : memref<640x128xf32, #tpu.memory_space<hbm>>) target_semaphore(%run_scoped3A : memref<!tpu.dma_semaphore, #tpu.memory_space<semaphore_mem>>)
      %dma_wait3A_74 = arith.constant 0 : i32
      %dma_wait3A_75 = tpu.memref_slice %arg6[%arg0, %mul3A_68, %dma_wait3A_74] : memref<2x10240x128xf32, #tpu.memory_space<hbm>> -> memref<1x640x128xf32, #tpu.memory_space<hbm>>
      %dma_wait3A_76 = tpu.memref_squeeze %dma_wait3A_75 : memref<1x640x128xf32, #tpu.memory_space<hbm>> -> memref<640x128xf32, #tpu.memory_space<hbm>>
      %dma_wait3A_77 = arith.constant 0 : i32
      %dma_wait3A_78 = tpu.memref_slice %arg19[%mul3A_66, %dma_wait3A_77] : memref<10240x128xf32, #tpu.memory_space<vmem_shared>> -> memref<640x128xf32, #tpu.memory_space<vmem_shared>>
      tpu.wait_dma2 semaphore(%run_scoped3A : memref<!tpu.dma_semaphore, #tpu.memory_space<semaphore_mem>>) src(%dma_wait3A_78 : memref<640x128xf32, #tpu.memory_space<vmem_shared>>) dst(%dma_wait3A_76 : memref<640x128xf32, #tpu.memory_space<hbm>>)
      tpu.yield
    }) : () -> ()
    return
  }
}

#map = affine_map<(d0, d1) -> (0)>
#map1 = affine_map<(d0, d1) -> (0, 0)>
#map2 = affine_map<(d0, d1) -> (0, 0, 0)>
module attributes {stable_mosaic.version = 14 : i64} {
  func.func @agg_kernel(%arg0: i32, %arg1: i32, %arg2: memref<320000xi32, #tpu.memory_space<hbm>>, %arg3: memref<320000xi32, #tpu.memory_space<hbm>>, %arg4: memref<10000x128xf32, #tpu.memory_space<hbm>>, %arg5: memref<10240x128xf32, #tpu.memory_space<hbm>>, %arg6: memref<2x10240x128xf32, #tpu.memory_space<hbm>>, %arg7: memref<80xi32, #tpu.memory_space<vmem>>, %arg8: memref<80xi32, #tpu.memory_space<vmem>>, %arg9: memref<80xi32, #tpu.memory_space<vmem>>, %arg10: memref<80xi32, #tpu.memory_space<vmem>>, %arg11: memref<80xi32, #tpu.memory_space<vmem>>, %arg12: memref<80xi32, #tpu.memory_space<vmem>>, %arg13: memref<80xi32, #tpu.memory_space<vmem>>, %arg14: memref<80xi32, #tpu.memory_space<vmem>>, %arg15: memref<80x128xf32, #tpu.memory_space<vmem>>, %arg16: memref<80x128xf32, #tpu.memory_space<vmem>>, %arg17: memref<80x128xf32, #tpu.memory_space<vmem>>, %arg18: memref<80x128xf32, #tpu.memory_space<vmem>>, %arg19: memref<10240x128xf32, #tpu.memory_space<vmem_shared>>, %arg20: memref<!tpu.dma_semaphore, #tpu.memory_space<semaphore_mem>>, %arg21: memref<!tpu.dma_semaphore, #tpu.memory_space<semaphore_mem>>, %arg22: memref<!tpu.dma_semaphore, #tpu.memory_space<semaphore_mem>>, %arg23: memref<!tpu.dma_semaphore, #tpu.memory_space<semaphore_mem>>, %arg24: memref<!tpu.dma_semaphore, #tpu.memory_space<semaphore_mem>>, %arg25: memref<!tpu.dma_semaphore, #tpu.memory_space<semaphore_mem>>, %arg26: memref<!tpu.dma_semaphore, #tpu.memory_space<semaphore_mem>>, %arg27: memref<!tpu.dma_semaphore, #tpu.memory_space<semaphore_mem>>, %arg28: memref<!tpu.dma_semaphore, #tpu.memory_space<semaphore_mem>>, %arg29: memref<!tpu.dma_semaphore, #tpu.memory_space<semaphore_mem>>, %arg30: memref<!tpu.dma_semaphore, #tpu.memory_space<semaphore_mem>>, %arg31: memref<!tpu.dma_semaphore, #tpu.memory_space<semaphore_mem>>, %arg32: memref<!tpu.dma_semaphore, #tpu.memory_space<semaphore_mem>>, %arg33: memref<!tpu.dma_semaphore, #tpu.memory_space<semaphore_mem>>, %arg34: memref<!tpu.dma_semaphore, #tpu.memory_space<semaphore_mem>>, %arg35: memref<!tpu.dma_semaphore, #tpu.memory_space<semaphore_mem>>) attributes {dimension_semantics = [#tpu.dimension_semantics<core_parallel>, #tpu.dimension_semantics<subcore_parallel>], iteration_bounds = array<i64: 2, 16>, scalar_prefetch = 0 : i64, scratch_operands = 29 : i64, tpu.core_type = #tpu.core_type<sc_vector_subcore>, window_params = [{transform_indices = #map}, {transform_indices = #map}, {transform_indices = #map1}, {transform_indices = #map1}, {transform_indices = #map2}]} {
    %mul3A = arith.constant 16 : i32
    %mul3A_0 = arith.muli %arg0, %mul3A : i32
    %add3A = arith.addi %mul3A_0, %arg1 : i32
    %mul3A_1 = arith.constant 10000 : i32
    %mul3A_2 = arith.muli %add3A, %mul3A_1 : i32
    %add3A_3 = arith.constant 0 : i32
    %add3A_4 = arith.addi %mul3A_2, %add3A_3 : i32
    "tpu.region"() ({
      %run_scoped3A = tpu.sem_alloc : memref<!tpu.dma_semaphore, #tpu.memory_space<semaphore_mem>>
      %dma_start3A_69 = tpu.memref_slice %arg2[%add3A_4] : memref<320000xi32, #tpu.memory_space<hbm>> -> memref<80xi32, #tpu.memory_space<hbm>>
      %dma_start3A_70 = tpu.memref_slice %arg2[%add3A_4] : memref<320000xi32, #tpu.memory_space<hbm>> -> memref<80xi32, #tpu.memory_space<hbm>>
      tpu.enqueue_dma source(%dma_start3A_70 : memref<80xi32, #tpu.memory_space<hbm>>) target(%arg7 : memref<80xi32, #tpu.memory_space<vmem>>) target_semaphore(%run_scoped3A : memref<!tpu.dma_semaphore, #tpu.memory_space<semaphore_mem>>)
      %dma_wait3A_71 = tpu.memref_slice %arg2[%add3A_4] : memref<320000xi32, #tpu.memory_space<hbm>> -> memref<80xi32, #tpu.memory_space<hbm>>
      %dma_wait3A_72 = tpu.memref_slice %arg2[%add3A_4] : memref<320000xi32, #tpu.memory_space<hbm>> -> memref<80xi32, #tpu.memory_space<hbm>>
      tpu.wait_dma2 semaphore(%run_scoped3A : memref<!tpu.dma_semaphore, #tpu.memory_space<semaphore_mem>>) src(%dma_wait3A_72 : memref<80xi32, #tpu.memory_space<hbm>>) dst(%arg7 : memref<80xi32, #tpu.memory_space<vmem>>)
      tpu.yield
    }) : () -> ()
    %dma_start3A = arith.constant 0 : i32
    %dma_start3A_5 = arith.constant 0 : i32
    %dma_start3A_6 = tpu.memref_slice %arg4[%dma_start3A, %dma_start3A_5] : memref<10000x128xf32, #tpu.memory_space<hbm>> -> memref<10000x128xf32, #tpu.memory_space<hbm>>
    tpu.enqueue_indirect_dma source(%dma_start3A_6 : memref<10000x128xf32, #tpu.memory_space<hbm>>) target(%arg15 : memref<80x128xf32, #tpu.memory_space<vmem>>) offsets(%arg7 : memref<80xi32, #tpu.memory_space<vmem>>) semaphore(%arg20 : memref<!tpu.dma_semaphore, #tpu.memory_space<semaphore_mem>>)
    %dma_start3A_7 = tpu.memref_slice %arg3[%add3A_4] : memref<320000xi32, #tpu.memory_space<hbm>> -> memref<80xi32, #tpu.memory_space<hbm>>
    %dma_start3A_8 = tpu.memref_slice %arg3[%add3A_4] : memref<320000xi32, #tpu.memory_space<hbm>> -> memref<80xi32, #tpu.memory_space<hbm>>
    tpu.enqueue_dma source(%dma_start3A_8 : memref<80xi32, #tpu.memory_space<hbm>>) target(%arg11 : memref<80xi32, #tpu.memory_space<vmem>>) target_semaphore(%arg24 : memref<!tpu.dma_semaphore, #tpu.memory_space<semaphore_mem>>)
    %add3A_9 = arith.constant 80 : i32
    %add3A_10 = arith.addi %mul3A_2, %add3A_9 : i32
    "tpu.region"() ({
      %run_scoped3A = tpu.sem_alloc : memref<!tpu.dma_semaphore, #tpu.memory_space<semaphore_mem>>
      %dma_start3A_69 = tpu.memref_slice %arg2[%add3A_10] : memref<320000xi32, #tpu.memory_space<hbm>> -> memref<80xi32, #tpu.memory_space<hbm>>
      %dma_start3A_70 = tpu.memref_slice %arg2[%add3A_10] : memref<320000xi32, #tpu.memory_space<hbm>> -> memref<80xi32, #tpu.memory_space<hbm>>
      tpu.enqueue_dma source(%dma_start3A_70 : memref<80xi32, #tpu.memory_space<hbm>>) target(%arg8 : memref<80xi32, #tpu.memory_space<vmem>>) target_semaphore(%run_scoped3A : memref<!tpu.dma_semaphore, #tpu.memory_space<semaphore_mem>>)
      %dma_wait3A_71 = tpu.memref_slice %arg2[%add3A_10] : memref<320000xi32, #tpu.memory_space<hbm>> -> memref<80xi32, #tpu.memory_space<hbm>>
      %dma_wait3A_72 = tpu.memref_slice %arg2[%add3A_10] : memref<320000xi32, #tpu.memory_space<hbm>> -> memref<80xi32, #tpu.memory_space<hbm>>
      tpu.wait_dma2 semaphore(%run_scoped3A : memref<!tpu.dma_semaphore, #tpu.memory_space<semaphore_mem>>) src(%dma_wait3A_72 : memref<80xi32, #tpu.memory_space<hbm>>) dst(%arg8 : memref<80xi32, #tpu.memory_space<vmem>>)
      tpu.yield
    }) : () -> ()
    %dma_start3A_11 = arith.constant 0 : i32
    %dma_start3A_12 = arith.constant 0 : i32
    %dma_start3A_13 = tpu.memref_slice %arg4[%dma_start3A_11, %dma_start3A_12] : memref<10000x128xf32, #tpu.memory_space<hbm>> -> memref<10000x128xf32, #tpu.memory_space<hbm>>
    tpu.enqueue_indirect_dma source(%dma_start3A_13 : memref<10000x128xf32, #tpu.memory_space<hbm>>) target(%arg16 : memref<80x128xf32, #tpu.memory_space<vmem>>) offsets(%arg8 : memref<80xi32, #tpu.memory_space<vmem>>) semaphore(%arg21 : memref<!tpu.dma_semaphore, #tpu.memory_space<semaphore_mem>>)
    %dma_start3A_14 = tpu.memref_slice %arg3[%add3A_10] : memref<320000xi32, #tpu.memory_space<hbm>> -> memref<80xi32, #tpu.memory_space<hbm>>
    %dma_start3A_15 = tpu.memref_slice %arg3[%add3A_10] : memref<320000xi32, #tpu.memory_space<hbm>> -> memref<80xi32, #tpu.memory_space<hbm>>
    tpu.enqueue_dma source(%dma_start3A_15 : memref<80xi32, #tpu.memory_space<hbm>>) target(%arg12 : memref<80xi32, #tpu.memory_space<vmem>>) target_semaphore(%arg25 : memref<!tpu.dma_semaphore, #tpu.memory_space<semaphore_mem>>)
    %add3A_16 = arith.constant 160 : i32
    %add3A_17 = arith.addi %mul3A_2, %add3A_16 : i32
    "tpu.region"() ({
      %run_scoped3A = tpu.sem_alloc : memref<!tpu.dma_semaphore, #tpu.memory_space<semaphore_mem>>
      %dma_start3A_69 = tpu.memref_slice %arg2[%add3A_17] : memref<320000xi32, #tpu.memory_space<hbm>> -> memref<80xi32, #tpu.memory_space<hbm>>
      %dma_start3A_70 = tpu.memref_slice %arg2[%add3A_17] : memref<320000xi32, #tpu.memory_space<hbm>> -> memref<80xi32, #tpu.memory_space<hbm>>
      tpu.enqueue_dma source(%dma_start3A_70 : memref<80xi32, #tpu.memory_space<hbm>>) target(%arg9 : memref<80xi32, #tpu.memory_space<vmem>>) target_semaphore(%run_scoped3A : memref<!tpu.dma_semaphore, #tpu.memory_space<semaphore_mem>>)
      %dma_wait3A_71 = tpu.memref_slice %arg2[%add3A_17] : memref<320000xi32, #tpu.memory_space<hbm>> -> memref<80xi32, #tpu.memory_space<hbm>>
      %dma_wait3A_72 = tpu.memref_slice %arg2[%add3A_17] : memref<320000xi32, #tpu.memory_space<hbm>> -> memref<80xi32, #tpu.memory_space<hbm>>
      tpu.wait_dma2 semaphore(%run_scoped3A : memref<!tpu.dma_semaphore, #tpu.memory_space<semaphore_mem>>) src(%dma_wait3A_72 : memref<80xi32, #tpu.memory_space<hbm>>) dst(%arg9 : memref<80xi32, #tpu.memory_space<vmem>>)
      tpu.yield
    }) : () -> ()
    %dma_start3A_18 = arith.constant 0 : i32
    %dma_start3A_19 = arith.constant 0 : i32
    %dma_start3A_20 = tpu.memref_slice %arg4[%dma_start3A_18, %dma_start3A_19] : memref<10000x128xf32, #tpu.memory_space<hbm>> -> memref<10000x128xf32, #tpu.memory_space<hbm>>
    tpu.enqueue_indirect_dma source(%dma_start3A_20 : memref<10000x128xf32, #tpu.memory_space<hbm>>) target(%arg17 : memref<80x128xf32, #tpu.memory_space<vmem>>) offsets(%arg9 : memref<80xi32, #tpu.memory_space<vmem>>) semaphore(%arg22 : memref<!tpu.dma_semaphore, #tpu.memory_space<semaphore_mem>>)
    %dma_start3A_21 = tpu.memref_slice %arg3[%add3A_17] : memref<320000xi32, #tpu.memory_space<hbm>> -> memref<80xi32, #tpu.memory_space<hbm>>
    %dma_start3A_22 = tpu.memref_slice %arg3[%add3A_17] : memref<320000xi32, #tpu.memory_space<hbm>> -> memref<80xi32, #tpu.memory_space<hbm>>
    tpu.enqueue_dma source(%dma_start3A_22 : memref<80xi32, #tpu.memory_space<hbm>>) target(%arg13 : memref<80xi32, #tpu.memory_space<vmem>>) target_semaphore(%arg26 : memref<!tpu.dma_semaphore, #tpu.memory_space<semaphore_mem>>)
    %add3A_23 = arith.constant 240 : i32
    %add3A_24 = arith.addi %mul3A_2, %add3A_23 : i32
    "tpu.region"() ({
      %run_scoped3A = tpu.sem_alloc : memref<!tpu.dma_semaphore, #tpu.memory_space<semaphore_mem>>
      %dma_start3A_69 = tpu.memref_slice %arg2[%add3A_24] : memref<320000xi32, #tpu.memory_space<hbm>> -> memref<80xi32, #tpu.memory_space<hbm>>
      %dma_start3A_70 = tpu.memref_slice %arg2[%add3A_24] : memref<320000xi32, #tpu.memory_space<hbm>> -> memref<80xi32, #tpu.memory_space<hbm>>
      tpu.enqueue_dma source(%dma_start3A_70 : memref<80xi32, #tpu.memory_space<hbm>>) target(%arg10 : memref<80xi32, #tpu.memory_space<vmem>>) target_semaphore(%run_scoped3A : memref<!tpu.dma_semaphore, #tpu.memory_space<semaphore_mem>>)
      %dma_wait3A_71 = tpu.memref_slice %arg2[%add3A_24] : memref<320000xi32, #tpu.memory_space<hbm>> -> memref<80xi32, #tpu.memory_space<hbm>>
      %dma_wait3A_72 = tpu.memref_slice %arg2[%add3A_24] : memref<320000xi32, #tpu.memory_space<hbm>> -> memref<80xi32, #tpu.memory_space<hbm>>
      tpu.wait_dma2 semaphore(%run_scoped3A : memref<!tpu.dma_semaphore, #tpu.memory_space<semaphore_mem>>) src(%dma_wait3A_72 : memref<80xi32, #tpu.memory_space<hbm>>) dst(%arg10 : memref<80xi32, #tpu.memory_space<vmem>>)
      tpu.yield
    }) : () -> ()
    %dma_start3A_25 = arith.constant 0 : i32
    %dma_start3A_26 = arith.constant 0 : i32
    %dma_start3A_27 = tpu.memref_slice %arg4[%dma_start3A_25, %dma_start3A_26] : memref<10000x128xf32, #tpu.memory_space<hbm>> -> memref<10000x128xf32, #tpu.memory_space<hbm>>
    tpu.enqueue_indirect_dma source(%dma_start3A_27 : memref<10000x128xf32, #tpu.memory_space<hbm>>) target(%arg18 : memref<80x128xf32, #tpu.memory_space<vmem>>) offsets(%arg10 : memref<80xi32, #tpu.memory_space<vmem>>) semaphore(%arg23 : memref<!tpu.dma_semaphore, #tpu.memory_space<semaphore_mem>>)
    %dma_start3A_28 = tpu.memref_slice %arg3[%add3A_24] : memref<320000xi32, #tpu.memory_space<hbm>> -> memref<80xi32, #tpu.memory_space<hbm>>
    %dma_start3A_29 = tpu.memref_slice %arg3[%add3A_24] : memref<320000xi32, #tpu.memory_space<hbm>> -> memref<80xi32, #tpu.memory_space<hbm>>
    tpu.enqueue_dma source(%dma_start3A_29 : memref<80xi32, #tpu.memory_space<hbm>>) target(%arg14 : memref<80xi32, #tpu.memory_space<vmem>>) target_semaphore(%arg27 : memref<!tpu.dma_semaphore, #tpu.memory_space<semaphore_mem>>)
    %mul3A_30 = arith.constant 640 : i32
    %mul3A_31 = arith.muli %arg1, %mul3A_30 : i32
    %mul3A_32 = arith.constant 640 : i32
    %mul3A_33 = arith.muli %arg1, %mul3A_32 : i32
    "tpu.region"() ({
      %run_scoped3A = tpu.sem_alloc : memref<!tpu.dma_semaphore, #tpu.memory_space<semaphore_mem>>
      %dma_start3A_69 = arith.constant 0 : i32
      %dma_start3A_70 = tpu.memref_slice %arg19[%mul3A_33, %dma_start3A_69] : memref<10240x128xf32, #tpu.memory_space<vmem_shared>> -> memref<640x128xf32, #tpu.memory_space<vmem_shared>>
      %dma_start3A_71 = arith.constant 0 : i32
      %dma_start3A_72 = tpu.memref_slice %arg5[%mul3A_31, %dma_start3A_71] : memref<10240x128xf32, #tpu.memory_space<hbm>> -> memref<640x128xf32, #tpu.memory_space<hbm>>
      tpu.enqueue_dma source(%dma_start3A_72 : memref<640x128xf32, #tpu.memory_space<hbm>>) target(%dma_start3A_70 : memref<640x128xf32, #tpu.memory_space<vmem_shared>>) target_semaphore(%run_scoped3A : memref<!tpu.dma_semaphore, #tpu.memory_space<semaphore_mem>>)
      %dma_wait3A_73 = arith.constant 0 : i32
      %dma_wait3A_74 = tpu.memref_slice %arg19[%mul3A_33, %dma_wait3A_73] : memref<10240x128xf32, #tpu.memory_space<vmem_shared>> -> memref<640x128xf32, #tpu.memory_space<vmem_shared>>
      %dma_wait3A_75 = arith.constant 0 : i32
      %dma_wait3A_76 = tpu.memref_slice %arg5[%mul3A_31, %dma_wait3A_75] : memref<10240x128xf32, #tpu.memory_space<hbm>> -> memref<640x128xf32, #tpu.memory_space<hbm>>
      tpu.wait_dma2 semaphore(%run_scoped3A : memref<!tpu.dma_semaphore, #tpu.memory_space<semaphore_mem>>) src(%dma_wait3A_76 : memref<640x128xf32, #tpu.memory_space<hbm>>) dst(%dma_wait3A_74 : memref<640x128xf32, #tpu.memory_space<vmem_shared>>)
      tpu.yield
    }) : () -> ()
    %barrier3A = arith.constant 0 : index
    tpu.barrier barrier_id(%barrier3A)
    %scan3A = arith.constant 0 : i32
    %scan3A_34 = arith.constant 0 : i32
    %scan3A_35 = arith.constant 31 : i32
    %scan3A_36 = arith.addi %scan3A_34, %scan3A_35 : i32
    %scan3A_37 = arith.constant 1 : i32
    scf.for %scan3A_69 = %scan3A_34 to %scan3A_36 step %scan3A_37  : i32 {
      %dma_wait3A_70 = arith.constant 0 : i32
      %dma_wait3A_71 = arith.constant 0 : i32
      %dma_wait3A_72 = tpu.memref_slice %arg4[%dma_wait3A_70, %dma_wait3A_71] : memref<10000x128xf32, #tpu.memory_space<hbm>> -> memref<10000x128xf32, #tpu.memory_space<hbm>>
      tpu.wait_indirect_dma semaphore(%arg20 : memref<!tpu.dma_semaphore, #tpu.memory_space<semaphore_mem>>) src(%dma_wait3A_72 : memref<10000x128xf32, #tpu.memory_space<hbm>>) dst(%arg15 : memref<80x128xf32, #tpu.memory_space<vmem>>)
      %lt3A = arith.constant 30 : i32
      %lt3A_73 = arith.cmpi slt, %scan3A_69, %lt3A : i32
      %convert_element_type3A = arith.extui %lt3A_73 : i1 to i32
      %cond3A = arith.constant 0 : i32
      %cond3A_74 = arith.cmpi ne, %convert_element_type3A, %cond3A : i32
      scf.if %cond3A_74 {
        %add3A_124 = arith.constant 1 : i32
        %add3A_125 = arith.addi %scan3A_69, %add3A_124 : i32
        %mul3A_126 = arith.constant 4 : i32
        %mul3A_127 = arith.muli %add3A_125, %mul3A_126 : i32
        %add3A_128 = arith.constant 0 : i32
        %add3A_129 = arith.addi %mul3A_127, %add3A_128 : i32
        %mul3A_130 = arith.constant 80 : i32
        %mul3A_131 = arith.muli %add3A_129, %mul3A_130 : i32
        %add3A_132 = arith.addi %mul3A_2, %mul3A_131 : i32
        %dma_start3A_133 = tpu.memref_slice %arg2[%add3A_132] : memref<320000xi32, #tpu.memory_space<hbm>> -> memref<80xi32, #tpu.memory_space<hbm>>
        %dma_start3A_134 = tpu.memref_slice %arg2[%add3A_132] : memref<320000xi32, #tpu.memory_space<hbm>> -> memref<80xi32, #tpu.memory_space<hbm>>
        tpu.enqueue_dma source(%dma_start3A_134 : memref<80xi32, #tpu.memory_space<hbm>>) target(%arg7 : memref<80xi32, #tpu.memory_space<vmem>>) target_semaphore(%arg32 : memref<!tpu.dma_semaphore, #tpu.memory_space<semaphore_mem>>)
      } else {
      }
      %dma_wait3A_75 = tpu.memref_slice %arg3[%mul3A_2] : memref<320000xi32, #tpu.memory_space<hbm>> -> memref<80xi32, #tpu.memory_space<hbm>>
      %dma_wait3A_76 = tpu.memref_slice %arg3[%mul3A_2] : memref<320000xi32, #tpu.memory_space<hbm>> -> memref<80xi32, #tpu.memory_space<hbm>>
      tpu.wait_dma2 semaphore(%arg24 : memref<!tpu.dma_semaphore, #tpu.memory_space<semaphore_mem>>) src(%dma_wait3A_76 : memref<80xi32, #tpu.memory_space<hbm>>) dst(%arg11 : memref<80xi32, #tpu.memory_space<vmem>>)
      %dma_start3A_77 = arith.constant 0 : i32
      %dma_start3A_78 = arith.constant 0 : i32
      %dma_start3A_79 = tpu.memref_slice %arg19[%dma_start3A_77, %dma_start3A_78] : memref<10240x128xf32, #tpu.memory_space<vmem_shared>> -> memref<10240x128xf32, #tpu.memory_space<vmem_shared>>
      tpu.enqueue_indirect_dma source(%arg15 : memref<80x128xf32, #tpu.memory_space<vmem>>) target(%dma_start3A_79 : memref<10240x128xf32, #tpu.memory_space<vmem_shared>>) offsets(%arg11 : memref<80xi32, #tpu.memory_space<vmem>>) semaphore(%arg28 : memref<!tpu.dma_semaphore, #tpu.memory_space<semaphore_mem>>) {add = true}
      %dma_wait3A_80 = arith.constant 0 : i32
      %dma_wait3A_81 = arith.constant 0 : i32
      %dma_wait3A_82 = tpu.memref_slice %arg4[%dma_wait3A_80, %dma_wait3A_81] : memref<10000x128xf32, #tpu.memory_space<hbm>> -> memref<10000x128xf32, #tpu.memory_space<hbm>>
      tpu.wait_indirect_dma semaphore(%arg21 : memref<!tpu.dma_semaphore, #tpu.memory_space<semaphore_mem>>) src(%dma_wait3A_82 : memref<10000x128xf32, #tpu.memory_space<hbm>>) dst(%arg16 : memref<80x128xf32, #tpu.memory_space<vmem>>)
      %lt3A_83 = arith.constant 30 : i32
      %lt3A_84 = arith.cmpi slt, %scan3A_69, %lt3A_83 : i32
      %convert_element_type3A_85 = arith.extui %lt3A_84 : i1 to i32
      %cond3A_86 = arith.constant 0 : i32
      %cond3A_87 = arith.cmpi ne, %convert_element_type3A_85, %cond3A_86 : i32
      scf.if %cond3A_87 {
        %add3A_124 = arith.constant 1 : i32
        %add3A_125 = arith.addi %scan3A_69, %add3A_124 : i32
        %mul3A_126 = arith.constant 4 : i32
        %mul3A_127 = arith.muli %add3A_125, %mul3A_126 : i32
        %add3A_128 = arith.constant 1 : i32
        %add3A_129 = arith.addi %mul3A_127, %add3A_128 : i32
        %mul3A_130 = arith.constant 80 : i32
        %mul3A_131 = arith.muli %add3A_129, %mul3A_130 : i32
        %add3A_132 = arith.addi %mul3A_2, %mul3A_131 : i32
        %dma_start3A_133 = tpu.memref_slice %arg2[%add3A_132] : memref<320000xi32, #tpu.memory_space<hbm>> -> memref<80xi32, #tpu.memory_space<hbm>>
        %dma_start3A_134 = tpu.memref_slice %arg2[%add3A_132] : memref<320000xi32, #tpu.memory_space<hbm>> -> memref<80xi32, #tpu.memory_space<hbm>>
        tpu.enqueue_dma source(%dma_start3A_134 : memref<80xi32, #tpu.memory_space<hbm>>) target(%arg8 : memref<80xi32, #tpu.memory_space<vmem>>) target_semaphore(%arg33 : memref<!tpu.dma_semaphore, #tpu.memory_space<semaphore_mem>>)
      } else {
      }
      %dma_wait3A_88 = tpu.memref_slice %arg3[%mul3A_2] : memref<320000xi32, #tpu.memory_space<hbm>> -> memref<80xi32, #tpu.memory_space<hbm>>
      %dma_wait3A_89 = tpu.memref_slice %arg3[%mul3A_2] : memref<320000xi32, #tpu.memory_space<hbm>> -> memref<80xi32, #tpu.memory_space<hbm>>
      tpu.wait_dma2 semaphore(%arg25 : memref<!tpu.dma_semaphore, #tpu.memory_space<semaphore_mem>>) src(%dma_wait3A_89 : memref<80xi32, #tpu.memory_space<hbm>>) dst(%arg12 : memref<80xi32, #tpu.memory_space<vmem>>)
      %dma_start3A_90 = arith.constant 0 : i32
      %dma_start3A_91 = arith.constant 0 : i32
      %dma_start3A_92 = tpu.memref_slice %arg19[%dma_start3A_90, %dma_start3A_91] : memref<10240x128xf32, #tpu.memory_space<vmem_shared>> -> memref<10240x128xf32, #tpu.memory_space<vmem_shared>>
      tpu.enqueue_indirect_dma source(%arg16 : memref<80x128xf32, #tpu.memory_space<vmem>>) target(%dma_start3A_92 : memref<10240x128xf32, #tpu.memory_space<vmem_shared>>) offsets(%arg12 : memref<80xi32, #tpu.memory_space<vmem>>) semaphore(%arg29 : memref<!tpu.dma_semaphore, #tpu.memory_space<semaphore_mem>>) {add = true}
      %dma_wait3A_93 = arith.constant 0 : i32
      %dma_wait3A_94 = arith.constant 0 : i32
      %dma_wait3A_95 = tpu.memref_slice %arg4[%dma_wait3A_93, %dma_wait3A_94] : memref<10000x128xf32, #tpu.memory_space<hbm>> -> memref<10000x128xf32, #tpu.memory_space<hbm>>
      tpu.wait_indirect_dma semaphore(%arg22 : memref<!tpu.dma_semaphore, #tpu.memory_space<semaphore_mem>>) src(%dma_wait3A_95 : memref<10000x128xf32, #tpu.memory_space<hbm>>) dst(%arg17 : memref<80x128xf32, #tpu.memory_space<vmem>>)
      %lt3A_96 = arith.constant 30 : i32
      %lt3A_97 = arith.cmpi slt, %scan3A_69, %lt3A_96 : i32
      %convert_element_type3A_98 = arith.extui %lt3A_97 : i1 to i32
      %cond3A_99 = arith.constant 0 : i32
      %cond3A_100 = arith.cmpi ne, %convert_element_type3A_98, %cond3A_99 : i32
      scf.if %cond3A_100 {
        %add3A_124 = arith.constant 1 : i32
        %add3A_125 = arith.addi %scan3A_69, %add3A_124 : i32
        %mul3A_126 = arith.constant 4 : i32
        %mul3A_127 = arith.muli %add3A_125, %mul3A_126 : i32
        %add3A_128 = arith.constant 2 : i32
        %add3A_129 = arith.addi %mul3A_127, %add3A_128 : i32
        %mul3A_130 = arith.constant 80 : i32
        %mul3A_131 = arith.muli %add3A_129, %mul3A_130 : i32
        %add3A_132 = arith.addi %mul3A_2, %mul3A_131 : i32
        %dma_start3A_133 = tpu.memref_slice %arg2[%add3A_132] : memref<320000xi32, #tpu.memory_space<hbm>> -> memref<80xi32, #tpu.memory_space<hbm>>
        %dma_start3A_134 = tpu.memref_slice %arg2[%add3A_132] : memref<320000xi32, #tpu.memory_space<hbm>> -> memref<80xi32, #tpu.memory_space<hbm>>
        tpu.enqueue_dma source(%dma_start3A_134 : memref<80xi32, #tpu.memory_space<hbm>>) target(%arg9 : memref<80xi32, #tpu.memory_space<vmem>>) target_semaphore(%arg34 : memref<!tpu.dma_semaphore, #tpu.memory_space<semaphore_mem>>)
      } else {
      }
      %dma_wait3A_101 = tpu.memref_slice %arg3[%mul3A_2] : memref<320000xi32, #tpu.memory_space<hbm>> -> memref<80xi32, #tpu.memory_space<hbm>>
      %dma_wait3A_102 = tpu.memref_slice %arg3[%mul3A_2] : memref<320000xi32, #tpu.memory_space<hbm>> -> memref<80xi32, #tpu.memory_space<hbm>>
      tpu.wait_dma2 semaphore(%arg26 : memref<!tpu.dma_semaphore, #tpu.memory_space<semaphore_mem>>) src(%dma_wait3A_102 : memref<80xi32, #tpu.memory_space<hbm>>) dst(%arg13 : memref<80xi32, #tpu.memory_space<vmem>>)
      %dma_start3A_103 = arith.constant 0 : i32
      %dma_start3A_104 = arith.constant 0 : i32
      %dma_start3A_105 = tpu.memref_slice %arg19[%dma_start3A_103, %dma_start3A_104] : memref<10240x128xf32, #tpu.memory_space<vmem_shared>> -> memref<10240x128xf32, #tpu.memory_space<vmem_shared>>
      tpu.enqueue_indirect_dma source(%arg17 : memref<80x128xf32, #tpu.memory_space<vmem>>) target(%dma_start3A_105 : memref<10240x128xf32, #tpu.memory_space<vmem_shared>>) offsets(%arg13 : memref<80xi32, #tpu.memory_space<vmem>>) semaphore(%arg30 : memref<!tpu.dma_semaphore, #tpu.memory_space<semaphore_mem>>) {add = true}
      %dma_wait3A_106 = arith.constant 0 : i32
      %dma_wait3A_107 = arith.constant 0 : i32
      %dma_wait3A_108 = tpu.memref_slice %arg4[%dma_wait3A_106, %dma_wait3A_107] : memref<10000x128xf32, #tpu.memory_space<hbm>> -> memref<10000x128xf32, #tpu.memory_space<hbm>>
      tpu.wait_indirect_dma semaphore(%arg23 : memref<!tpu.dma_semaphore, #tpu.memory_space<semaphore_mem>>) src(%dma_wait3A_108 : memref<10000x128xf32, #tpu.memory_space<hbm>>) dst(%arg18 : memref<80x128xf32, #tpu.memory_space<vmem>>)
      %lt3A_109 = arith.constant 30 : i32
      %lt3A_110 = arith.cmpi slt, %scan3A_69, %lt3A_109 : i32
      %convert_element_type3A_111 = arith.extui %lt3A_110 : i1 to i32
      %cond3A_112 = arith.constant 0 : i32
      %cond3A_113 = arith.cmpi ne, %convert_element_type3A_111, %cond3A_112 : i32
      scf.if %cond3A_113 {
        %add3A_124 = arith.constant 1 : i32
        %add3A_125 = arith.addi %scan3A_69, %add3A_124 : i32
        %mul3A_126 = arith.constant 4 : i32
        %mul3A_127 = arith.muli %add3A_125, %mul3A_126 : i32
        %add3A_128 = arith.constant 3 : i32
        %add3A_129 = arith.addi %mul3A_127, %add3A_128 : i32
        %mul3A_130 = arith.constant 80 : i32
        %mul3A_131 = arith.muli %add3A_129, %mul3A_130 : i32
        %add3A_132 = arith.addi %mul3A_2, %mul3A_131 : i32
        %dma_start3A_133 = tpu.memref_slice %arg2[%add3A_132] : memref<320000xi32, #tpu.memory_space<hbm>> -> memref<80xi32, #tpu.memory_space<hbm>>
        %dma_start3A_134 = tpu.memref_slice %arg2[%add3A_132] : memref<320000xi32, #tpu.memory_space<hbm>> -> memref<80xi32, #tpu.memory_space<hbm>>
        tpu.enqueue_dma source(%dma_start3A_134 : memref<80xi32, #tpu.memory_space<hbm>>) target(%arg10 : memref<80xi32, #tpu.memory_space<vmem>>) target_semaphore(%arg35 : memref<!tpu.dma_semaphore, #tpu.memory_space<semaphore_mem>>)
      } else {
      }
      %dma_wait3A_114 = tpu.memref_slice %arg3[%mul3A_2] : memref<320000xi32, #tpu.memory_space<hbm>> -> memref<80xi32, #tpu.memory_space<hbm>>
      %dma_wait3A_115 = tpu.memref_slice %arg3[%mul3A_2] : memref<320000xi32, #tpu.memory_space<hbm>> -> memref<80xi32, #tpu.memory_space<hbm>>
      tpu.wait_dma2 semaphore(%arg27 : memref<!tpu.dma_semaphore, #tpu.memory_space<semaphore_mem>>) src(%dma_wait3A_115 : memref<80xi32, #tpu.memory_space<hbm>>) dst(%arg14 : memref<80xi32, #tpu.memory_space<vmem>>)
      %dma_start3A_116 = arith.constant 0 : i32
      %dma_start3A_117 = arith.constant 0 : i32
      %dma_start3A_118 = tpu.memref_slice %arg19[%dma_start3A_116, %dma_start3A_117] : memref<10240x128xf32, #tpu.memory_space<vmem_shared>> -> memref<10240x128xf32, #tpu.memory_space<vmem_shared>>
      tpu.enqueue_indirect_dma source(%arg18 : memref<80x128xf32, #tpu.memory_space<vmem>>) target(%dma_start3A_118 : memref<10240x128xf32, #tpu.memory_space<vmem_shared>>) offsets(%arg14 : memref<80xi32, #tpu.memory_space<vmem>>) semaphore(%arg31 : memref<!tpu.dma_semaphore, #tpu.memory_space<semaphore_mem>>) {add = true}
      %lt3A_119 = arith.constant 30 : i32
      %lt3A_120 = arith.cmpi slt, %scan3A_69, %lt3A_119 : i32
      %convert_element_type3A_121 = arith.extui %lt3A_120 : i1 to i32
      %cond3A_122 = arith.constant 0 : i32
      %cond3A_123 = arith.cmpi ne, %convert_element_type3A_121, %cond3A_122 : i32
      scf.if %cond3A_123 {
        %add3A_124 = arith.constant 1 : i32
        %add3A_125 = arith.addi %scan3A_69, %add3A_124 : i32
        %mul3A_126 = arith.constant 4 : i32
        %mul3A_127 = arith.muli %add3A_125, %mul3A_126 : i32
        %add3A_128 = arith.constant 0 : i32
        %add3A_129 = arith.addi %mul3A_127, %add3A_128 : i32
        %mul3A_130 = arith.constant 80 : i32
        %mul3A_131 = arith.muli %add3A_129, %mul3A_130 : i32
        %add3A_132 = arith.addi %mul3A_2, %mul3A_131 : i32
        %dma_wait3A_133 = tpu.memref_slice %arg2[%add3A_132] : memref<320000xi32, #tpu.memory_space<hbm>> -> memref<80xi32, #tpu.memory_space<hbm>>
        %dma_wait3A_134 = tpu.memref_slice %arg2[%add3A_132] : memref<320000xi32, #tpu.memory_space<hbm>> -> memref<80xi32, #tpu.memory_space<hbm>>
        tpu.wait_dma2 semaphore(%arg32 : memref<!tpu.dma_semaphore, #tpu.memory_space<semaphore_mem>>) src(%dma_wait3A_134 : memref<80xi32, #tpu.memory_space<hbm>>) dst(%arg7 : memref<80xi32, #tpu.memory_space<vmem>>)
        %dma_wait3A_135 = arith.constant 0 : i32
        %dma_wait3A_136 = arith.constant 0 : i32
        %dma_wait3A_137 = tpu.memref_slice %arg19[%dma_wait3A_135, %dma_wait3A_136] : memref<10240x128xf32, #tpu.memory_space<vmem_shared>> -> memref<10240x128xf32, #tpu.memory_space<vmem_shared>>
        tpu.wait_indirect_dma semaphore(%arg28 : memref<!tpu.dma_semaphore, #tpu.memory_space<semaphore_mem>>) src(%arg15 : memref<80x128xf32, #tpu.memory_space<vmem>>) dst(%dma_wait3A_137 : memref<10240x128xf32, #tpu.memory_space<vmem_shared>>)
        %dma_start3A_138 = arith.constant 0 : i32
        %dma_start3A_139 = arith.constant 0 : i32
        %dma_start3A_140 = tpu.memref_slice %arg4[%dma_start3A_138, %dma_start3A_139] : memref<10000x128xf32, #tpu.memory_space<hbm>> -> memref<10000x128xf32, #tpu.memory_space<hbm>>
        tpu.enqueue_indirect_dma source(%dma_start3A_140 : memref<10000x128xf32, #tpu.memory_space<hbm>>) target(%arg15 : memref<80x128xf32, #tpu.memory_space<vmem>>) offsets(%arg7 : memref<80xi32, #tpu.memory_space<vmem>>) semaphore(%arg20 : memref<!tpu.dma_semaphore, #tpu.memory_space<semaphore_mem>>)
        %dma_start3A_141 = tpu.memref_slice %arg3[%add3A_132] : memref<320000xi32, #tpu.memory_space<hbm>> -> memref<80xi32, #tpu.memory_space<hbm>>
        %dma_start3A_142 = tpu.memref_slice %arg3[%add3A_132] : memref<320000xi32, #tpu.memory_space<hbm>> -> memref<80xi32, #tpu.memory_space<hbm>>
        tpu.enqueue_dma source(%dma_start3A_142 : memref<80xi32, #tpu.memory_space<hbm>>) target(%arg11 : memref<80xi32, #tpu.memory_space<vmem>>) target_semaphore(%arg24 : memref<!tpu.dma_semaphore, #tpu.memory_space<semaphore_mem>>)
        %add3A_143 = arith.constant 1 : i32
        %add3A_144 = arith.addi %scan3A_69, %add3A_143 : i32
        %mul3A_145 = arith.constant 4 : i32
        %mul3A_146 = arith.muli %add3A_144, %mul3A_145 : i32
        %add3A_147 = arith.constant 1 : i32
        %add3A_148 = arith.addi %mul3A_146, %add3A_147 : i32
        %mul3A_149 = arith.constant 80 : i32
        %mul3A_150 = arith.muli %add3A_148, %mul3A_149 : i32
        %add3A_151 = arith.addi %mul3A_2, %mul3A_150 : i32
        %dma_wait3A_152 = tpu.memref_slice %arg2[%add3A_151] : memref<320000xi32, #tpu.memory_space<hbm>> -> memref<80xi32, #tpu.memory_space<hbm>>
        %dma_wait3A_153 = tpu.memref_slice %arg2[%add3A_151] : memref<320000xi32, #tpu.memory_space<hbm>> -> memref<80xi32, #tpu.memory_space<hbm>>
        tpu.wait_dma2 semaphore(%arg33 : memref<!tpu.dma_semaphore, #tpu.memory_space<semaphore_mem>>) src(%dma_wait3A_153 : memref<80xi32, #tpu.memory_space<hbm>>) dst(%arg8 : memref<80xi32, #tpu.memory_space<vmem>>)
        %dma_wait3A_154 = arith.constant 0 : i32
        %dma_wait3A_155 = arith.constant 0 : i32
        %dma_wait3A_156 = tpu.memref_slice %arg19[%dma_wait3A_154, %dma_wait3A_155] : memref<10240x128xf32, #tpu.memory_space<vmem_shared>> -> memref<10240x128xf32, #tpu.memory_space<vmem_shared>>
        tpu.wait_indirect_dma semaphore(%arg29 : memref<!tpu.dma_semaphore, #tpu.memory_space<semaphore_mem>>) src(%arg16 : memref<80x128xf32, #tpu.memory_space<vmem>>) dst(%dma_wait3A_156 : memref<10240x128xf32, #tpu.memory_space<vmem_shared>>)
        %dma_start3A_157 = arith.constant 0 : i32
        %dma_start3A_158 = arith.constant 0 : i32
        %dma_start3A_159 = tpu.memref_slice %arg4[%dma_start3A_157, %dma_start3A_158] : memref<10000x128xf32, #tpu.memory_space<hbm>> -> memref<10000x128xf32, #tpu.memory_space<hbm>>
        tpu.enqueue_indirect_dma source(%dma_start3A_159 : memref<10000x128xf32, #tpu.memory_space<hbm>>) target(%arg16 : memref<80x128xf32, #tpu.memory_space<vmem>>) offsets(%arg8 : memref<80xi32, #tpu.memory_space<vmem>>) semaphore(%arg21 : memref<!tpu.dma_semaphore, #tpu.memory_space<semaphore_mem>>)
        %dma_start3A_160 = tpu.memref_slice %arg3[%add3A_151] : memref<320000xi32, #tpu.memory_space<hbm>> -> memref<80xi32, #tpu.memory_space<hbm>>
        %dma_start3A_161 = tpu.memref_slice %arg3[%add3A_151] : memref<320000xi32, #tpu.memory_space<hbm>> -> memref<80xi32, #tpu.memory_space<hbm>>
        tpu.enqueue_dma source(%dma_start3A_161 : memref<80xi32, #tpu.memory_space<hbm>>) target(%arg12 : memref<80xi32, #tpu.memory_space<vmem>>) target_semaphore(%arg25 : memref<!tpu.dma_semaphore, #tpu.memory_space<semaphore_mem>>)
        %add3A_162 = arith.constant 1 : i32
        %add3A_163 = arith.addi %scan3A_69, %add3A_162 : i32
        %mul3A_164 = arith.constant 4 : i32
        %mul3A_165 = arith.muli %add3A_163, %mul3A_164 : i32
        %add3A_166 = arith.constant 2 : i32
        %add3A_167 = arith.addi %mul3A_165, %add3A_166 : i32
        %mul3A_168 = arith.constant 80 : i32
        %mul3A_169 = arith.muli %add3A_167, %mul3A_168 : i32
        %add3A_170 = arith.addi %mul3A_2, %mul3A_169 : i32
        %dma_wait3A_171 = tpu.memref_slice %arg2[%add3A_170] : memref<320000xi32, #tpu.memory_space<hbm>> -> memref<80xi32, #tpu.memory_space<hbm>>
        %dma_wait3A_172 = tpu.memref_slice %arg2[%add3A_170] : memref<320000xi32, #tpu.memory_space<hbm>> -> memref<80xi32, #tpu.memory_space<hbm>>
        tpu.wait_dma2 semaphore(%arg34 : memref<!tpu.dma_semaphore, #tpu.memory_space<semaphore_mem>>) src(%dma_wait3A_172 : memref<80xi32, #tpu.memory_space<hbm>>) dst(%arg9 : memref<80xi32, #tpu.memory_space<vmem>>)
        %dma_wait3A_173 = arith.constant 0 : i32
        %dma_wait3A_174 = arith.constant 0 : i32
        %dma_wait3A_175 = tpu.memref_slice %arg19[%dma_wait3A_173, %dma_wait3A_174] : memref<10240x128xf32, #tpu.memory_space<vmem_shared>> -> memref<10240x128xf32, #tpu.memory_space<vmem_shared>>
        tpu.wait_indirect_dma semaphore(%arg30 : memref<!tpu.dma_semaphore, #tpu.memory_space<semaphore_mem>>) src(%arg17 : memref<80x128xf32, #tpu.memory_space<vmem>>) dst(%dma_wait3A_175 : memref<10240x128xf32, #tpu.memory_space<vmem_shared>>)
        %dma_start3A_176 = arith.constant 0 : i32
        %dma_start3A_177 = arith.constant 0 : i32
        %dma_start3A_178 = tpu.memref_slice %arg4[%dma_start3A_176, %dma_start3A_177] : memref<10000x128xf32, #tpu.memory_space<hbm>> -> memref<10000x128xf32, #tpu.memory_space<hbm>>
        tpu.enqueue_indirect_dma source(%dma_start3A_178 : memref<10000x128xf32, #tpu.memory_space<hbm>>) target(%arg17 : memref<80x128xf32, #tpu.memory_space<vmem>>) offsets(%arg9 : memref<80xi32, #tpu.memory_space<vmem>>) semaphore(%arg22 : memref<!tpu.dma_semaphore, #tpu.memory_space<semaphore_mem>>)
        %dma_start3A_179 = tpu.memref_slice %arg3[%add3A_170] : memref<320000xi32, #tpu.memory_space<hbm>> -> memref<80xi32, #tpu.memory_space<hbm>>
        %dma_start3A_180 = tpu.memref_slice %arg3[%add3A_170] : memref<320000xi32, #tpu.memory_space<hbm>> -> memref<80xi32, #tpu.memory_space<hbm>>
        tpu.enqueue_dma source(%dma_start3A_180 : memref<80xi32, #tpu.memory_space<hbm>>) target(%arg13 : memref<80xi32, #tpu.memory_space<vmem>>) target_semaphore(%arg26 : memref<!tpu.dma_semaphore, #tpu.memory_space<semaphore_mem>>)
        %add3A_181 = arith.constant 1 : i32
        %add3A_182 = arith.addi %scan3A_69, %add3A_181 : i32
        %mul3A_183 = arith.constant 4 : i32
        %mul3A_184 = arith.muli %add3A_182, %mul3A_183 : i32
        %add3A_185 = arith.constant 3 : i32
        %add3A_186 = arith.addi %mul3A_184, %add3A_185 : i32
        %mul3A_187 = arith.constant 80 : i32
        %mul3A_188 = arith.muli %add3A_186, %mul3A_187 : i32
        %add3A_189 = arith.addi %mul3A_2, %mul3A_188 : i32
        %dma_wait3A_190 = tpu.memref_slice %arg2[%add3A_189] : memref<320000xi32, #tpu.memory_space<hbm>> -> memref<80xi32, #tpu.memory_space<hbm>>
        %dma_wait3A_191 = tpu.memref_slice %arg2[%add3A_189] : memref<320000xi32, #tpu.memory_space<hbm>> -> memref<80xi32, #tpu.memory_space<hbm>>
        tpu.wait_dma2 semaphore(%arg35 : memref<!tpu.dma_semaphore, #tpu.memory_space<semaphore_mem>>) src(%dma_wait3A_191 : memref<80xi32, #tpu.memory_space<hbm>>) dst(%arg10 : memref<80xi32, #tpu.memory_space<vmem>>)
        %dma_wait3A_192 = arith.constant 0 : i32
        %dma_wait3A_193 = arith.constant 0 : i32
        %dma_wait3A_194 = tpu.memref_slice %arg19[%dma_wait3A_192, %dma_wait3A_193] : memref<10240x128xf32, #tpu.memory_space<vmem_shared>> -> memref<10240x128xf32, #tpu.memory_space<vmem_shared>>
        tpu.wait_indirect_dma semaphore(%arg31 : memref<!tpu.dma_semaphore, #tpu.memory_space<semaphore_mem>>) src(%arg18 : memref<80x128xf32, #tpu.memory_space<vmem>>) dst(%dma_wait3A_194 : memref<10240x128xf32, #tpu.memory_space<vmem_shared>>)
        %dma_start3A_195 = arith.constant 0 : i32
        %dma_start3A_196 = arith.constant 0 : i32
        %dma_start3A_197 = tpu.memref_slice %arg4[%dma_start3A_195, %dma_start3A_196] : memref<10000x128xf32, #tpu.memory_space<hbm>> -> memref<10000x128xf32, #tpu.memory_space<hbm>>
        tpu.enqueue_indirect_dma source(%dma_start3A_197 : memref<10000x128xf32, #tpu.memory_space<hbm>>) target(%arg18 : memref<80x128xf32, #tpu.memory_space<vmem>>) offsets(%arg10 : memref<80xi32, #tpu.memory_space<vmem>>) semaphore(%arg23 : memref<!tpu.dma_semaphore, #tpu.memory_space<semaphore_mem>>)
        %dma_start3A_198 = tpu.memref_slice %arg3[%add3A_189] : memref<320000xi32, #tpu.memory_space<hbm>> -> memref<80xi32, #tpu.memory_space<hbm>>
        %dma_start3A_199 = tpu.memref_slice %arg3[%add3A_189] : memref<320000xi32, #tpu.memory_space<hbm>> -> memref<80xi32, #tpu.memory_space<hbm>>
        tpu.enqueue_dma source(%dma_start3A_199 : memref<80xi32, #tpu.memory_space<hbm>>) target(%arg14 : memref<80xi32, #tpu.memory_space<vmem>>) target_semaphore(%arg27 : memref<!tpu.dma_semaphore, #tpu.memory_space<semaphore_mem>>)
      } else {
      }
    }
    %scan3A_38 = arith.constant 31 : i32
    %add3A_39 = arith.constant 9920 : i32
    %add3A_40 = arith.addi %mul3A_2, %add3A_39 : i32
    "tpu.region"() ({
      %run_scoped3A = tpu.sem_alloc : memref<!tpu.dma_semaphore, #tpu.memory_space<semaphore_mem>>
      %dma_start3A_69 = tpu.memref_slice %arg2[%add3A_40] : memref<320000xi32, #tpu.memory_space<hbm>> -> memref<80xi32, #tpu.memory_space<hbm>>
      %dma_start3A_70 = tpu.memref_slice %arg2[%add3A_40] : memref<320000xi32, #tpu.memory_space<hbm>> -> memref<80xi32, #tpu.memory_space<hbm>>
      tpu.enqueue_dma source(%dma_start3A_70 : memref<80xi32, #tpu.memory_space<hbm>>) target(%arg7 : memref<80xi32, #tpu.memory_space<vmem>>) target_semaphore(%run_scoped3A : memref<!tpu.dma_semaphore, #tpu.memory_space<semaphore_mem>>)
      %dma_wait3A_71 = tpu.memref_slice %arg2[%add3A_40] : memref<320000xi32, #tpu.memory_space<hbm>> -> memref<80xi32, #tpu.memory_space<hbm>>
      %dma_wait3A_72 = tpu.memref_slice %arg2[%add3A_40] : memref<320000xi32, #tpu.memory_space<hbm>> -> memref<80xi32, #tpu.memory_space<hbm>>
      tpu.wait_dma2 semaphore(%run_scoped3A : memref<!tpu.dma_semaphore, #tpu.memory_space<semaphore_mem>>) src(%dma_wait3A_72 : memref<80xi32, #tpu.memory_space<hbm>>) dst(%arg7 : memref<80xi32, #tpu.memory_space<vmem>>)
      tpu.yield
    }) : () -> ()
    %dma_wait3A = arith.constant 0 : i32
    %dma_wait3A_41 = arith.constant 0 : i32
    %dma_wait3A_42 = tpu.memref_slice %arg19[%dma_wait3A, %dma_wait3A_41] : memref<10240x128xf32, #tpu.memory_space<vmem_shared>> -> memref<10240x128xf32, #tpu.memory_space<vmem_shared>>
    tpu.wait_indirect_dma semaphore(%arg28 : memref<!tpu.dma_semaphore, #tpu.memory_space<semaphore_mem>>) src(%arg15 : memref<80x128xf32, #tpu.memory_space<vmem>>) dst(%dma_wait3A_42 : memref<10240x128xf32, #tpu.memory_space<vmem_shared>>)
    %dma_start3A_43 = arith.constant 0 : i32
    %dma_start3A_44 = arith.constant 0 : i32
    %dma_start3A_45 = tpu.memref_slice %arg4[%dma_start3A_43, %dma_start3A_44] : memref<10000x128xf32, #tpu.memory_space<hbm>> -> memref<10000x128xf32, #tpu.memory_space<hbm>>
    tpu.enqueue_indirect_dma source(%dma_start3A_45 : memref<10000x128xf32, #tpu.memory_space<hbm>>) target(%arg15 : memref<80x128xf32, #tpu.memory_space<vmem>>) offsets(%arg7 : memref<80xi32, #tpu.memory_space<vmem>>) semaphore(%arg20 : memref<!tpu.dma_semaphore, #tpu.memory_space<semaphore_mem>>)
    %dma_wait3A_46 = arith.constant 0 : i32
    %dma_wait3A_47 = arith.constant 0 : i32
    %dma_wait3A_48 = tpu.memref_slice %arg4[%dma_wait3A_46, %dma_wait3A_47] : memref<10000x128xf32, #tpu.memory_space<hbm>> -> memref<10000x128xf32, #tpu.memory_space<hbm>>
    tpu.wait_indirect_dma semaphore(%arg20 : memref<!tpu.dma_semaphore, #tpu.memory_space<semaphore_mem>>) src(%dma_wait3A_48 : memref<10000x128xf32, #tpu.memory_space<hbm>>) dst(%arg15 : memref<80x128xf32, #tpu.memory_space<vmem>>)
    "tpu.region"() ({
      %run_scoped3A = tpu.sem_alloc : memref<!tpu.dma_semaphore, #tpu.memory_space<semaphore_mem>>
      %dma_start3A_69 = tpu.memref_slice %arg3[%add3A_40] : memref<320000xi32, #tpu.memory_space<hbm>> -> memref<80xi32, #tpu.memory_space<hbm>>
      %dma_start3A_70 = tpu.memref_slice %arg3[%add3A_40] : memref<320000xi32, #tpu.memory_space<hbm>> -> memref<80xi32, #tpu.memory_space<hbm>>
      tpu.enqueue_dma source(%dma_start3A_70 : memref<80xi32, #tpu.memory_space<hbm>>) target(%arg11 : memref<80xi32, #tpu.memory_space<vmem>>) target_semaphore(%run_scoped3A : memref<!tpu.dma_semaphore, #tpu.memory_space<semaphore_mem>>)
      %dma_wait3A_71 = tpu.memref_slice %arg3[%add3A_40] : memref<320000xi32, #tpu.memory_space<hbm>> -> memref<80xi32, #tpu.memory_space<hbm>>
      %dma_wait3A_72 = tpu.memref_slice %arg3[%add3A_40] : memref<320000xi32, #tpu.memory_space<hbm>> -> memref<80xi32, #tpu.memory_space<hbm>>
      tpu.wait_dma2 semaphore(%run_scoped3A : memref<!tpu.dma_semaphore, #tpu.memory_space<semaphore_mem>>) src(%dma_wait3A_72 : memref<80xi32, #tpu.memory_space<hbm>>) dst(%arg11 : memref<80xi32, #tpu.memory_space<vmem>>)
      tpu.yield
    }) : () -> ()
    %dma_start3A_49 = arith.constant 0 : i32
    %dma_start3A_50 = arith.constant 0 : i32
    %dma_start3A_51 = tpu.memref_slice %arg19[%dma_start3A_49, %dma_start3A_50] : memref<10240x128xf32, #tpu.memory_space<vmem_shared>> -> memref<10240x128xf32, #tpu.memory_space<vmem_shared>>
    tpu.enqueue_indirect_dma source(%arg15 : memref<80x128xf32, #tpu.memory_space<vmem>>) target(%dma_start3A_51 : memref<10240x128xf32, #tpu.memory_space<vmem_shared>>) offsets(%arg11 : memref<80xi32, #tpu.memory_space<vmem>>) semaphore(%arg28 : memref<!tpu.dma_semaphore, #tpu.memory_space<semaphore_mem>>) {add = true}
    %dma_wait3A_52 = arith.constant 0 : i32
    %dma_wait3A_53 = arith.constant 0 : i32
    %dma_wait3A_54 = tpu.memref_slice %arg19[%dma_wait3A_52, %dma_wait3A_53] : memref<10240x128xf32, #tpu.memory_space<vmem_shared>> -> memref<10240x128xf32, #tpu.memory_space<vmem_shared>>
    tpu.wait_indirect_dma semaphore(%arg28 : memref<!tpu.dma_semaphore, #tpu.memory_space<semaphore_mem>>) src(%arg15 : memref<80x128xf32, #tpu.memory_space<vmem>>) dst(%dma_wait3A_54 : memref<10240x128xf32, #tpu.memory_space<vmem_shared>>)
    %dma_wait3A_55 = arith.constant 0 : i32
    %dma_wait3A_56 = arith.constant 0 : i32
    %dma_wait3A_57 = tpu.memref_slice %arg19[%dma_wait3A_55, %dma_wait3A_56] : memref<10240x128xf32, #tpu.memory_space<vmem_shared>> -> memref<10240x128xf32, #tpu.memory_space<vmem_shared>>
    tpu.wait_indirect_dma semaphore(%arg29 : memref<!tpu.dma_semaphore, #tpu.memory_space<semaphore_mem>>) src(%arg16 : memref<80x128xf32, #tpu.memory_space<vmem>>) dst(%dma_wait3A_57 : memref<10240x128xf32, #tpu.memory_space<vmem_shared>>)
    %dma_wait3A_58 = arith.constant 0 : i32
    %dma_wait3A_59 = arith.constant 0 : i32
    %dma_wait3A_60 = tpu.memref_slice %arg19[%dma_wait3A_58, %dma_wait3A_59] : memref<10240x128xf32, #tpu.memory_space<vmem_shared>> -> memref<10240x128xf32, #tpu.memory_space<vmem_shared>>
    tpu.wait_indirect_dma semaphore(%arg30 : memref<!tpu.dma_semaphore, #tpu.memory_space<semaphore_mem>>) src(%arg17 : memref<80x128xf32, #tpu.memory_space<vmem>>) dst(%dma_wait3A_60 : memref<10240x128xf32, #tpu.memory_space<vmem_shared>>)
    %dma_wait3A_61 = arith.constant 0 : i32
    %dma_wait3A_62 = arith.constant 0 : i32
    %dma_wait3A_63 = tpu.memref_slice %arg19[%dma_wait3A_61, %dma_wait3A_62] : memref<10240x128xf32, #tpu.memory_space<vmem_shared>> -> memref<10240x128xf32, #tpu.memory_space<vmem_shared>>
    tpu.wait_indirect_dma semaphore(%arg31 : memref<!tpu.dma_semaphore, #tpu.memory_space<semaphore_mem>>) src(%arg18 : memref<80x128xf32, #tpu.memory_space<vmem>>) dst(%dma_wait3A_63 : memref<10240x128xf32, #tpu.memory_space<vmem_shared>>)
    %barrier3A_64 = arith.constant 0 : index
    tpu.barrier barrier_id(%barrier3A_64)
    %mul3A_65 = arith.constant 640 : i32
    %mul3A_66 = arith.muli %arg1, %mul3A_65 : i32
    %mul3A_67 = arith.constant 640 : i32
    %mul3A_68 = arith.muli %arg1, %mul3A_67 : i32
    "tpu.region"() ({
      %run_scoped3A = tpu.sem_alloc : memref<!tpu.dma_semaphore, #tpu.memory_space<semaphore_mem>>
      %dma_start3A_69 = arith.constant 0 : i32
      %dma_start3A_70 = tpu.memref_slice %arg6[%arg0, %mul3A_68, %dma_start3A_69] : memref<2x10240x128xf32, #tpu.memory_space<hbm>> -> memref<1x640x128xf32, #tpu.memory_space<hbm>>
      %dma_start3A_71 = tpu.memref_squeeze %dma_start3A_70 : memref<1x640x128xf32, #tpu.memory_space<hbm>> -> memref<640x128xf32, #tpu.memory_space<hbm>>
      %dma_start3A_72 = arith.constant 0 : i32
      %dma_start3A_73 = tpu.memref_slice %arg19[%mul3A_66, %dma_start3A_72] : memref<10240x128xf32, #tpu.memory_space<vmem_shared>> -> memref<640x128xf32, #tpu.memory_space<vmem_shared>>
      tpu.enqueue_dma source(%dma_start3A_73 : memref<640x128xf32, #tpu.memory_space<vmem_shared>>) target(%dma_start3A_71 : memref<640x128xf32, #tpu.memory_space<hbm>>) target_semaphore(%run_scoped3A : memref<!tpu.dma_semaphore, #tpu.memory_space<semaphore_mem>>)
      %dma_wait3A_74 = arith.constant 0 : i32
      %dma_wait3A_75 = tpu.memref_slice %arg6[%arg0, %mul3A_68, %dma_wait3A_74] : memref<2x10240x128xf32, #tpu.memory_space<hbm>> -> memref<1x640x128xf32, #tpu.memory_space<hbm>>
      %dma_wait3A_76 = tpu.memref_squeeze %dma_wait3A_75 : memref<1x640x128xf32, #tpu.memory_space<hbm>> -> memref<640x128xf32, #tpu.memory_space<hbm>>
      %dma_wait3A_77 = arith.constant 0 : i32
      %dma_wait3A_78 = tpu.memref_slice %arg19[%mul3A_66, %dma_wait3A_77] : memref<10240x128xf32, #tpu.memory_space<vmem_shared>> -> memref<640x128xf32, #tpu.memory_space<vmem_shared>>
      tpu.wait_dma2 semaphore(%run_scoped3A : memref<!tpu.dma_semaphore, #tpu.memory_space<semaphore_mem>>) src(%dma_wait3A_78 : memref<640x128xf32, #tpu.memory_space<vmem_shared>>) dst(%dma_wait3A_76 : memref<640x128xf32, #tpu.memory_space<hbm>>)
      tpu.yield
    }) : () -> ()
    return
  }
}

module attributes {stable_mosaic.version = 14 : i64} {
  func.func @body(%arg0: i32, %arg1: memref<2x2000x128xf32, #tpu.memory_space<vmem>>, %arg2: memref<2000x128xf32, #tpu.memory_space<vmem>>, %arg3: memref<128x128xf32, #tpu.memory_space<vmem>>, %arg4: memref<2000x1xf32, #tpu.memory_space<vmem>>, %arg5: memref<2000x128xf32, #tpu.memory_space<vmem>>) attributes {dimension_semantics = [#tpu.dimension_semantics<arbitrary>], iteration_bounds = array<i64: 5>, scalar_prefetch = 0 : i64, scratch_operands = 0 : i64, tpu.core_type = #tpu.core_type<tc>, window_params = [{transform_indices = @transform_0, window_bounds = array<i64: 2, 2000, 128>}, {transform_indices = @transform_1, window_bounds = array<i64: 2000, 128>}, {pipeline_mode = #tpu.pipeline_mode<synchronous>, transform_indices = @transform_2, window_bounds = array<i64: 128, 128>}, {transform_indices = @transform_3, window_bounds = array<i64: 2000, 1>}, {transform_indices = @transform_4, window_bounds = array<i64: 2000, 128>}]} {
    %get3A = arith.constant 0 : index
    %get3A_0 = arith.constant 0 : index
    %get3A_1 = arith.constant 0 : index
    %get3A_2 = vector.load %arg1[%get3A, %get3A_0, %get3A_1] : memref<2x2000x128xf32, #tpu.memory_space<vmem>>, vector<1x2000x1xf32>
    %get3A_3 = vector.shape_cast %get3A_2 : vector<1x2000x1xf32> to vector<2000x1xf32>
    %get3A_4 = arith.constant 1 : index
    %get3A_5 = arith.constant 0 : index
    %get3A_6 = arith.constant 0 : index
    %get3A_7 = vector.load %arg1[%get3A_4, %get3A_5, %get3A_6] : memref<2x2000x128xf32, #tpu.memory_space<vmem>>, vector<1x2000x1xf32>
    %get3A_8 = vector.shape_cast %get3A_7 : vector<1x2000x1xf32> to vector<2000x1xf32>
    %add3A = arith.addf %get3A_3, %get3A_8 : vector<2000x1xf32>
    %add3A_9 = arith.constant 1.000000e+00 : f32
    %add3A_10 = vector.broadcast %add3A_9 : f32 to vector<2000x1xf32>
    %add3A_11 = arith.addf %add3A, %add3A_10 : vector<2000x1xf32>
    %rsqrt3A = math.rsqrt %add3A_11 : vector<2000x1xf32>
    %swap3A = arith.constant 0 : index
    %swap3A_12 = arith.constant 0 : index
    %swap3A_13 = vector.load %arg4[%swap3A, %swap3A_12] : memref<2000x1xf32, #tpu.memory_space<vmem>>, vector<2000x1xf32>
    tpu.vector_store %arg4[%swap3A, %swap3A_12], %rsqrt3A {strides = array<i32>} : memref<2000x1xf32, #tpu.memory_space<vmem>>, vector<2000x1xf32>,
    %get3A_14 = arith.constant 0 : index
    %get3A_15 = arith.constant 0 : index
    %get3A_16 = vector.load %arg2[%get3A_14, %get3A_15] : memref<2000x128xf32, #tpu.memory_space<vmem>>, vector<2000x128xf32>
    %get3A_17 = arith.constant 0 : index
    %get3A_18 = arith.constant 0 : index
    %get3A_19 = vector.load %arg3[%get3A_17, %get3A_18] : memref<128x128xf32, #tpu.memory_space<vmem>>, vector<128x128xf32>
    %dot_general3A = arith.constant dense<0.000000e+00> : vector<2000x128xf32>
    %dot_general3A_20 = tpu.matmul %get3A_16, %get3A_19, %dot_general3A {dimension_numbers = #tpu.dot_dimension_numbers<[1], [0], [0], [1], [0, 0, 1, 1], [], []>, transpose_lhs_hint = false} : vector<2000x128xf32>, vector<128x128xf32>, vector<2000x128xf32> -> vector<2000x128xf32>
    %mul3A = vector.broadcast %rsqrt3A : vector<2000x1xf32> to vector<2000x128xf32>
    %mul3A_21 = arith.mulf %dot_general3A_20, %mul3A : vector<2000x128xf32>
    %swap3A_22 = arith.constant 0 : index
    %swap3A_23 = arith.constant 0 : index
    %swap3A_24 = vector.load %arg5[%swap3A_22, %swap3A_23] : memref<2000x128xf32, #tpu.memory_space<vmem>>, vector<2000x128xf32>
    tpu.vector_store %arg5[%swap3A_22, %swap3A_23], %mul3A_21 {strides = array<i32>} : memref<2000x128xf32, #tpu.memory_space<vmem>>, vector<2000x128xf32>,
    return
  }
  func.func @transform_0(%arg0: i32) -> (i32, i32, i32) {
    %c0_i32 = arith.constant 0 : i32
    %c0_i32_0 = arith.constant 0 : i32
    %c0_i32_1 = arith.constant 0 : i32
    return %c0_i32, %arg0, %c0_i32_0 : i32, i32, i32
  }
  func.func @transform_1(%arg0: i32) -> (i32, i32) {
    %c0_i32 = arith.constant 0 : i32
    %c0_i32_0 = arith.constant 0 : i32
    return %arg0, %c0_i32 : i32, i32
  }
  func.func @transform_2(%arg0: i32) -> (i32, i32) {
    %c0_i32 = arith.constant 0 : i32
    %c0_i32_0 = arith.constant 0 : i32
    %c0_i32_1 = arith.constant 0 : i32
    return %c0_i32, %c0_i32_0 : i32, i32
  }
  func.func @transform_3(%arg0: i32) -> (i32, i32) {
    %c0_i32 = arith.constant 0 : i32
    %c0_i32_0 = arith.constant 0 : i32
    return %arg0, %c0_i32 : i32, i32
  }
  func.func @transform_4(%arg0: i32) -> (i32, i32) {
    %c0_i32 = arith.constant 0 : i32
    %c0_i32_0 = arith.constant 0 : i32
    return %arg0, %c0_i32 : i32, i32
  }
}

module attributes {stable_mosaic.version = 14 : i64} {
  func.func @body(%arg0: i32, %arg1: memref<2x2000x128xf32, #tpu.memory_space<vmem>>, %arg2: memref<2000x128xf32, #tpu.memory_space<vmem>>, %arg3: memref<2000x1xf32, #tpu.memory_space<vmem>>, %arg4: memref<1x128xf32, #tpu.memory_space<vmem>>, %arg5: memref<128x128xf32, #tpu.memory_space<vmem>>, %arg6: memref<2000x128xf32, #tpu.memory_space<vmem>>) attributes {dimension_semantics = [#tpu.dimension_semantics<arbitrary>], iteration_bounds = array<i64: 5>, scalar_prefetch = 0 : i64, scratch_operands = 0 : i64, tpu.core_type = #tpu.core_type<tc>, window_params = [{transform_indices = @transform_0, window_bounds = array<i64: 2, 2000, 128>}, {transform_indices = @transform_1, window_bounds = array<i64: 2000, 128>}, {transform_indices = @transform_2, window_bounds = array<i64: 2000, 1>}, {pipeline_mode = #tpu.pipeline_mode<synchronous>, transform_indices = @transform_3, window_bounds = array<i64: 1, 128>}, {pipeline_mode = #tpu.pipeline_mode<synchronous>, transform_indices = @transform_4, window_bounds = array<i64: 128, 128>}, {transform_indices = @transform_5, window_bounds = array<i64: 2000, 128>}]} {
    %get3A = arith.constant 0 : index
    %get3A_0 = arith.constant 0 : index
    %get3A_1 = arith.constant 0 : index
    %get3A_2 = vector.load %arg1[%get3A, %get3A_0, %get3A_1] : memref<2x2000x128xf32, #tpu.memory_space<vmem>>, vector<1x2000x128xf32>
    %get3A_3 = vector.shape_cast %get3A_2 : vector<1x2000x128xf32> to vector<2000x128xf32>
    %get3A_4 = arith.constant 1 : index
    %get3A_5 = arith.constant 0 : index
    %get3A_6 = arith.constant 0 : index
    %get3A_7 = vector.load %arg1[%get3A_4, %get3A_5, %get3A_6] : memref<2x2000x128xf32, #tpu.memory_space<vmem>>, vector<1x2000x128xf32>
    %get3A_8 = vector.shape_cast %get3A_7 : vector<1x2000x128xf32> to vector<2000x128xf32>
    %add3A = arith.addf %get3A_3, %get3A_8 : vector<2000x128xf32>
    %get3A_9 = arith.constant 0 : index
    %get3A_10 = arith.constant 0 : index
    %get3A_11 = vector.load %arg2[%get3A_9, %get3A_10] : memref<2000x128xf32, #tpu.memory_space<vmem>>, vector<2000x128xf32>
    %add3A_12 = arith.addf %add3A, %get3A_11 : vector<2000x128xf32>
    %get3A_13 = arith.constant 0 : index
    %get3A_14 = arith.constant 0 : index
    %get3A_15 = vector.load %arg3[%get3A_13, %get3A_14] : memref<2000x1xf32, #tpu.memory_space<vmem>>, vector<2000x1xf32>
    %mul3A = vector.broadcast %get3A_15 : vector<2000x1xf32> to vector<2000x128xf32>
    %mul3A_16 = arith.mulf %add3A_12, %mul3A : vector<2000x128xf32>
    %get3A_17 = arith.constant 0 : index
    %get3A_18 = arith.constant 0 : index
    %get3A_19 = vector.load %arg4[%get3A_17, %get3A_18] : memref<1x128xf32, #tpu.memory_space<vmem>>, vector<1x128xf32>
    %add3A_20 = vector.broadcast %get3A_19 : vector<1x128xf32> to vector<2000x128xf32>
    %add3A_21 = arith.addf %mul3A_16, %add3A_20 : vector<2000x128xf32>
    %max3A = arith.constant 0.000000e+00 : f32
    %max3A_22 = vector.broadcast %max3A : f32 to vector<2000x128xf32>
    %max3A_23 = arith.maximumf %add3A_21, %max3A_22 : vector<2000x128xf32>
    %get3A_24 = arith.constant 0 : index
    %get3A_25 = arith.constant 0 : index
    %get3A_26 = vector.load %arg5[%get3A_24, %get3A_25] : memref<128x128xf32, #tpu.memory_space<vmem>>, vector<128x128xf32>
    %dot_general3A = arith.constant dense<0.000000e+00> : vector<2000x128xf32>
    %dot_general3A_27 = tpu.matmul %max3A_23, %get3A_26, %dot_general3A {dimension_numbers = #tpu.dot_dimension_numbers<[1], [0], [0], [1], [0, 0, 1, 1], [], []>, transpose_lhs_hint = false} : vector<2000x128xf32>, vector<128x128xf32>, vector<2000x128xf32> -> vector<2000x128xf32>
    %get3A_28 = arith.constant 0 : index
    %get3A_29 = arith.constant 0 : index
    %get3A_30 = vector.load %arg3[%get3A_28, %get3A_29] : memref<2000x1xf32, #tpu.memory_space<vmem>>, vector<2000x1xf32>
    %mul3A_31 = vector.broadcast %get3A_30 : vector<2000x1xf32> to vector<2000x128xf32>
    %mul3A_32 = arith.mulf %dot_general3A_27, %mul3A_31 : vector<2000x128xf32>
    %swap3A = arith.constant 0 : index
    %swap3A_33 = arith.constant 0 : index
    %swap3A_34 = vector.load %arg6[%swap3A, %swap3A_33] : memref<2000x128xf32, #tpu.memory_space<vmem>>, vector<2000x128xf32>
    tpu.vector_store %arg6[%swap3A, %swap3A_33], %mul3A_32 {strides = array<i32>} : memref<2000x128xf32, #tpu.memory_space<vmem>>, vector<2000x128xf32>,
    return
  }
  func.func @transform_0(%arg0: i32) -> (i32, i32, i32) {
    %c0_i32 = arith.constant 0 : i32
    %c0_i32_0 = arith.constant 0 : i32
    %c0_i32_1 = arith.constant 0 : i32
    return %c0_i32, %arg0, %c0_i32_0 : i32, i32, i32
  }
  func.func @transform_1(%arg0: i32) -> (i32, i32) {
    %c0_i32 = arith.constant 0 : i32
    %c0_i32_0 = arith.constant 0 : i32
    return %arg0, %c0_i32 : i32, i32
  }
  func.func @transform_2(%arg0: i32) -> (i32, i32) {
    %c0_i32 = arith.constant 0 : i32
    %c0_i32_0 = arith.constant 0 : i32
    return %arg0, %c0_i32 : i32, i32
  }
  func.func @transform_3(%arg0: i32) -> (i32, i32) {
    %c0_i32 = arith.constant 0 : i32
    %c0_i32_0 = arith.constant 0 : i32
    %c0_i32_1 = arith.constant 0 : i32
    return %c0_i32, %c0_i32_0 : i32, i32
  }
  func.func @transform_4(%arg0: i32) -> (i32, i32) {
    %c0_i32 = arith.constant 0 : i32
    %c0_i32_0 = arith.constant 0 : i32
    %c0_i32_1 = arith.constant 0 : i32
    return %c0_i32, %c0_i32_0 : i32, i32
  }
  func.func @transform_5(%arg0: i32) -> (i32, i32) {
    %c0_i32 = arith.constant 0 : i32
    %c0_i32_0 = arith.constant 0 : i32
    return %arg0, %c0_i32 : i32, i32
  }
}

module attributes {stable_mosaic.version = 14 : i64} {
  func.func @body(%arg0: i32, %arg1: memref<2x2000x128xf32, #tpu.memory_space<vmem>>, %arg2: memref<2000x128xf32, #tpu.memory_space<vmem>>, %arg3: memref<2000x1xf32, #tpu.memory_space<vmem>>, %arg4: memref<1x128xf32, #tpu.memory_space<vmem>>, %arg5: memref<2000x128xf32, #tpu.memory_space<vmem>>) attributes {dimension_semantics = [#tpu.dimension_semantics<arbitrary>], iteration_bounds = array<i64: 5>, scalar_prefetch = 0 : i64, scratch_operands = 0 : i64, tpu.core_type = #tpu.core_type<tc>, window_params = [{transform_indices = @transform_0, window_bounds = array<i64: 2, 2000, 128>}, {transform_indices = @transform_1, window_bounds = array<i64: 2000, 128>}, {transform_indices = @transform_2, window_bounds = array<i64: 2000, 1>}, {pipeline_mode = #tpu.pipeline_mode<synchronous>, transform_indices = @transform_3, window_bounds = array<i64: 1, 128>}, {transform_indices = @transform_4, window_bounds = array<i64: 2000, 128>}]} {
    %get3A = arith.constant 0 : index
    %get3A_0 = arith.constant 0 : index
    %get3A_1 = arith.constant 0 : index
    %get3A_2 = vector.load %arg1[%get3A, %get3A_0, %get3A_1] : memref<2x2000x128xf32, #tpu.memory_space<vmem>>, vector<1x2000x128xf32>
    %get3A_3 = vector.shape_cast %get3A_2 : vector<1x2000x128xf32> to vector<2000x128xf32>
    %get3A_4 = arith.constant 1 : index
    %get3A_5 = arith.constant 0 : index
    %get3A_6 = arith.constant 0 : index
    %get3A_7 = vector.load %arg1[%get3A_4, %get3A_5, %get3A_6] : memref<2x2000x128xf32, #tpu.memory_space<vmem>>, vector<1x2000x128xf32>
    %get3A_8 = vector.shape_cast %get3A_7 : vector<1x2000x128xf32> to vector<2000x128xf32>
    %add3A = arith.addf %get3A_3, %get3A_8 : vector<2000x128xf32>
    %get3A_9 = arith.constant 0 : index
    %get3A_10 = arith.constant 0 : index
    %get3A_11 = vector.load %arg2[%get3A_9, %get3A_10] : memref<2000x128xf32, #tpu.memory_space<vmem>>, vector<2000x128xf32>
    %add3A_12 = arith.addf %add3A, %get3A_11 : vector<2000x128xf32>
    %get3A_13 = arith.constant 0 : index
    %get3A_14 = arith.constant 0 : index
    %get3A_15 = vector.load %arg3[%get3A_13, %get3A_14] : memref<2000x1xf32, #tpu.memory_space<vmem>>, vector<2000x1xf32>
    %mul3A = vector.broadcast %get3A_15 : vector<2000x1xf32> to vector<2000x128xf32>
    %mul3A_16 = arith.mulf %add3A_12, %mul3A : vector<2000x128xf32>
    %get3A_17 = arith.constant 0 : index
    %get3A_18 = arith.constant 0 : index
    %get3A_19 = vector.load %arg4[%get3A_17, %get3A_18] : memref<1x128xf32, #tpu.memory_space<vmem>>, vector<1x128xf32>
    %add3A_20 = vector.broadcast %get3A_19 : vector<1x128xf32> to vector<2000x128xf32>
    %add3A_21 = arith.addf %mul3A_16, %add3A_20 : vector<2000x128xf32>
    %swap3A = arith.constant 0 : index
    %swap3A_22 = arith.constant 0 : index
    %swap3A_23 = vector.load %arg5[%swap3A, %swap3A_22] : memref<2000x128xf32, #tpu.memory_space<vmem>>, vector<2000x128xf32>
    tpu.vector_store %arg5[%swap3A, %swap3A_22], %add3A_21 {strides = array<i32>} : memref<2000x128xf32, #tpu.memory_space<vmem>>, vector<2000x128xf32>,
    return
  }
  func.func @transform_0(%arg0: i32) -> (i32, i32, i32) {
    %c0_i32 = arith.constant 0 : i32
    %c0_i32_0 = arith.constant 0 : i32
    %c0_i32_1 = arith.constant 0 : i32
    return %c0_i32, %arg0, %c0_i32_0 : i32, i32, i32
  }
  func.func @transform_1(%arg0: i32) -> (i32, i32) {
    %c0_i32 = arith.constant 0 : i32
    %c0_i32_0 = arith.constant 0 : i32
    return %arg0, %c0_i32 : i32, i32
  }
  func.func @transform_2(%arg0: i32) -> (i32, i32) {
    %c0_i32 = arith.constant 0 : i32
    %c0_i32_0 = arith.constant 0 : i32
    return %arg0, %c0_i32 : i32, i32
  }
  func.func @transform_3(%arg0: i32) -> (i32, i32) {
    %c0_i32 = arith.constant 0 : i32
    %c0_i32_0 = arith.constant 0 : i32
    %c0_i32_1 = arith.constant 0 : i32
    return %c0_i32, %c0_i32_0 : i32, i32
  }
  func.func @transform_4(%arg0: i32) -> (i32, i32) {
    %c0_i32 = arith.constant 0 : i32
    %c0_i32_0 = arith.constant 0 : i32
    return %arg0, %c0_i32 : i32, i32
  }
}

</mosaic_0001>

<sc_bundles>
// kernel: kernel.10.cloned.1.call-start
scs
__scs_entry_jumppad:
0x0: {  	(pc) =	sbr.rel $0x88, $3  }
0x1: {  	(tag) =	ssettag $0x0;
	lr =	simm.s32 $0x1  }
0x2: {  	[smem:$0x3F99] =	sst lr;
	_ =	strace $0xD0000000  }
0x3: {  	_ = 	snop  }
0x4: {  	_ = 	snop  }
0x5: {  	_ = 	snop  }
0x6: {  	_ = 	snop  }
0x7: {  	_ = 	snop  }
__scs_overlays_trampoline_lowered:
0x8: {  	[smem:$0x3FA8] =	sst s0  }
0x9: {  	[smem:$0x3FA9] =	sst s1  }
0xa: {  	[smem:$0x3FAA] =	sst s2  }
0xb: {  	[smem:$0x3FAB] =	sst s3  }
0xc: {  	[smem:$0x3FAC] =	sst s4  }
0xd: {  	[smem:$0x3FAD] =	sst s5  }
0xe: {  	[smem:$0x3FAE] =	sst s6  }
0xf: {  	[smem:$0x3FAF] =	sst s7  }
0x10: {  	[smem:$0x3FB0] =	sst s8  }
0x11: {  	[smem:$0x3FB1] =	sst s9;
	s0 =	simm.s32 @!p0 $0x0  }
0x12: {  	s1 =	sld [smem:$0x3F97];
	s0 =	simm.s32 @p0 $0x1  }
0x13: {  	[smem:$0x3FB2] =	sst s0;
	s0 =	simm.s32 @!p1 $0x0  }
0x14: {  	s2 =	sld [smem:$0x3F96];
	s0 =	simm.s32 @p1 $0x1  }
0x15: {  	[smem:$0x3FB3] =	sst s0;
	s0 =	simm.s32 @!p2 $0x0  }
0x16: {  	s3 =	sld [smem:$0x3FDB];
	s0 =	simm.s32 @p2 $0x1  }
0x17: {  	s4 =	simm.s32 $0x1BF5;
	[smem:$0x3FB5] =	sst s0  }
0x18: {  	s0 =	sld [smem:$0x3F98];
	_ =	swait.ge [sflag:s4], $0x0  }
0x19: {  	s7 =	sld [smem:$0x3F99]  }
0x1a: {  	s8 =	sadd.s32 $0xFFFFE003, lr  }
0x1b: {  	s9 =	sadd.s32 $0xFFFFFEF7, lr;
	s5 =	simm.s32 $0xFFFFFFFF;
	p2 =	slt.u32 s8, $0xFFFFF086  }
0x1c: {  	p1 =	slt.u32 s9, $0xF7A;
	s5 =	simm.s32 @!p2 $0x0  }
0x1d: {  	s5 =	simm.s32 @p1 $0x1;
	p0 =	seq.s32 s7, s2  }
0x1e: {  	s7 =	smul.u32 @!p0 $0xF7A, s2;
	p2 =	seq.s32 @!p0 s5, $0x0  }
0x1f: {  	s9 =	smul.u32 $0xF7A, s1;
	s8 =	simm.s32 @!p0 $0x1BF5;
	p2 =	por !p2, p0  }
0x20: {  	[sflag:s8] =	ssyncset.s32 @!p0 $0xFFFFF086;
	s6 =	sadd.s32 @!p0 s3, s7;
	s7 =	simm.s32 @!p0 $0x108  }
0x21: {  	s3 =	sadd.s32 s3, s9;
	s6 =	sadd.s32 @!p0 $0x88, s6;
	s7 =	simm.s32 @p2 $0x1082  }
0x22: {  	[simem:s7], [sflag:s8] =	dma.local @!p0 [hbm:s6], $0xF7A  }
0x23: {  	s9 =	sor.u32 $0xD0000000, s2;
	s6 =	simm.s32 $0x108;
	_ =	swait.ge @!p0 [sflag:s8], $0x0  }
0x24: {  	s3 =	sadd.s32 $0x88, s3;
	s6 =	simm.s32 @!p1 $0x1082;
	[sflag:s4] =	ssyncset.s32 $0xFFFFF086  }
0x25: {  	[simem:s6], [sflag:s4] =	dma.local [hbm:s3], $0xF7A  }
0x26: {  	[smem:$0x3F99] =	sst s1;
	(tag) =	ssettag s2;
	_ =	strace s9  }
0x27: {  	s1 =	sld [smem:$0x3FA9]  }
0x28: {  	s2 =	sld [smem:$0x3FAA]  }
0x29: {  	s4 =	sld [smem:$0x3FAC]  }
0x2a: {  	p0 =	seq.s32 s5, $0x0;
	s5 =	sld [smem:$0x3FAD]  }
0x2b: {  	s6 =	sld [smem:$0x3FAE]  }
0x2c: {  	s7 =	sld [smem:$0x3FAF]  }
0x2d: {  	s3 =	simm.s32 $0x108;
	s8 =	sld [smem:$0x3FB0]  }
0x2e: {  	s3 =	simm.s32 @!p0 $0x1082;
	s9 =	sld [smem:$0x3FB1]  }
0x2f: {  	lr =	sadd.s32 s0, s3;
	s0 =	sld [smem:$0x3FA8]  }
0x30: {  	s3 =	sld [smem:$0x3FAB]  }
0x31: {  	[smem:$0x3FB4] =	sst s10  }
0x32: {  	s10 =	sld [smem:$0x3FB2];
	_ =	sdelay $0x3  }
0x33: {  	p0 =	seq.s32 s10, $0x1;
	s10 =	sld [smem:$0x3FB4];
	_ =	sdelay $0x3  }
0x34: {  	[smem:$0x3FB4] =	sst s10  }
0x35: {  	s10 =	sld [smem:$0x3FB3];
	_ =	sdelay $0x3  }
0x36: {  	p1 =	seq.s32 s10, $0x1;
	s10 =	sld [smem:$0x3FB4];
	_ =	sdelay $0x3  }
0x37: {  	[smem:$0x3FB4] =	sst s10  }
0x38: {  	s10 =	sld [smem:$0x3FB5]  }
0x39: {  	_ = 	snop;
	(pc) =	sbr.ind lr, $3  }
0x3a: {  	_ = 	snop  }
0x3b: {  	_ = 	snop  }
0x3c: {  	p2 =	seq.s32 s10, $0x1;
	s10 =	sld [smem:$0x3FB4]  }
0x3d: {  	_ =	shalt  }
0x3e: {  	_ =	shalt  }
0x3f: {  	_ =	shalt  }
0x40: {  	_ =	shalt  }
0x41: {  	_ =	shalt  }
0x42: {  	_ =	shalt  }
0x43: {  	_ =	shalt  }
0x44: {  	_ =	shalt  }
0x45: {  	_ =	shalt  }
0x46: {  	_ =	shalt  }
0x47: {  	_ =	shalt  }
0x48: {  	_ =	shalt  }
0x49: {  	_ =	shalt  }
0x4a: {  	_ =	shalt  }
0x4b: {  	_ =	shalt  }
0x4c: {  	_ =	shalt  }
0x4d: {  	_ =	shalt  }
0x4e: {  	_ =	shalt  }
0x4f: {  	_ =	shalt  }
0x50: {  	_ =	shalt  }
0x51: {  	_ =	shalt  }
0x52: {  	_ =	shalt  }
0x53: {  	_ =	shalt  }
0x54: {  	_ =	shalt  }
0x55: {  	_ =	shalt  }
0x56: {  	_ =	shalt  }
0x57: {  	_ =	shalt  }
0x58: {  	_ =	shalt  }
0x59: {  	_ =	shalt  }
0x5a: {  	_ =	shalt  }
0x5b: {  	_ =	shalt  }
0x5c: {  	_ =	shalt  }
0x5d: {  	_ =	shalt  }
0x5e: {  	_ =	shalt  }
0x5f: {  	_ =	shalt  }
0x60: {  	_ =	shalt  }
0x61: {  	_ =	shalt  }
0x62: {  	_ =	shalt  }
0x63: {  	_ =	shalt  }
0x64: {  	_ =	shalt  }
0x65: {  	_ =	shalt  }
0x66: {  	_ =	shalt  }
0x67: {  	_ =	shalt  }
0x68: {  	_ =	shalt  }
0x69: {  	_ =	shalt  }
0x6a: {  	_ =	shalt  }
0x6b: {  	_ =	shalt  }
0x6c: {  	_ =	shalt  }
0x6d: {  	_ =	shalt  }
0x6e: {  	_ =	shalt  }
0x6f: {  	_ =	shalt  }
0x70: {  	_ =	shalt  }
0x71: {  	_ =	shalt  }
0x72: {  	_ =	shalt  }
0x73: {  	_ =	shalt  }
0x74: {  	_ =	shalt  }
0x75: {  	_ =	shalt  }
0x76: {  	_ =	shalt  }
0x77: {  	_ =	shalt  }
0x78: {  	_ =	shalt  }
0x79: {  	_ =	shalt  }
0x7a: {  	_ =	shalt  }
0x7b: {  	_ =	shalt  }
0x7c: {  	_ =	shalt  }
0x7d: {  	_ =	shalt  }
0x7e: {  	_ =	shalt  }
0x7f: {  	_ =	shalt  }
0x80: {  	_ =	shalt  }
0x81: {  	_ =	shalt  }
0x82: {  	_ =	shalt  }
0x83: {  	_ =	shalt  }
0x84: {  	_ =	shalt  }
0x85: {  	_ =	shalt  }
0x86: {  	_ =	shalt  }
0x87: {  	_ =	shalt  }
.Lfunc_end0:
.L_simem_size_0:
called_computation_lowered:
.L_overlay_start_0:
0x88: {  	s2 =	sld [smem:$0x3FD9]  }
0x89: {  	s3 =	sld [smem:$0x3FFE];
	_ =	sdelay $0x1  }
0x8a: {  	s1 =	srdreg.scid  }
0x8b: {  	s0 =	sand.u32 $0x1, s1  }
0x8c: {  	s17 =	sshll.u32 s0, $0xA;
	s2 =	sadd.s32 s3, s2  }
0x8d: {  	s2 =	sadd.s32 s2, s17  }
0x8e: {  	[smem:$0x3FC0] =	sst s2  }
0x8f: {  	_ = 	snop  }
0x90: {  	s2 =	sld [smem:$0x3FD0];
	(tm) =	ssettm $0x1  }
0x91: {  	s18 =	sld [smem:$0x3FFB];
	_ =	sdelay $0x3  }
0x92: {  	_ =	strace s18  }
0x93: {  	s3 =	sld [smem:$0x3FFC];
	_ =	sdelay $0x3  }
0x94: {  	_ =	strace s3  }
0x95: {  	s3 =	sld [smem:$0x3FFD];
	_ =	sdelay $0x3  }
0x96: {  	_ =	strace s3  }
0x97: {  	_ =	strace $0x8FFFFFFF  }
0x98: {  	s19 =	sld [smem:$0x3FDB];
	_ =	sdelay $0x1  }
0x99: {  	s4 =	simm.s32 $_scs_section_size  }
0x9a: {  	s5 =	simm.s32 $_size__tile_overlayer_lowered;
	s6 =	simm.s32 $_tile_overlayer_lowered  }
0x9b: {  	s22 =	simm.s32 $0x1BFF;
	s21 =	sshll.u32 s6, $0x1;
	s3 =	sadd.s32 s4, s19  }
0x9c: {  	s7 =	simm.s32 $0x0;
	s20 =	sshll.u32 s5, $0x1;
	s5 =	sadd.s32 s21, s3  }
0x9d: {  	[timem:s7], [sflag:s22] =	dma.local [hbm:s5], s20  }
0x9e: {  	_ =	swait.ge [sflag:s22], s20  }
0x9f: {  	s4 =	ssub.s32 $0x0, s20;
	[sflag:s22] =	ssyncset.done $0x0  }
0xa0: {  	[sflag:s22] =	ssyncadd.s32 s4;
	_ =	sdelay $0x1  }
0xa1: {  	s23 =	simm.s32 $0x1B8B  }
0xa2: {  	_ =	swait.ge [sflag:s23], $0x1  }
0xa3: {  	[sflag:s23] =	ssyncset.done $0x0  }
0xa4: {  	s25 =	simm.s32 $0x1B8E;
	s24 =	sld [smem:$0x3FFE];
	[sflag:s23] =	ssyncadd.s32 $0xFFFFFFFF  }
0xa5: {  	s26 =	simm.s32 $execute0_lowered;
	[smem:$0x3FD2] =	sst s25  }
0xa6: {  	s5 =	sshll.u32 s26, $0x1;
	_ =	strace $0x80000046;
	[dreg:$0x1] =	wrdreg $0xFFFFFFFF  }
0xa7: {  	s28 =	simm.s32 $_size_execute0_lowered;
	s3 =	sadd.s32 s3, s5;
	[dreg:$0x0] =	wrdreg $0x0  }
0xa8: {  	s5 =	sshll.u32 s28, $0x1;
	[dreg:$0x2] =	wrdreg s3  }
0xa9: {  	[dreg:$0x3] =	wrdreg s5  }
0xaa: {  	[dreg:$0x4] =	wrdreg $0xC0  }
0xab: {  	_ =	task [dreg:s7], $0x5FFFF  }
0xac: {  	[dreg:$0x1] =	wrdreg $0xFFFFFFFF  }
0xad: {  	[dreg:$0x0] =	wrdreg $0x60  }
0xae: {  	[dreg:$0x2] =	wrdreg s2  }
0xaf: {  	[dreg:$0x3] =	wrdreg s24  }
0xb0: {  	[dreg:$0x4] =	wrdreg $0x2A800  }
0xb1: {  	[dreg:$0x5] =	wrdreg $0x9  }
0xb2: {  	_ =	task.clear_ibuf [dreg:s7], $0x6FFFF;
	_ =	strace $0x90000046  }
0xb3: {  	s29 =	simm.s32 $0x9;
	_ =	strace $0x80000048  }
0xb4: {  	_ =	swait.ge [sflag:s29], $0x1  }
0xb5: {  	[sflag:s29] =	ssyncadd.s32 $0xFFFFFFFF  }
0xb6: {  	_ =	strace $0x90000048  }
0xb7: {  	_ =	sfence  }
0xb8: {  	s30 =	sld [smem:$0x0];
	_ =	sdelay $0x2  }
0xb9: {  	s31 =	sshll.u32 s1, $0xD;
	s1 =	sshrl.u32 s1, $0x2  }
0xba: {  	s3 =	sand.u32 $0x4000, s31;
	s1 =	sadd.s32 s1, s30  }
0xbb: {  	s0 =	sor.u32 s3, s0;
	s1 =	sshll.u32 s1, $0x11  }
0xbc: {  	s0 =	sor.u32 s1, s0  }
0xbd: {  	s0 =	sadd.s32 $0x8F2B, s0  }
0xbe: {  	[sflag:s0] =	ssyncadd.remote.s32 $0x1  }
0xbf: {  	_ =	sfence.sel $0xFFFF  }
0xc0: {  	[dreg:$0x0] =	wrdreg $0xFFFFFFFF;
	(pc) =	sbr.abs _section_cstart, $3  }
0xc1: {  	[dreg:$0x1] =	wrdreg $0xFFFFFFFF  }
0xc2: {  	_ =	task.clear_ibuf [dreg:s7], $0x2FFFF;
	_ =	strace $0x9FFFFFFF  }
0xc3: {  	(tm) =	ssettm $0x7FFFFFFF  }
tec
execute0_lowered:
.L_overlay_start_1:
0x0: {  	(tag) =	ssettag $0x1  }
0x1: {  	s2 =	rddreg [dreg:$0x0]  }
0x2: {  	s0 =	rddreg [dreg:$0x1]  }
0x3: {  	s3 =	rddreg [dreg:$0x2]  }
0x4: {  	s10 =	stileid.u32;
	s1 =	srdreg.scid  }
0x5: {  	s4 =	simm.s32 $0x0;
	s28 =	simm.s32 $0x50;
	s29 =	simm.s32 $0x2  }
0x6: {  	s30 =	simm.s32 $0x3;
	s31 =	simm.s32 $0x4;
	s5 =	smul.u32 $0x14000, s10  }
0x7: {  	s1 =	sand.u32 $0x1, s1;
	[smem:$0x7FF] =	sst s4;
	s13 =	smul.u32 $0x50000, s10  }
0x8: {  	s12 =	sadd.s32 $0x34200, s0;
	s6 =	smul.u32 $0x140000, s1;
	_ =	strace $0x80000047  }
0x9: {  	s7 =	sshll.u32 s1, $0x4;
	[dreg:$0x4] =	wrdreg s12;
	s14 =	ssub.s32 $0x2, s1  }
0xa: {  	s1 =	smul.u32 $0x27100, s1;
	s8 =	sshrl.u32 s5, $0x3;
	s9 =	sor.u32 s10, s7  }
0xb: {  	s10 =	smul.u32 $0x2710, s10;
	s7 =	simm.s32 $0x8;
	s5 =	sadd.s32 s5, s6  }
0xc: {  	s11 =	sadd.s32 s8, s0;
	s6 =	smul.u32 $0x2710, s9;
	s9 =	sshrl.u32 s14, $0x1  }
0xd: {  	s5 =	sshrl.u32 s5, $0x3;
	s8 =	ssub.s32 s14, s9;
	s1 =	sadd.s32 s10, s1  }
0xe: {  	s19 =	sadd.s32 $0xC200, s11;
	s9 =	simm.s32 $0xA;
	s10 =	simm.s32 $0x0  }
0xf: {  	s0 =	sadd.s32 s5, s0;
	s6 =	sshrl.u32 s6, $0x3;
	s5 =	sshrl.u32 s13, $0x2  }
0x10: {  	s18 =	sadd.s32 $0x2D0, s1;
	[dreg:$0xb] =	wrdreg s19;
	s21 =	smax.u32 s8, $0x1  }
0x11: {  	s22 =	sadd.s32 $0x280, s1;
	s23 =	sadd.s32 $0x230, s1;
	s24 =	sadd.s32 $0x1E0, s1  }
0x12: {  	s13 =	sadd.s32 $0x190, s1;
	s1 =	simm.s32 $0x6;
	s8 =	simm.s32 $0x9  }
0x13: {  	s6 =	sadd.s32 s2, s6;
	s5 =	sadd.s32 s5, s3;
	s0 =	sadd.s32 $0x34800, s0  }
0x14: {  	s20 =	sshrl.u32 s18, $0x3;
	[dreg:$0xd] =	wrdreg s21;
	s25 =	sshrl.u32 s23, $0x3  }
0x15: {  	s26 =	sshrl.u32 s24, $0x3;
	s21 =	simm.s32 $0xB;
	[dreg:$0x5] =	wrdreg s6  }
0x16: {  	s23 =	simm.s32 $0x100;
	s24 =	simm.s32 $0x180;
	[dreg:$0xa] =	wrdreg s5  }
0x17: {  	s15 =	sadd.s32 $0xA, s6;
	s16 =	sadd.s32 $0x14, s6;
	[dreg:$0xc] =	wrdreg s0  }
0x18: {  	s17 =	sadd.s32 $0x1E, s6;
	s6 =	sadd.s32 $0x28, s6;
	[dreg:$0x6] =	wrdreg s15  }
.Ltmp0:
0x19: {  	s0 =	sshrl.u32 s22, $0x3;
	[dreg:$0x7] =	wrdreg s16;
	(pc) =	sbr.rel .LBB2_1-.Ltmp0, $4  }
0x1a: {  	s18 =	sadd.s32 s26, s2;
	s22 =	simm.s32 $0x80;
	[dreg:$0x8] =	wrdreg s17  }
0x1b: {  	s26 =	simm.s32 $0x1;
	s5 =	simm.s32 $0x7;
	[dreg:$0x9] =	wrdreg s6  }
0x1c: {  	s15 =	sadd.s32 s20, s2;
	s16 =	sadd.s32 s0, s2;
	s17 =	sadd.s32 s25, s2  }
0x1d: {  	s20 =	simm.s32 $0x280;
	s25 =	simm.s32 $0x200;
	s0 =	simm.s32 $0x5  }
.LBB2_4:
0x1e: {  	_ =	swait.ge [sflag:s5], $0x2800  }
0x1f: {  	[sflag:s5] =	ssyncset.done $0x0  }
0x20: {  	[sflag:s5] =	ssyncadd.s32 $0xFFFFD800  }
0x21: {  	_ =	swait.ge [sflag:s7], $0x2800  }
0x22: {  	[sflag:s7] =	ssyncset.done $0x0  }
0x23: {  	[sflag:s7] =	ssyncadd.s32 $0xFFFFD800  }
0x24: {  	_ =	swait.ge [sflag:s8], $0x2800  }
0x25: {  	[sflag:s8] =	ssyncset.done $0x0  }
0x26: {  	[sflag:s8] =	ssyncadd.s32 $0xFFFFD800  }
0x27: {  	_ =	swait.ge [sflag:s9], $0x2800  }
0x28: {  	[sflag:s9] =	ssyncset.done $0x0  }
0x29: {  	[sflag:s9] =	ssyncadd.s32 $0xFFFFD800  }
0x2a: {  	[bflag:$0x0] =	sbarrier.arrive $0xFFFF  }
0x2b: {  	s6 =	rddreg [dreg:$0xc]  }
0x2c: {  	[hbm:s6], [sflag:s11] =	dma.local [spmem:s12], $0x2800  }
0x2d: {  	_ =	swait.ge [sflag:s21], $0x2800  }
0x2e: {  	s10 =	sadd.s32 $0x1, s10;
	s19 =	rddreg [dreg:$0xd]  }
0x2f: {  	p0 =	sne.s32 s10, s19  }
.Ltmp1:
0x30: {  	_ = 	snop;
	(pc) =	sbr.rel @!p0 .LBB2_5-.Ltmp1, $3  }
0x31: {  	_ =	sdelay $0x1  }
0x32: {  	[sflag:s21] =	ssyncset.done $0x0  }
0x33: {  	[sflag:s21] =	ssyncadd.s32 $0xFFFFD800  }
.LBB2_1:
0x34: {  	s6 =	rddreg [dreg:$0x4]  }
0x35: {  	[tilespmem:s20], [sflag:$0xB] =	stream.linear.gather [hbm4b:s6+s4], $0x2800, $0x38;
	[tilespmem:$0x16A80] =	vst v63  }
0x36: {  	_ =	swait.ge [sflag:s21], $0x2800  }
0x37: {  	[sflag:s21] =	ssyncset.done $0x0  }
0x38: {  	s11 =	rddreg [dreg:$0x5];
	[sflag:s21] =	ssyncadd.s32 $0xFFFFD800  }
0x39: {  	[tilespmem:s4], [sflag:$0x1] =	stream.linear.gather [hbm4b:s11+s4], $0x50, $0x38;
	[tilespmem:$0x16A80] =	vst v63  }
0x3a: {  	s12 =	rddreg [dreg:$0x6]  }
0x3b: {  	[tilespmem:s22], [sflag:$0x2] =	stream.linear.gather [hbm4b:s12+s4], $0x50, $0x38;
	[tilespmem:$0x16A80] =	vst v63  }
0x3c: {  	s14 =	rddreg [dreg:$0x7]  }
0x3d: {  	[tilespmem:s23], [sflag:$0x3] =	stream.linear.gather [hbm4b:s14+s4], $0x50, $0x38;
	[tilespmem:$0x16A80] =	vst v63  }
0x3e: {  	s19 =	rddreg [dreg:$0x8]  }
0x3f: {  	[tilespmem:s24], [sflag:$0x4] =	stream.linear.gather [hbm4b:s19+s4], $0x50, $0x38;
	[tilespmem:$0x16A80] =	vst v63  }
0x40: {  	s11 =	rddreg [dreg:$0x9];
	s12 =	stileid.u32  }
0x41: {  	[tilespmem:s25], [sflag:$0x5] =	stream.linear.gather [hbm4b:s11+s4], $0x50, $0x38;
	[tilespmem:$0x16A80] =	vst v63  }
0x42: {  	s14 =	rddreg [dreg:$0xa];
	s11 =	sshll.u32 s12, $0x6  }
0x43: {  	s19 =	rddreg [dreg:$0xb];
	s12 =	sshrl.u32 s14, $0x3;
	s11 =	sor.u32 $0x1C0B, s11  }
0x44: {  	[spmem:s12], [sflag:s11] =	dma.local [hbm:s19], $0x2800  }
0x45: {  	_ =	swait.ge [sflag:s21], $0x2800  }
0x46: {  	[sflag:s21] =	ssyncset.done $0x0  }
0x47: {  	[sflag:s21] =	ssyncadd.s32 $0xFFFFD800  }
0x48: {  	s14 =	simm.s32 $0x0;
	s19 =	smov.u32 s13;
	[bflag:$0x0] =	sbarrier.arrive $0xFFFF  }
.LBB2_2:
0x49: {  	_ =	swait.ge [sflag:s26], $0x50  }
0x4a: {  	[sflag:s26] =	ssyncset.done $0x0  }
0x4b: {  	[sflag:s26] =	ssyncadd.s32 $0xFFFFFFB0  }
0x4c: {  	[spmem:s3] =	stream.indirect.scatter.add.f32 [tilespmem:s20], [sflag:$0x6], $0x80, s4, s28, $0xb8;
	[tilespmem:$0x16A80] =	vst v63  }
0x4d: {  	_ =	swait.ge [sflag:s29], $0x50  }
0x4e: {  	[sflag:s29] =	ssyncset.done $0x0  }
0x4f: {  	[sflag:s29] =	ssyncadd.s32 $0xFFFFFFB0  }
0x50: {  	[spmem:s3] =	stream.indirect.scatter.add.f32 [tilespmem:s20], [sflag:$0x7], $0x80, s22, s28, $0xb8;
	[tilespmem:$0x16A80] =	vst v63  }
0x51: {  	_ =	swait.ge [sflag:s30], $0x50  }
0x52: {  	[sflag:s30] =	ssyncset.done $0x0  }
0x53: {  	[sflag:s30] =	ssyncadd.s32 $0xFFFFFFB0  }
0x54: {  	[spmem:s3] =	stream.indirect.scatter.add.f32 [tilespmem:s20], [sflag:$0x8], $0x80, s23, s28, $0xb8;
	[tilespmem:$0x16A80] =	vst v63  }
0x55: {  	_ =	swait.ge [sflag:s31], $0x50  }
0x56: {  	[sflag:s31] =	ssyncset.done $0x0  }
0x57: {  	[sflag:s31] =	ssyncadd.s32 $0xFFFFFFB0  }
0x58: {  	[spmem:s3] =	stream.indirect.scatter.add.f32 [tilespmem:s20], [sflag:$0x9], $0x80, s24, s28, $0xb8;
	[tilespmem:$0x16A80] =	vst v63  }
0x59: {  	_ =	swait.ge [sflag:s0], $0x50  }
0x5a: {  	p0 =	seq.s32 s14, $0x4B0;
	[sflag:s0] =	ssyncset.done $0x0  }
.Ltmp2:
0x5b: {  	[sflag:s0] =	ssyncadd.s32 $0xFFFFFFB0;
	(pc) =	sbr.rel @p0 .LBB2_4-.Ltmp2, $4  }
0x5c: {  	[spmem:s3] =	stream.indirect.scatter.add.f32 [tilespmem:s20], [sflag:$0xA], $0x80, s25, s28, $0xb8;
	[tilespmem:$0x16A80] =	vst v63  }
0x5d: {  	_ =	swait.ge [sflag:s1], $0x2800  }
0x5e: {  	[sflag:s1] =	ssyncset.done $0x0  }
0x5f: {  	[sflag:s1] =	ssyncadd.s32 $0xFFFFD800  }
0x60: {  	s6 =	sshrl.u32 s19, $0x3  }
0x61: {  	s6 =	sadd.s32 s2, s6  }
0x62: {  	[tilespmem:s4], [sflag:$0x1] =	stream.linear.gather [hbm4b:s6+s4], $0x50, $0x38;
	[tilespmem:$0x16A80] =	vst v63  }
0x63: {  	_ =	swait.ge [sflag:s5], $0x2800  }
0x64: {  	[sflag:s5] =	ssyncset.done $0x0  }
0x65: {  	s6 =	sadd.s32 s14, s18;
	[sflag:s5] =	ssyncadd.s32 $0xFFFFD800  }
0x66: {  	[tilespmem:s22], [sflag:$0x2] =	stream.linear.gather [hbm4b:s6+s4], $0x50, $0x38;
	[tilespmem:$0x16A80] =	vst v63  }
0x67: {  	_ =	swait.ge [sflag:s7], $0x2800  }
0x68: {  	[sflag:s7] =	ssyncset.done $0x0  }
0x69: {  	s6 =	sadd.s32 s14, s17;
	[sflag:s7] =	ssyncadd.s32 $0xFFFFD800  }
0x6a: {  	[tilespmem:s23], [sflag:$0x3] =	stream.linear.gather [hbm4b:s6+s4], $0x50, $0x38;
	[tilespmem:$0x16A80] =	vst v63  }
0x6b: {  	_ =	swait.ge [sflag:s8], $0x2800  }
0x6c: {  	[sflag:s8] =	ssyncset.done $0x0  }
0x6d: {  	s6 =	sadd.s32 s14, s16;
	[sflag:s8] =	ssyncadd.s32 $0xFFFFD800  }
0x6e: {  	[tilespmem:s24], [sflag:$0x4] =	stream.linear.gather [hbm4b:s6+s4], $0x50, $0x38;
	[tilespmem:$0x16A80] =	vst v63  }
.Ltmp3:
0x6f: {  	_ = 	snop;
	(pc) =	sbr.rel .LBB2_2-.Ltmp3, $4  }
0x70: {  	_ =	swait.ge [sflag:s9], $0x2800  }
0x71: {  	s19 =	sadd.s32 $0x190, s19;
	[sflag:s9] =	ssyncset.done $0x0  }
0x72: {  	s6 =	sadd.s32 s14, s15;
	s14 =	sadd.s32 $0x32, s14;
	[sflag:s9] =	ssyncadd.s32 $0xFFFFD800  }
0x73: {  	[tilespmem:s25], [sflag:$0x5] =	stream.linear.gather [hbm4b:s6+s4], $0x50, $0x38;
	[tilespmem:$0x16A80] =	vst v63  }
.LBB2_5:
0x74: {  	_ =	sfence.sel $0x180000  }
0x75: {  	[bflag:$0x0] =	sbarrier.arrive $0xFFFF  }
0x76: {  	_ =	strace $0x90000047  }
0x77: {  	s0 =	stileid.u32;
	[bflag:$0x2] =	sbarrier.arrive $0xFFFF  }
0x78: {  	p0 =	sne.s32 s0, $0x0;
	s0 =	rddreg [dreg:$0x3]  }
0x79: {  	s0 =	sadd.s32 @!p0 $0x100000, s0  }
0x7a: {  	[sflag:s0] =	ssyncadd.tile.s32 @!p0 $0x1;
	_ =	shalt  }
.Lfunc_end2:
_tile_overlayer_lowered:
.L_overlay_start_2:
0x7b: {  	(tag) =	ssettag $0x2  }
0x7c: {  	s0 =	rddreg [dreg:$0x0];
	s2 =	stileid.u32  }
0x7d: {  	s1 =	rddreg [dreg:$0x1];
	p0 =	sne.s32 s2, $0x0  }
0x7e: {  	s3 =	rddreg [dreg:$0x2];
	[bflag:$0x3] =	sbarrier.arrive $0xFFFF;
	s2 =	simm.s32 @!p0 $0x1C0B  }
0x7f: {  	[timem:s3], [sflag:s2] =	dma.local @!p0 [hbm:s0], s1  }
0x80: {  	s0 =	simm.s32 @!p0 $0xB  }
0x81: {  	_ =	swait.ge @!p0 [sflag:s0], s1  }
0x82: {  	s1 =	ssub.s32 @!p0 $0x0, s1;
	[sflag:s0] =	ssyncset.done @!p0 $0x0  }
0x83: {  	[sflag:s0] =	ssyncadd.s32 @!p0 s1  }
0x84: {  	[bflag:$0x3] =	sbarrier.arrive $0xFFFF  }
0x85: {  	_ =	shalt  }

// kernel: kernel.13.cloned.1.call-start
scs
__scs_entry_jumppad:
0x0: {  	(pc) =	sbr.rel $0x88, $3  }
0x1: {  	(tag) =	ssettag $0x0;
	lr =	simm.s32 $0x1  }
0x2: {  	[smem:$0x3F99] =	sst lr;
	_ =	strace $0xD0000000  }
0x3: {  	_ = 	snop  }
0x4: {  	_ = 	snop  }
0x5: {  	_ = 	snop  }
0x6: {  	_ = 	snop  }
0x7: {  	_ = 	snop  }
__scs_overlays_trampoline_lowered:
0x8: {  	[smem:$0x3FA8] =	sst s0  }
0x9: {  	[smem:$0x3FA9] =	sst s1  }
0xa: {  	[smem:$0x3FAA] =	sst s2  }
0xb: {  	[smem:$0x3FAB] =	sst s3  }
0xc: {  	[smem:$0x3FAC] =	sst s4  }
0xd: {  	[smem:$0x3FAD] =	sst s5  }
0xe: {  	[smem:$0x3FAE] =	sst s6  }
0xf: {  	[smem:$0x3FAF] =	sst s7  }
0x10: {  	[smem:$0x3FB0] =	sst s8  }
0x11: {  	[smem:$0x3FB1] =	sst s9;
	s0 =	simm.s32 @!p0 $0x0  }
0x12: {  	s1 =	sld [smem:$0x3F97];
	s0 =	simm.s32 @p0 $0x1  }
0x13: {  	[smem:$0x3FB2] =	sst s0;
	s0 =	simm.s32 @!p1 $0x0  }
0x14: {  	s2 =	sld [smem:$0x3F96];
	s0 =	simm.s32 @p1 $0x1  }
0x15: {  	[smem:$0x3FB3] =	sst s0;
	s0 =	simm.s32 @!p2 $0x0  }
0x16: {  	s3 =	sld [smem:$0x3FDB];
	s0 =	simm.s32 @p2 $0x1  }
0x17: {  	s4 =	simm.s32 $0x1BF5;
	[smem:$0x3FB5] =	sst s0  }
0x18: {  	s0 =	sld [smem:$0x3F98];
	_ =	swait.ge [sflag:s4], $0x0  }
0x19: {  	s7 =	sld [smem:$0x3F99]  }
0x1a: {  	s8 =	sadd.s32 $0xFFFFE003, lr  }
0x1b: {  	s9 =	sadd.s32 $0xFFFFFEF7, lr;
	s5 =	simm.s32 $0xFFFFFFFF;
	p2 =	slt.u32 s8, $0xFFFFF086  }
0x1c: {  	p1 =	slt.u32 s9, $0xF7A;
	s5 =	simm.s32 @!p2 $0x0  }
0x1d: {  	s5 =	simm.s32 @p1 $0x1;
	p0 =	seq.s32 s7, s2  }
0x1e: {  	s7 =	smul.u32 @!p0 $0xF7A, s2;
	p2 =	seq.s32 @!p0 s5, $0x0  }
0x1f: {  	s9 =	smul.u32 $0xF7A, s1;
	s8 =	simm.s32 @!p0 $0x1BF5;
	p2 =	por !p2, p0  }
0x20: {  	[sflag:s8] =	ssyncset.s32 @!p0 $0xFFFFF086;
	s6 =	sadd.s32 @!p0 s3, s7;
	s7 =	simm.s32 @!p0 $0x108  }
0x21: {  	s3 =	sadd.s32 s3, s9;
	s6 =	sadd.s32 @!p0 $0x88, s6;
	s7 =	simm.s32 @p2 $0x1082  }
0x22: {  	[simem:s7], [sflag:s8] =	dma.local @!p0 [hbm:s6], $0xF7A  }
0x23: {  	s9 =	sor.u32 $0xD0000000, s2;
	s6 =	simm.s32 $0x108;
	_ =	swait.ge @!p0 [sflag:s8], $0x0  }
0x24: {  	s3 =	sadd.s32 $0x88, s3;
	s6 =	simm.s32 @!p1 $0x1082;
	[sflag:s4] =	ssyncset.s32 $0xFFFFF086  }
0x25: {  	[simem:s6], [sflag:s4] =	dma.local [hbm:s3], $0xF7A  }
0x26: {  	[smem:$0x3F99] =	sst s1;
	(tag) =	ssettag s2;
	_ =	strace s9  }
0x27: {  	s1 =	sld [smem:$0x3FA9]  }
0x28: {  	s2 =	sld [smem:$0x3FAA]  }
0x29: {  	s4 =	sld [smem:$0x3FAC]  }
0x2a: {  	p0 =	seq.s32 s5, $0x0;
	s5 =	sld [smem:$0x3FAD]  }
0x2b: {  	s6 =	sld [smem:$0x3FAE]  }
0x2c: {  	s7 =	sld [smem:$0x3FAF]  }
0x2d: {  	s3 =	simm.s32 $0x108;
	s8 =	sld [smem:$0x3FB0]  }
0x2e: {  	s3 =	simm.s32 @!p0 $0x1082;
	s9 =	sld [smem:$0x3FB1]  }
0x2f: {  	lr =	sadd.s32 s0, s3;
	s0 =	sld [smem:$0x3FA8]  }
0x30: {  	s3 =	sld [smem:$0x3FAB]  }
0x31: {  	[smem:$0x3FB4] =	sst s10  }
0x32: {  	s10 =	sld [smem:$0x3FB2];
	_ =	sdelay $0x3  }
0x33: {  	p0 =	seq.s32 s10, $0x1;
	s10 =	sld [smem:$0x3FB4];
	_ =	sdelay $0x3  }
0x34: {  	[smem:$0x3FB4] =	sst s10  }
0x35: {  	s10 =	sld [smem:$0x3FB3];
	_ =	sdelay $0x3  }
0x36: {  	p1 =	seq.s32 s10, $0x1;
	s10 =	sld [smem:$0x3FB4];
	_ =	sdelay $0x3  }
0x37: {  	[smem:$0x3FB4] =	sst s10  }
0x38: {  	s10 =	sld [smem:$0x3FB5]  }
0x39: {  	_ = 	snop;
	(pc) =	sbr.ind lr, $3  }
0x3a: {  	_ = 	snop  }
0x3b: {  	_ = 	snop  }
0x3c: {  	p2 =	seq.s32 s10, $0x1;
	s10 =	sld [smem:$0x3FB4]  }
0x3d: {  	_ =	shalt  }
0x3e: {  	_ =	shalt  }
0x3f: {  	_ =	shalt  }
0x40: {  	_ =	shalt  }
0x41: {  	_ =	shalt  }
0x42: {  	_ =	shalt  }
0x43: {  	_ =	shalt  }
0x44: {  	_ =	shalt  }
0x45: {  	_ =	shalt  }
0x46: {  	_ =	shalt  }
0x47: {  	_ =	shalt  }
0x48: {  	_ =	shalt  }
0x49: {  	_ =	shalt  }
0x4a: {  	_ =	shalt  }
0x4b: {  	_ =	shalt  }
0x4c: {  	_ =	shalt  }
0x4d: {  	_ =	shalt  }
0x4e: {  	_ =	shalt  }
0x4f: {  	_ =	shalt  }
0x50: {  	_ =	shalt  }
0x51: {  	_ =	shalt  }
0x52: {  	_ =	shalt  }
0x53: {  	_ =	shalt  }
0x54: {  	_ =	shalt  }
0x55: {  	_ =	shalt  }
0x56: {  	_ =	shalt  }
0x57: {  	_ =	shalt  }
0x58: {  	_ =	shalt  }
0x59: {  	_ =	shalt  }
0x5a: {  	_ =	shalt  }
0x5b: {  	_ =	shalt  }
0x5c: {  	_ =	shalt  }
0x5d: {  	_ =	shalt  }
0x5e: {  	_ =	shalt  }
0x5f: {  	_ =	shalt  }
0x60: {  	_ =	shalt  }
0x61: {  	_ =	shalt  }
0x62: {  	_ =	shalt  }
0x63: {  	_ =	shalt  }
0x64: {  	_ =	shalt  }
0x65: {  	_ =	shalt  }
0x66: {  	_ =	shalt  }
0x67: {  	_ =	shalt  }
0x68: {  	_ =	shalt  }
0x69: {  	_ =	shalt  }
0x6a: {  	_ =	shalt  }
0x6b: {  	_ =	shalt  }
0x6c: {  	_ =	shalt  }
0x6d: {  	_ =	shalt  }
0x6e: {  	_ =	shalt  }
0x6f: {  	_ =	shalt  }
0x70: {  	_ =	shalt  }
0x71: {  	_ =	shalt  }
0x72: {  	_ =	shalt  }
0x73: {  	_ =	shalt  }
0x74: {  	_ =	shalt  }
0x75: {  	_ =	shalt  }
0x76: {  	_ =	shalt  }
0x77: {  	_ =	shalt  }
0x78: {  	_ =	shalt  }
0x79: {  	_ =	shalt  }
0x7a: {  	_ =	shalt  }
0x7b: {  	_ =	shalt  }
0x7c: {  	_ =	shalt  }
0x7d: {  	_ =	shalt  }
0x7e: {  	_ =	shalt  }
0x7f: {  	_ =	shalt  }
0x80: {  	_ =	shalt  }
0x81: {  	_ =	shalt  }
0x82: {  	_ =	shalt  }
0x83: {  	_ =	shalt  }
0x84: {  	_ =	shalt  }
0x85: {  	_ =	shalt  }
0x86: {  	_ =	shalt  }
0x87: {  	_ =	shalt  }
.Lfunc_end0:
.L_simem_size_0:
called_computation.1_lowered:
.L_overlay_start_0:
0x88: {  	s2 =	sld [smem:$0x3FD9]  }
0x89: {  	s3 =	sld [smem:$0x3FFE];
	_ =	sdelay $0x1  }
0x8a: {  	s1 =	srdreg.scid  }
0x8b: {  	s0 =	sand.u32 $0x1, s1  }
0x8c: {  	s17 =	sshll.u32 s0, $0xA;
	s2 =	sadd.s32 s3, s2  }
0x8d: {  	s2 =	sadd.s32 s2, s17  }
0x8e: {  	[smem:$0x3FC0] =	sst s2  }
0x8f: {  	_ = 	snop  }
0x90: {  	s2 =	sld [smem:$0x3FD0];
	(tm) =	ssettm $0x1  }
0x91: {  	s18 =	sld [smem:$0x3FFB];
	_ =	sdelay $0x3  }
0x92: {  	_ =	strace s18  }
0x93: {  	s3 =	sld [smem:$0x3FFC];
	_ =	sdelay $0x3  }
0x94: {  	_ =	strace s3  }
0x95: {  	s3 =	sld [smem:$0x3FFD];
	_ =	sdelay $0x3  }
0x96: {  	_ =	strace s3  }
0x97: {  	_ =	strace $0x8FFFFFFF  }
0x98: {  	s19 =	sld [smem:$0x3FDB];
	_ =	sdelay $0x1  }
0x99: {  	s4 =	simm.s32 $_scs_section_size  }
0x9a: {  	s5 =	simm.s32 $_size__tile_overlayer_lowered;
	s6 =	simm.s32 $_tile_overlayer_lowered  }
0x9b: {  	s22 =	simm.s32 $0x1BFF;
	s21 =	sshll.u32 s6, $0x1;
	s3 =	sadd.s32 s4, s19  }
0x9c: {  	s7 =	simm.s32 $0x0;
	s20 =	sshll.u32 s5, $0x1;
	s5 =	sadd.s32 s21, s3  }
0x9d: {  	[timem:s7], [sflag:s22] =	dma.local [hbm:s5], s20  }
0x9e: {  	_ =	swait.ge [sflag:s22], s20  }
0x9f: {  	s4 =	ssub.s32 $0x0, s20;
	[sflag:s22] =	ssyncset.done $0x0  }
0xa0: {  	[sflag:s22] =	ssyncadd.s32 s4;
	_ =	sdelay $0x1  }
0xa1: {  	s23 =	simm.s32 $0x1B8B  }
0xa2: {  	_ =	swait.ge [sflag:s23], $0x1  }
0xa3: {  	[sflag:s23] =	ssyncset.done $0x0  }
0xa4: {  	s25 =	simm.s32 $0x1B8E;
	s24 =	sld [smem:$0x3FFE];
	[sflag:s23] =	ssyncadd.s32 $0xFFFFFFFF  }
0xa5: {  	s26 =	simm.s32 $execute0_lowered;
	[smem:$0x3FD2] =	sst s25  }
0xa6: {  	s5 =	sshll.u32 s26, $0x1;
	_ =	strace $0x80000049;
	[dreg:$0x1] =	wrdreg $0xFFFFFFFF  }
0xa7: {  	s28 =	simm.s32 $_size_execute0_lowered;
	s3 =	sadd.s32 s3, s5;
	[dreg:$0x0] =	wrdreg $0x0  }
0xa8: {  	s5 =	sshll.u32 s28, $0x1;
	[dreg:$0x2] =	wrdreg s3  }
0xa9: {  	[dreg:$0x3] =	wrdreg s5  }
0xaa: {  	[dreg:$0x4] =	wrdreg $0xC0  }
0xab: {  	_ =	task [dreg:s7], $0x5FFFF  }
0xac: {  	[dreg:$0x1] =	wrdreg $0xFFFFFFFF  }
0xad: {  	[dreg:$0x0] =	wrdreg $0x60  }
0xae: {  	[dreg:$0x2] =	wrdreg s24  }
0xaf: {  	[dreg:$0x3] =	wrdreg s2  }
0xb0: {  	[dreg:$0x4] =	wrdreg $0xA4000  }
0xb1: {  	[dreg:$0x5] =	wrdreg $0x9  }
0xb2: {  	_ =	task.clear_ibuf [dreg:s7], $0x6FFFF;
	_ =	strace $0x90000049  }
0xb3: {  	s29 =	simm.s32 $0x9;
	_ =	strace $0x8000004B  }
0xb4: {  	_ =	swait.ge [sflag:s29], $0x1  }
0xb5: {  	[sflag:s29] =	ssyncadd.s32 $0xFFFFFFFF  }
0xb6: {  	_ =	strace $0x9000004B  }
0xb7: {  	_ =	sfence  }
0xb8: {  	s30 =	sld [smem:$0x0];
	_ =	sdelay $0x2  }
0xb9: {  	s31 =	sshll.u32 s1, $0xD;
	s1 =	sshrl.u32 s1, $0x2  }
0xba: {  	s3 =	sand.u32 $0x4000, s31;
	s1 =	sadd.s32 s1, s30  }
0xbb: {  	s0 =	sor.u32 s3, s0;
	s1 =	sshll.u32 s1, $0x11  }
0xbc: {  	s0 =	sor.u32 s1, s0  }
0xbd: {  	s0 =	sadd.s32 $0x8F2B, s0  }
0xbe: {  	[sflag:s0] =	ssyncadd.remote.s32 $0x1  }
0xbf: {  	_ =	sfence.sel $0xFFFF  }
0xc0: {  	[dreg:$0x0] =	wrdreg $0xFFFFFFFF;
	(pc) =	sbr.abs _section_cstart, $3  }
0xc1: {  	[dreg:$0x1] =	wrdreg $0xFFFFFFFF  }
0xc2: {  	_ =	task.clear_ibuf [dreg:s7], $0x2FFFF;
	_ =	strace $0x9FFFFFFF  }
0xc3: {  	(tm) =	ssettm $0x7FFFFFFF  }
tec
execute0_lowered:
.L_overlay_start_1:
0x0: {  	(tag) =	ssettag $0x1  }
0x1: {  	s0 =	rddreg [dreg:$0x0]  }
0x2: {  	s12 =	rddreg [dreg:$0x1]  }
0x3: {  	s3 =	rddreg [dreg:$0x2]  }
0x4: {  	s4 =	simm.s32 $0x0;
	s5 =	stileid.u32;
	s1 =	srdreg.scid  }
0x5: {  	s30 =	simm.s32 $0x50;
	s29 =	simm.s32 $0xC;
	s2 =	smul.u32 $0x14000, s5  }
0x6: {  	[smem:$0x7FF] =	sst s4;
	s1 =	sand.u32 $0x1, s1;
	s14 =	smul.u32 $0x50000, s5  }
0x7: {  	s13 =	sadd.s32 $0x2400, s0;
	s6 =	sadd.s32 $0x34200, s0;
	s16 =	smul.u32 $0x2710, s5  }
0x8: {  	_ =	strace $0x8000004A;
	s7 =	smul.u32 $0x140000, s1;
	s8 =	sshll.u32 s1, $0x4  }
0x9: {  	s22 =	ssub.s32 $0x2, s1;
	s1 =	smul.u32 $0x27100, s1;
	s8 =	sor.u32 s5, s8  }
0xa: {  	s9 =	sshrl.u32 s2, $0x3;
	s23 =	sshrl.u32 s22, $0x1;
	s5 =	simm.s32 $0x11  }
0xb: {  	s2 =	sadd.s32 s2, s7;
	s20 =	smul.u32 $0x2710, s8;
	s21 =	sadd.s32 s9, s0  }
0xc: {  	s1 =	sadd.s32 s16, s1;
	s8 =	simm.s32 $0x280;
	s2 =	sshrl.u32 s2, $0x3  }
0xd: {  	s16 =	simm.s32 $0x6;
	s19 =	sadd.s32 $0xC200, s21;
	s0 =	sadd.s32 s2, s0  }
0xe: {  	s7 =	sshrl.u32 s20, $0x3;
	s2 =	ssub.s32 s22, s23;
	[dreg:$0xd] =	wrdreg s19  }
0xf: {  	s22 =	sadd.s32 $0x230, s1;
	s23 =	sadd.s32 $0x1E0, s1;
	s24 =	sadd.s32 s13, s7  }
0x10: {  	s19 =	simm.s32 $0x9;
	s10 =	sadd.s32 s12, s7;
	[dreg:$0x4] =	wrdreg s24  }
0x11: {  	s25 =	sadd.s32 $0xA, s7;
	s0 =	sadd.s32 $0x5B400, s0;
	[dreg:$0x5] =	wrdreg s10  }
0x12: {  	s31 =	sadd.s32 $0x14, s7;
	s2 =	smax.u32 s2, $0x1;
	[dreg:$0x10] =	wrdreg s0  }
0x13: {  	s15 =	sadd.s32 $0x1E, s7;
	s26 =	sadd.s32 s13, s25;
	[dreg:$0x11] =	wrdreg s2  }
0x14: {  	s7 =	sadd.s32 $0x4D8, s7;
	s9 =	sadd.s32 s12, s25;
	[dreg:$0x6] =	wrdreg s26  }
0x15: {  	s11 =	sadd.s32 s13, s31;
	s10 =	sadd.s32 s12, s31;
	[dreg:$0x7] =	wrdreg s9  }
0x16: {  	s17 =	sadd.s32 s12, s15;
	s20 =	sadd.s32 s13, s7;
	[dreg:$0x8] =	wrdreg s11  }
0x17: {  	s21 =	sadd.s32 s12, s7;
	s0 =	sshrl.u32 s22, $0x3;
	[dreg:$0x9] =	wrdreg s10  }
0x18: {  	s2 =	sshrl.u32 s23, $0x3;
	s25 =	sadd.s32 $0x190, s1;
	[dreg:$0xb] =	wrdreg s17  }
0x19: {  	s1 =	sadd.s32 $0x140, s1;
	s22 =	simm.s32 $0xB;
	[dreg:$0xe] =	wrdreg s20  }
0x1a: {  	s11 =	sadd.s32 s13, s15;
	s9 =	sshrl.u32 s14, $0x2;
	[dreg:$0xf] =	wrdreg s21  }
0x1b: {  	s24 =	sadd.s32 s0, s12;
	s7 =	sshrl.u32 s25, $0x3;
	[dreg:$0x13] =	wrdreg s1  }
0x1c: {  	s23 =	sadd.s32 s0, s13;
	s26 =	sadd.s32 s2, s12;
	s25 =	sadd.s32 s2, s13  }
0x1d: {  	s14 =	simm.s32 $0x380;
	s15 =	simm.s32 $0x1;
	s17 =	simm.s32 $0x3  }
0x1e: {  	s20 =	simm.s32 $0xA;
	s2 =	simm.s32 $0xD;
	s10 =	simm.s32 $0xE  }
0x1f: {  	s1 =	simm.s32 $0x10;
	s21 =	simm.s32 $0x0;
	[dreg:$0xa] =	wrdreg s11  }
.Ltmp0:
0x20: {  	s18 =	sadd.s32 s9, s3;
	[dreg:$0x12] =	wrdreg s24;
	(pc) =	sbr.rel .LBB2_1-.Ltmp0, $4  }
0x21: {  	[dreg:$0x14] =	wrdreg s26;
	s31 =	sadd.s32 s7, s12;
	s26 =	smov.u32 s13  }
0x22: {  	s28 =	sadd.s32 s7, s13;
	s9 =	simm.s32 $0x400;
	s12 =	simm.s32 $0x200  }
0x23: {  	s7 =	simm.s32 $0x2C00;
	s13 =	simm.s32 $0x7C00;
	[dreg:$0xc] =	wrdreg s18  }
0x24: {  	s11 =	simm.s32 $0xF;
	[dreg:$0x15] =	wrdreg s31;
	s18 =	simm.s32 $0x8  }
.LBB2_4:
0x25: {  	s0 =	rddreg [dreg:$0xe];
	s5 =	simm.s32 $0x11  }
0x26: {  	[tilespmem:s4], [sflag:$0x11] =	stream.linear.gather [hbm4b:s0+s4], $0x50, $0x38;
	[tilespmem:$0x1E400] =	vst v63  }
0x27: {  	_ =	swait.ge [sflag:s5], $0x50  }
0x28: {  	[sflag:s5] =	ssyncset.done $0x0  }
0x29: {  	[sflag:s5] =	ssyncadd.s32 $0xFFFFFFB0  }
0x2a: {  	_ =	swait.ge [sflag:s19], $0x2800  }
0x2b: {  	[sflag:s19] =	ssyncset.done $0x0  }
0x2c: {  	s9 =	simm.s32 $0x400;
	[sflag:s19] =	ssyncadd.s32 $0xFFFFD800  }
0x2d: {  	[tilespmem:s9], [sflag:$0x1] =	stream.indirect.gather [hbm4b:s6+s30], $0x80, s4, s30, $0xb8;
	[tilespmem:$0x1E400] =	vst v63  }
0x2e: {  	_ =	swait.ge [sflag:s15], $0x2800  }
0x2f: {  	[sflag:s15] =	ssyncset.done $0x0  }
0x30: {  	s12 =	simm.s32 $0x200;
	s24 =	rddreg [dreg:$0xf];
	[sflag:s15] =	ssyncadd.s32 $0xFFFFD800  }
0x31: {  	[tilespmem:s12], [sflag:$0x11] =	stream.linear.gather [hbm4b:s24+s4], $0x50, $0x38;
	[tilespmem:$0x1E400] =	vst v63  }
0x32: {  	_ =	swait.ge [sflag:s5], $0x50  }
0x33: {  	[sflag:s5] =	ssyncset.done $0x0  }
0x34: {  	[sflag:s5] =	ssyncadd.s32 $0xFFFFFFB0  }
0x35: {  	[spmem:s3] =	stream.indirect.scatter.add.f32 [tilespmem:s9], [sflag:$0x9], $0x80, s12, s30, $0xb8;
	[tilespmem:$0x1E400] =	vst v63  }
0x36: {  	_ =	swait.ge [sflag:s19], $0x2800  }
0x37: {  	[sflag:s19] =	ssyncset.done $0x0  }
0x38: {  	[sflag:s19] =	ssyncadd.s32 $0xFFFFD800  }
0x39: {  	_ =	swait.ge [sflag:s20], $0x2800  }
0x3a: {  	[sflag:s20] =	ssyncset.done $0x0  }
0x3b: {  	[sflag:s20] =	ssyncadd.s32 $0xFFFFD800  }
0x3c: {  	_ =	swait.ge [sflag:s22], $0x2800  }
0x3d: {  	[sflag:s22] =	ssyncset.done $0x0  }
0x3e: {  	[sflag:s22] =	ssyncadd.s32 $0xFFFFD800  }
0x3f: {  	_ =	swait.ge [sflag:s29], $0x2800  }
0x40: {  	[sflag:s29] =	ssyncset.done $0x0  }
0x41: {  	[sflag:s29] =	ssyncadd.s32 $0xFFFFD800  }
0x42: {  	[bflag:$0x0] =	sbarrier.arrive $0xFFFF  }
0x43: {  	s31 =	rddreg [dreg:$0x10]  }
0x44: {  	s21 =	rddreg [dreg:$0x17]  }
0x45: {  	s24 =	rddreg [dreg:$0x18]  }
0x46: {  	[hbm:s31], [sflag:s21] =	dma.local [spmem:s24], $0x2800  }
0x47: {  	_ =	swait.ge [sflag:s5], $0x2800  }
0x48: {  	s24 =	rddreg [dreg:$0x16]  }
0x49: {  	s31 =	rddreg [dreg:$0x11];
	s21 =	sadd.s32 $0x1, s24  }
0x4a: {  	p0 =	sne.s32 s21, s31  }
.Ltmp1:
0x4b: {  	_ = 	snop;
	(pc) =	sbr.rel @!p0 .LBB2_5-.Ltmp1, $3  }
0x4c: {  	_ =	sdelay $0x1  }
0x4d: {  	[sflag:s5] =	ssyncset.done $0x0  }
0x4e: {  	[sflag:s5] =	ssyncadd.s32 $0xFFFFD800  }
.LBB2_1:
0x4f: {  	[dreg:$0x16] =	wrdreg s21  }
0x50: {  	s0 =	rddreg [dreg:$0x4]  }
0x51: {  	[tilespmem:s4], [sflag:$0x11] =	stream.linear.gather [hbm4b:s0+s4], $0x50, $0x38;
	[tilespmem:$0x1E400] =	vst v63  }
0x52: {  	_ =	swait.ge [sflag:s5], $0x50  }
0x53: {  	[sflag:s5] =	ssyncset.done $0x0  }
0x54: {  	[sflag:s5] =	ssyncadd.s32 $0xFFFFFFB0  }
0x55: {  	[tilespmem:s9], [sflag:$0x1] =	stream.indirect.gather [hbm4b:s6+s30], $0x80, s4, s30, $0xb8;
	[tilespmem:$0x1E400] =	vst v63  }
0x56: {  	s9 =	rddreg [dreg:$0x5]  }
0x57: {  	[tilespmem:s12], [sflag:$0x5] =	stream.linear.gather [hbm4b:s9+s4], $0x50, $0x38;
	[tilespmem:$0x1E400] =	vst v63  }
0x58: {  	s24 =	simm.s32 $0x80;
	s21 =	rddreg [dreg:$0x6]  }
0x59: {  	[tilespmem:s24], [sflag:$0x11] =	stream.linear.gather [hbm4b:s21+s4], $0x50, $0x38;
	[tilespmem:$0x1E400] =	vst v63  }
0x5a: {  	_ =	swait.ge [sflag:s5], $0x50  }
0x5b: {  	[sflag:s5] =	ssyncset.done $0x0  }
0x5c: {  	[sflag:s5] =	ssyncadd.s32 $0xFFFFFFB0  }
0x5d: {  	[tilespmem:s7], [sflag:$0x2] =	stream.indirect.gather [hbm4b:s6+s30], $0x80, s24, s30, $0xb8;
	[tilespmem:$0x1E400] =	vst v63  }
0x5e: {  	s12 =	rddreg [dreg:$0x7]  }
0x5f: {  	[tilespmem:s8], [sflag:$0x6] =	stream.linear.gather [hbm4b:s12+s4], $0x50, $0x38;
	[tilespmem:$0x1E400] =	vst v63  }
0x60: {  	s21 =	rddreg [dreg:$0x8];
	s24 =	simm.s32 $0x100  }
0x61: {  	[tilespmem:s24], [sflag:$0x11] =	stream.linear.gather [hbm4b:s21+s4], $0x50, $0x38;
	[tilespmem:$0x1E400] =	vst v63  }
0x62: {  	_ =	swait.ge [sflag:s5], $0x50  }
0x63: {  	[sflag:s5] =	ssyncset.done $0x0  }
0x64: {  	s12 =	simm.s32 $0x5400;
	[sflag:s5] =	ssyncadd.s32 $0xFFFFFFB0  }
0x65: {  	[tilespmem:s12], [sflag:$0x3] =	stream.indirect.gather [hbm4b:s6+s30], $0x80, s24, s30, $0xb8;
	[tilespmem:$0x1E400] =	vst v63  }
0x66: {  	s21 =	rddreg [dreg:$0x9];
	s24 =	simm.s32 $0x300  }
0x67: {  	[tilespmem:s24], [sflag:$0x7] =	stream.linear.gather [hbm4b:s21+s4], $0x50, $0x38;
	[tilespmem:$0x1E400] =	vst v63  }
0x68: {  	s24 =	stileid.u32  }
0x69: {  	s9 =	rddreg [dreg:$0xa];
	s12 =	simm.s32 $0x180;
	s0 =	sshll.u32 s24, $0x6  }
0x6a: {  	[tilespmem:s12], [sflag:$0x11] =	stream.linear.gather [hbm4b:s9+s4], $0x50, $0x38;
	[tilespmem:$0x1E400] =	vst v63  }
0x6b: {  	s9 =	sor.u32 $0x1C11, s0;
	_ =	swait.ge [sflag:s5], $0x50  }
0x6c: {  	[dreg:$0x17] =	wrdreg s9;
	[sflag:s5] =	ssyncset.done $0x0  }
0x6d: {  	s21 =	rddreg [dreg:$0xb];
	[sflag:s5] =	ssyncadd.s32 $0xFFFFFFB0  }
0x6e: {  	[tilespmem:s13], [sflag:$0x4] =	stream.indirect.gather [hbm4b:s6+s30], $0x80, s12, s30, $0xb8;
	[tilespmem:$0x1E400] =	vst v63  }
0x6f: {  	s12 =	rddreg [dreg:$0xc]  }
0x70: {  	[tilespmem:s14], [sflag:$0x8] =	stream.linear.gather [hbm4b:s21+s4], $0x50, $0x38;
	[tilespmem:$0x1E400] =	vst v63  }
0x71: {  	s24 =	rddreg [dreg:$0xd];
	s21 =	sshrl.u32 s12, $0x3  }
0x72: {  	[dreg:$0x18] =	wrdreg s21  }
0x73: {  	[spmem:s21], [sflag:s9] =	dma.local [hbm:s24], $0x2800  }
0x74: {  	_ =	swait.ge [sflag:s5], $0x2800  }
0x75: {  	[sflag:s5] =	ssyncset.done $0x0  }
0x76: {  	[sflag:s5] =	ssyncadd.s32 $0xFFFFD800  }
0x77: {  	[bflag:$0x0] =	sbarrier.arrive $0xFFFF  }
0x78: {  	s31 =	simm.s32 $0x0;
	s9 =	rddreg [dreg:$0x13]  }
.LBB2_2:
0x79: {  	_ =	swait.ge [sflag:s15], $0x2800  }
0x7a: {  	p0 =	seq.s32 s31, $0x4B0;
	[sflag:s15] =	ssyncset.done $0x0  }
0x7b: {  	s12 =	simm.s32 @p0 $0x5;
	[sflag:s15] =	ssyncadd.s32 $0xFFFFD800  }
0x7c: {  	_ =	swait.ge @p0 [sflag:s12], $0x50  }
0x7d: {  	s0 =	simm.s32 @p0 $0x200;
	[sflag:s12] =	ssyncset.done @p0 $0x0  }
0x7e: {  	s5 =	simm.s32 @p0 $0x400;
	[sflag:s12] =	ssyncadd.s32 @p0 $0xFFFFFFB0;
	s12 =	simm.s32 @p0 $0x50  }
0x7f: {  	[spmem:s3] =	stream.indirect.scatter.add.f32 @p0 [tilespmem:s5], [sflag:$0x9], $0x80, s0, s12, $0xb8;
	[tilespmem:$0x1E400] =	vst v63  }
0x80: {  	s0 =	simm.s32 @p0 $0x2  }
0x81: {  	_ =	swait.ge @p0 [sflag:s0], $0x2800  }
0x82: {  	s5 =	sshrl.u32 @!p0 s9, $0x3;
	[sflag:s0] =	ssyncset.done @p0 $0x0  }
0x83: {  	[sflag:s0] =	ssyncadd.s32 @p0 $0xFFFFD800;
	s0 =	sadd.s32 @!p0 s26, s5;
	s5 =	simm.s32 @!p0 $0x0  }
0x84: {  	[tilespmem:s5], [sflag:$0xD] =	stream.linear.gather @!p0 [hbm4b:s0+s5], $0x50, $0x38;
	[tilespmem:$0x1E400] =	vst v63  }
0x85: {  	s0 =	simm.s32 @!p0 $0x5  }
0x86: {  	_ =	swait.ge @!p0 [sflag:s0], $0x50  }
0x87: {  	s21 =	simm.s32 @!p0 $0x200;
	[sflag:s0] =	ssyncset.done @!p0 $0x0  }
0x88: {  	s24 =	simm.s32 @!p0 $0x400;
	[sflag:s0] =	ssyncadd.s32 @!p0 $0xFFFFFFB0;
	s0 =	simm.s32 @!p0 $0x50  }
0x89: {  	[spmem:s3] =	stream.indirect.scatter.add.f32 @!p0 [tilespmem:s24], [sflag:$0x9], $0x80, s21, s0, $0xb8;
	[tilespmem:$0x1E400] =	vst v63  }
0x8a: {  	s21 =	simm.s32 @!p0 $0x2  }
0x8b: {  	_ =	swait.ge @!p0 [sflag:s21], $0x2800  }
0x8c: {  	[sflag:s21] =	ssyncset.done @!p0 $0x0  }
0x8d: {  	s24 =	simm.s32 @!p0 $0x80;
	[sflag:s21] =	ssyncadd.s32 @!p0 $0xFFFFD800;
	s21 =	sadd.s32 @!p0 s31, s28  }
0x8e: {  	[tilespmem:s24], [sflag:$0xE] =	stream.linear.gather @!p0 [hbm4b:s21+s5], $0x50, $0x38;
	[tilespmem:$0x1E400] =	vst v63  }
0x8f: {  	_ =	swait.ge [sflag:s16], $0x50  }
0x90: {  	[sflag:s16] =	ssyncset.done $0x0  }
0x91: {  	[sflag:s16] =	ssyncadd.s32 $0xFFFFFFB0  }
0x92: {  	[spmem:s3] =	stream.indirect.scatter.add.f32 [tilespmem:s7], [sflag:$0xA], $0x80, s8, s30, $0xb8;
	[tilespmem:$0x1E400] =	vst v63  }
0x93: {  	_ =	swait.ge [sflag:s17], $0x2800  }
0x94: {  	[sflag:s17] =	ssyncset.done $0x0  }
0x95: {  	s21 =	simm.s32 @p0 $0x7;
	[sflag:s17] =	ssyncadd.s32 $0xFFFFD800  }
0x96: {  	_ =	swait.ge @p0 [sflag:s21], $0x50  }
0x97: {  	[sflag:s21] =	ssyncset.done @p0 $0x0  }
0x98: {  	s24 =	simm.s32 @p0 $0x5400;
	[sflag:s21] =	ssyncadd.s32 @p0 $0xFFFFFFB0;
	s21 =	simm.s32 @p0 $0x300  }
0x99: {  	[spmem:s3] =	stream.indirect.scatter.add.f32 @p0 [tilespmem:s24], [sflag:$0xB], $0x80, s21, s12, $0xb8;
	[tilespmem:$0x1E400] =	vst v63  }
0x9a: {  	s12 =	simm.s32 @p0 $0x4  }
0x9b: {  	_ =	swait.ge @p0 [sflag:s12], $0x2800  }
0x9c: {  	[sflag:s12] =	ssyncset.done @p0 $0x0  }
0x9d: {  	s21 =	simm.s32 @!p0 $0x100;
	[sflag:s12] =	ssyncadd.s32 @p0 $0xFFFFD800;
	s12 =	sadd.s32 @!p0 s31, s25  }
0x9e: {  	[tilespmem:s21], [sflag:$0xF] =	stream.linear.gather @!p0 [hbm4b:s12+s5], $0x50, $0x38;
	[tilespmem:$0x1E400] =	vst v63  }
0x9f: {  	s12 =	simm.s32 @!p0 $0x7  }
0xa0: {  	_ =	swait.ge @!p0 [sflag:s12], $0x50  }
0xa1: {  	[sflag:s12] =	ssyncset.done @!p0 $0x0  }
0xa2: {  	s21 =	simm.s32 @!p0 $0x5400;
	[sflag:s12] =	ssyncadd.s32 @!p0 $0xFFFFFFB0;
	s12 =	simm.s32 @!p0 $0x300  }
0xa3: {  	[spmem:s3] =	stream.indirect.scatter.add.f32 @!p0 [tilespmem:s21], [sflag:$0xB], $0x80, s12, s0, $0xb8;
	[tilespmem:$0x1E400] =	vst v63  }
0xa4: {  	s0 =	simm.s32 @!p0 $0x4  }
0xa5: {  	_ =	swait.ge @!p0 [sflag:s0], $0x2800  }
0xa6: {  	[sflag:s0] =	ssyncset.done @!p0 $0x0  }
0xa7: {  	s12 =	simm.s32 @!p0 $0x180;
	[sflag:s0] =	ssyncadd.s32 @!p0 $0xFFFFD800;
	s0 =	sadd.s32 @!p0 s31, s23  }
0xa8: {  	[tilespmem:s12], [sflag:$0x10] =	stream.linear.gather @!p0 [hbm4b:s0+s5], $0x50, $0x38;
	[tilespmem:$0x1E400] =	vst v63  }
.Ltmp2:
0xa9: {  	_ = 	snop;
	(pc) =	sbr.rel @p0 .LBB2_4-.Ltmp2, $4  }
0xaa: {  	_ =	swait.ge [sflag:s18], $0x50  }
0xab: {  	[sflag:s18] =	ssyncset.done $0x0  }
0xac: {  	[sflag:s18] =	ssyncadd.s32 $0xFFFFFFB0  }
0xad: {  	[spmem:s3] =	stream.indirect.scatter.add.f32 [tilespmem:s13], [sflag:$0xC], $0x80, s14, s30, $0xb8;
	[tilespmem:$0x1E400] =	vst v63  }
0xae: {  	_ =	swait.ge [sflag:s2], $0x50  }
0xaf: {  	[sflag:s2] =	ssyncset.done $0x0  }
0xb0: {  	[sflag:s2] =	ssyncadd.s32 $0xFFFFFFB0  }
0xb1: {  	_ =	swait.ge [sflag:s19], $0x2800  }
0xb2: {  	[sflag:s19] =	ssyncset.done $0x0  }
0xb3: {  	s0 =	simm.s32 $0x400;
	[sflag:s19] =	ssyncadd.s32 $0xFFFFD800  }
0xb4: {  	[tilespmem:s0], [sflag:$0x1] =	stream.indirect.gather [hbm4b:s6+s30], $0x80, s4, s30, $0xb8;
	[tilespmem:$0x1E400] =	vst v63  }
0xb5: {  	s21 =	sshrl.u32 s9, $0x3;
	s5 =	rddreg [dreg:$0x1]  }
0xb6: {  	s24 =	simm.s32 $0x200;
	s0 =	sadd.s32 s5, s21  }
0xb7: {  	[tilespmem:s24], [sflag:$0x5] =	stream.linear.gather [hbm4b:s0+s4], $0x50, $0x38;
	[tilespmem:$0x1E400] =	vst v63  }
0xb8: {  	_ =	swait.ge [sflag:s10], $0x50  }
0xb9: {  	[sflag:s10] =	ssyncset.done $0x0  }
0xba: {  	[sflag:s10] =	ssyncadd.s32 $0xFFFFFFB0  }
0xbb: {  	_ =	swait.ge [sflag:s20], $0x2800  }
0xbc: {  	[sflag:s20] =	ssyncset.done $0x0  }
0xbd: {  	s5 =	simm.s32 $0x80;
	s12 =	rddreg [dreg:$0x15];
	[sflag:s20] =	ssyncadd.s32 $0xFFFFD800  }
0xbe: {  	[tilespmem:s7], [sflag:$0x2] =	stream.indirect.gather [hbm4b:s6+s30], $0x80, s5, s30, $0xb8;
	[tilespmem:$0x1E400] =	vst v63  }
0xbf: {  	s0 =	sadd.s32 s31, s12  }
0xc0: {  	[tilespmem:s8], [sflag:$0x6] =	stream.linear.gather [hbm4b:s0+s4], $0x50, $0x38;
	[tilespmem:$0x1E400] =	vst v63  }
0xc1: {  	_ =	swait.ge [sflag:s11], $0x50  }
0xc2: {  	[sflag:s11] =	ssyncset.done $0x0  }
0xc3: {  	[sflag:s11] =	ssyncadd.s32 $0xFFFFFFB0  }
0xc4: {  	_ =	swait.ge [sflag:s22], $0x2800  }
0xc5: {  	s21 =	simm.s32 $0x100;
	[sflag:s22] =	ssyncset.done $0x0  }
0xc6: {  	s24 =	simm.s32 $0x5400;
	s5 =	rddreg [dreg:$0x14];
	[sflag:s22] =	ssyncadd.s32 $0xFFFFD800  }
0xc7: {  	[tilespmem:s24], [sflag:$0x3] =	stream.indirect.gather [hbm4b:s6+s30], $0x80, s21, s30, $0xb8;
	[tilespmem:$0x1E400] =	vst v63  }
0xc8: {  	s12 =	simm.s32 $0x300;
	s0 =	sadd.s32 s31, s5  }
0xc9: {  	[tilespmem:s12], [sflag:$0x7] =	stream.linear.gather [hbm4b:s0+s4], $0x50, $0x38;
	[tilespmem:$0x1E400] =	vst v63  }
0xca: {  	_ =	swait.ge [sflag:s1], $0x50  }
0xcb: {  	[sflag:s1] =	ssyncset.done $0x0  }
0xcc: {  	[sflag:s1] =	ssyncadd.s32 $0xFFFFFFB0  }
0xcd: {  	_ =	swait.ge [sflag:s29], $0x2800  }
.Ltmp3:
0xce: {  	[sflag:s29] =	ssyncset.done $0x0;
	(pc) =	sbr.rel .LBB2_2-.Ltmp3, $4  }
0xcf: {  	s21 =	simm.s32 $0x180;
	s24 =	rddreg [dreg:$0x12];
	[sflag:s29] =	ssyncadd.s32 $0xFFFFD800  }
0xd0: {  	[tilespmem:s13], [sflag:$0x4] =	stream.indirect.gather [hbm4b:s6+s30], $0x80, s21, s30, $0xb8;
	[tilespmem:$0x1E400] =	vst v63  }
0xd1: {  	s9 =	sadd.s32 $0x140, s9;
	s0 =	sadd.s32 s31, s24;
	s31 =	sadd.s32 $0x28, s31  }
0xd2: {  	[tilespmem:s14], [sflag:$0x8] =	stream.linear.gather [hbm4b:s0+s4], $0x50, $0x38;
	[tilespmem:$0x1E400] =	vst v63  }
.LBB2_5:
0xd3: {  	_ =	sfence.sel $0x180000  }
0xd4: {  	[bflag:$0x0] =	sbarrier.arrive $0xFFFF  }
0xd5: {  	_ =	strace $0x9000004A  }
0xd6: {  	s0 =	stileid.u32;
	[bflag:$0x2] =	sbarrier.arrive $0xFFFF  }
0xd7: {  	p0 =	sne.s32 s0, $0x0;
	s0 =	rddreg [dreg:$0x3]  }
0xd8: {  	s0 =	sadd.s32 @!p0 $0x100000, s0  }
0xd9: {  	[sflag:s0] =	ssyncadd.tile.s32 @!p0 $0x1;
	_ =	shalt  }
.Lfunc_end2:
_tile_overlayer_lowered:
.L_overlay_start_2:
0xda: {  	(tag) =	ssettag $0x2  }
0xdb: {  	s0 =	rddreg [dreg:$0x0];
	s2 =	stileid.u32  }
0xdc: {  	s1 =	rddreg [dreg:$0x1];
	p0 =	sne.s32 s2, $0x0  }
0xdd: {  	s3 =	rddreg [dreg:$0x2];
	[bflag:$0x3] =	sbarrier.arrive $0xFFFF;
	s2 =	simm.s32 @!p0 $0x1C11  }
0xde: {  	[timem:s3], [sflag:s2] =	dma.local @!p0 [hbm:s0], s1  }
0xdf: {  	s0 =	simm.s32 @!p0 $0x11  }
0xe0: {  	_ =	swait.ge @!p0 [sflag:s0], s1  }
0xe1: {  	s1 =	ssub.s32 @!p0 $0x0, s1;
	[sflag:s0] =	ssyncset.done @!p0 $0x0  }
0xe2: {  	[sflag:s0] =	ssyncadd.s32 @!p0 s1  }
0xe3: {  	[bflag:$0x3] =	sbarrier.arrive $0xFFFF  }
0xe4: {  	_ =	shalt  }

// kernel: kernel.16.cloned.1.call-start
scs
__scs_entry_jumppad:
0x0: {  	(pc) =	sbr.rel $0x88, $3  }
0x1: {  	(tag) =	ssettag $0x0;
	lr =	simm.s32 $0x1  }
0x2: {  	[smem:$0x3F99] =	sst lr;
	_ =	strace $0xD0000000  }
0x3: {  	_ = 	snop  }
0x4: {  	_ = 	snop  }
0x5: {  	_ = 	snop  }
0x6: {  	_ = 	snop  }
0x7: {  	_ = 	snop  }
__scs_overlays_trampoline_lowered:
0x8: {  	[smem:$0x3FA8] =	sst s0  }
0x9: {  	[smem:$0x3FA9] =	sst s1  }
0xa: {  	[smem:$0x3FAA] =	sst s2  }
0xb: {  	[smem:$0x3FAB] =	sst s3  }
0xc: {  	[smem:$0x3FAC] =	sst s4  }
0xd: {  	[smem:$0x3FAD] =	sst s5  }
0xe: {  	[smem:$0x3FAE] =	sst s6  }
0xf: {  	[smem:$0x3FAF] =	sst s7  }
0x10: {  	[smem:$0x3FB0] =	sst s8  }
0x11: {  	[smem:$0x3FB1] =	sst s9;
	s0 =	simm.s32 @!p0 $0x0  }
0x12: {  	s1 =	sld [smem:$0x3F97];
	s0 =	simm.s32 @p0 $0x1  }
0x13: {  	[smem:$0x3FB2] =	sst s0;
	s0 =	simm.s32 @!p1 $0x0  }
0x14: {  	s2 =	sld [smem:$0x3F96];
	s0 =	simm.s32 @p1 $0x1  }
0x15: {  	[smem:$0x3FB3] =	sst s0;
	s0 =	simm.s32 @!p2 $0x0  }
0x16: {  	s3 =	sld [smem:$0x3FDB];
	s0 =	simm.s32 @p2 $0x1  }
0x17: {  	s4 =	simm.s32 $0x1BF5;
	[smem:$0x3FB5] =	sst s0  }
0x18: {  	s0 =	sld [smem:$0x3F98];
	_ =	swait.ge [sflag:s4], $0x0  }
0x19: {  	s7 =	sld [smem:$0x3F99]  }
0x1a: {  	s8 =	sadd.s32 $0xFFFFE003, lr  }
0x1b: {  	s9 =	sadd.s32 $0xFFFFFEF7, lr;
	s5 =	simm.s32 $0xFFFFFFFF;
	p2 =	slt.u32 s8, $0xFFFFF086  }
0x1c: {  	p1 =	slt.u32 s9, $0xF7A;
	s5 =	simm.s32 @!p2 $0x0  }
0x1d: {  	s5 =	simm.s32 @p1 $0x1;
	p0 =	seq.s32 s7, s2  }
0x1e: {  	s7 =	smul.u32 @!p0 $0xF7A, s2;
	p2 =	seq.s32 @!p0 s5, $0x0  }
0x1f: {  	s9 =	smul.u32 $0xF7A, s1;
	s8 =	simm.s32 @!p0 $0x1BF5;
	p2 =	por !p2, p0  }
0x20: {  	[sflag:s8] =	ssyncset.s32 @!p0 $0xFFFFF086;
	s6 =	sadd.s32 @!p0 s3, s7;
	s7 =	simm.s32 @!p0 $0x108  }
0x21: {  	s3 =	sadd.s32 s3, s9;
	s6 =	sadd.s32 @!p0 $0x88, s6;
	s7 =	simm.s32 @p2 $0x1082  }
0x22: {  	[simem:s7], [sflag:s8] =	dma.local @!p0 [hbm:s6], $0xF7A  }
0x23: {  	s9 =	sor.u32 $0xD0000000, s2;
	s6 =	simm.s32 $0x108;
	_ =	swait.ge @!p0 [sflag:s8], $0x0  }
0x24: {  	s3 =	sadd.s32 $0x88, s3;
	s6 =	simm.s32 @!p1 $0x1082;
	[sflag:s4] =	ssyncset.s32 $0xFFFFF086  }
0x25: {  	[simem:s6], [sflag:s4] =	dma.local [hbm:s3], $0xF7A  }
0x26: {  	[smem:$0x3F99] =	sst s1;
	(tag) =	ssettag s2;
	_ =	strace s9  }
0x27: {  	s1 =	sld [smem:$0x3FA9]  }
0x28: {  	s2 =	sld [smem:$0x3FAA]  }
0x29: {  	s4 =	sld [smem:$0x3FAC]  }
0x2a: {  	p0 =	seq.s32 s5, $0x0;
	s5 =	sld [smem:$0x3FAD]  }
0x2b: {  	s6 =	sld [smem:$0x3FAE]  }
0x2c: {  	s7 =	sld [smem:$0x3FAF]  }
0x2d: {  	s3 =	simm.s32 $0x108;
	s8 =	sld [smem:$0x3FB0]  }
0x2e: {  	s3 =	simm.s32 @!p0 $0x1082;
	s9 =	sld [smem:$0x3FB1]  }
0x2f: {  	lr =	sadd.s32 s0, s3;
	s0 =	sld [smem:$0x3FA8]  }
0x30: {  	s3 =	sld [smem:$0x3FAB]  }
0x31: {  	[smem:$0x3FB4] =	sst s10  }
0x32: {  	s10 =	sld [smem:$0x3FB2];
	_ =	sdelay $0x3  }
0x33: {  	p0 =	seq.s32 s10, $0x1;
	s10 =	sld [smem:$0x3FB4];
	_ =	sdelay $0x3  }
0x34: {  	[smem:$0x3FB4] =	sst s10  }
0x35: {  	s10 =	sld [smem:$0x3FB3];
	_ =	sdelay $0x3  }
0x36: {  	p1 =	seq.s32 s10, $0x1;
	s10 =	sld [smem:$0x3FB4];
	_ =	sdelay $0x3  }
0x37: {  	[smem:$0x3FB4] =	sst s10  }
0x38: {  	s10 =	sld [smem:$0x3FB5]  }
0x39: {  	_ = 	snop;
	(pc) =	sbr.ind lr, $3  }
0x3a: {  	_ = 	snop  }
0x3b: {  	_ = 	snop  }
0x3c: {  	p2 =	seq.s32 s10, $0x1;
	s10 =	sld [smem:$0x3FB4]  }
0x3d: {  	_ =	shalt  }
0x3e: {  	_ =	shalt  }
0x3f: {  	_ =	shalt  }
0x40: {  	_ =	shalt  }
0x41: {  	_ =	shalt  }
0x42: {  	_ =	shalt  }
0x43: {  	_ =	shalt  }
0x44: {  	_ =	shalt  }
0x45: {  	_ =	shalt  }
0x46: {  	_ =	shalt  }
0x47: {  	_ =	shalt  }
0x48: {  	_ =	shalt  }
0x49: {  	_ =	shalt  }
0x4a: {  	_ =	shalt  }
0x4b: {  	_ =	shalt  }
0x4c: {  	_ =	shalt  }
0x4d: {  	_ =	shalt  }
0x4e: {  	_ =	shalt  }
0x4f: {  	_ =	shalt  }
0x50: {  	_ =	shalt  }
0x51: {  	_ =	shalt  }
0x52: {  	_ =	shalt  }
0x53: {  	_ =	shalt  }
0x54: {  	_ =	shalt  }
0x55: {  	_ =	shalt  }
0x56: {  	_ =	shalt  }
0x57: {  	_ =	shalt  }
0x58: {  	_ =	shalt  }
0x59: {  	_ =	shalt  }
0x5a: {  	_ =	shalt  }
0x5b: {  	_ =	shalt  }
0x5c: {  	_ =	shalt  }
0x5d: {  	_ =	shalt  }
0x5e: {  	_ =	shalt  }
0x5f: {  	_ =	shalt  }
0x60: {  	_ =	shalt  }
0x61: {  	_ =	shalt  }
0x62: {  	_ =	shalt  }
0x63: {  	_ =	shalt  }
0x64: {  	_ =	shalt  }
0x65: {  	_ =	shalt  }
0x66: {  	_ =	shalt  }
0x67: {  	_ =	shalt  }
0x68: {  	_ =	shalt  }
0x69: {  	_ =	shalt  }
0x6a: {  	_ =	shalt  }
0x6b: {  	_ =	shalt  }
0x6c: {  	_ =	shalt  }
0x6d: {  	_ =	shalt  }
0x6e: {  	_ =	shalt  }
0x6f: {  	_ =	shalt  }
0x70: {  	_ =	shalt  }
0x71: {  	_ =	shalt  }
0x72: {  	_ =	shalt  }
0x73: {  	_ =	shalt  }
0x74: {  	_ =	shalt  }
0x75: {  	_ =	shalt  }
0x76: {  	_ =	shalt  }
0x77: {  	_ =	shalt  }
0x78: {  	_ =	shalt  }
0x79: {  	_ =	shalt  }
0x7a: {  	_ =	shalt  }
0x7b: {  	_ =	shalt  }
0x7c: {  	_ =	shalt  }
0x7d: {  	_ =	shalt  }
0x7e: {  	_ =	shalt  }
0x7f: {  	_ =	shalt  }
0x80: {  	_ =	shalt  }
0x81: {  	_ =	shalt  }
0x82: {  	_ =	shalt  }
0x83: {  	_ =	shalt  }
0x84: {  	_ =	shalt  }
0x85: {  	_ =	shalt  }
0x86: {  	_ =	shalt  }
0x87: {  	_ =	shalt  }
.Lfunc_end0:
.L_simem_size_0:
called_computation.2_lowered:
.L_overlay_start_0:
0x88: {  	s2 =	sld [smem:$0x3FD9]  }
0x89: {  	s3 =	sld [smem:$0x3FFE];
	_ =	sdelay $0x1  }
0x8a: {  	s1 =	srdreg.scid  }
0x8b: {  	s0 =	sand.u32 $0x1, s1  }
0x8c: {  	s17 =	sshll.u32 s0, $0xA;
	s2 =	sadd.s32 s3, s2  }
0x8d: {  	s2 =	sadd.s32 s2, s17  }
0x8e: {  	[smem:$0x3FC0] =	sst s2  }
0x8f: {  	_ = 	snop  }
0x90: {  	s2 =	sld [smem:$0x3FD0];
	(tm) =	ssettm $0x1  }
0x91: {  	s18 =	sld [smem:$0x3FFB];
	_ =	sdelay $0x3  }
0x92: {  	_ =	strace s18  }
0x93: {  	s3 =	sld [smem:$0x3FFC];
	_ =	sdelay $0x3  }
0x94: {  	_ =	strace s3  }
0x95: {  	s3 =	sld [smem:$0x3FFD];
	_ =	sdelay $0x3  }
0x96: {  	_ =	strace s3  }
0x97: {  	_ =	strace $0x8FFFFFFF  }
0x98: {  	s19 =	sld [smem:$0x3FDB];
	_ =	sdelay $0x1  }
0x99: {  	s4 =	simm.s32 $_scs_section_size  }
0x9a: {  	s5 =	simm.s32 $_size__tile_overlayer_lowered;
	s6 =	simm.s32 $_tile_overlayer_lowered  }
0x9b: {  	s22 =	simm.s32 $0x1BFF;
	s21 =	sshll.u32 s6, $0x1;
	s3 =	sadd.s32 s4, s19  }
0x9c: {  	s7 =	simm.s32 $0x0;
	s20 =	sshll.u32 s5, $0x1;
	s5 =	sadd.s32 s21, s3  }
0x9d: {  	[timem:s7], [sflag:s22] =	dma.local [hbm:s5], s20  }
0x9e: {  	_ =	swait.ge [sflag:s22], s20  }
0x9f: {  	s4 =	ssub.s32 $0x0, s20;
	[sflag:s22] =	ssyncset.done $0x0  }
0xa0: {  	[sflag:s22] =	ssyncadd.s32 s4;
	_ =	sdelay $0x1  }
0xa1: {  	s23 =	simm.s32 $0x1B8B  }
0xa2: {  	_ =	swait.ge [sflag:s23], $0x1  }
0xa3: {  	[sflag:s23] =	ssyncset.done $0x0  }
0xa4: {  	s25 =	simm.s32 $0x1B8E;
	s24 =	sld [smem:$0x3FFE];
	[sflag:s23] =	ssyncadd.s32 $0xFFFFFFFF  }
0xa5: {  	s26 =	simm.s32 $execute0_lowered;
	[smem:$0x3FD2] =	sst s25  }
0xa6: {  	s5 =	sshll.u32 s26, $0x1;
	_ =	strace $0x8000004C;
	[dreg:$0x1] =	wrdreg $0xFFFFFFFF  }
0xa7: {  	s28 =	simm.s32 $_size_execute0_lowered;
	s3 =	sadd.s32 s3, s5;
	[dreg:$0x0] =	wrdreg $0x0  }
0xa8: {  	s5 =	sshll.u32 s28, $0x1;
	[dreg:$0x2] =	wrdreg s3  }
0xa9: {  	[dreg:$0x3] =	wrdreg s5  }
0xaa: {  	[dreg:$0x4] =	wrdreg $0xC0  }
0xab: {  	_ =	task [dreg:s7], $0x5FFFF  }
0xac: {  	[dreg:$0x1] =	wrdreg $0xFFFFFFFF  }
0xad: {  	[dreg:$0x0] =	wrdreg $0x60  }
0xae: {  	[dreg:$0x2] =	wrdreg s24  }
0xaf: {  	[dreg:$0x3] =	wrdreg s2  }
0xb0: {  	[dreg:$0x4] =	wrdreg $0xA4000  }
0xb1: {  	[dreg:$0x5] =	wrdreg $0x9  }
0xb2: {  	_ =	task.clear_ibuf [dreg:s7], $0x6FFFF;
	_ =	strace $0x9000004C  }
0xb3: {  	s29 =	simm.s32 $0x9;
	_ =	strace $0x8000004E  }
0xb4: {  	_ =	swait.ge [sflag:s29], $0x1  }
0xb5: {  	[sflag:s29] =	ssyncadd.s32 $0xFFFFFFFF  }
0xb6: {  	_ =	strace $0x9000004E  }
0xb7: {  	_ =	sfence  }
0xb8: {  	s30 =	sld [smem:$0x0];
	_ =	sdelay $0x2  }
0xb9: {  	s31 =	sshll.u32 s1, $0xD;
	s1 =	sshrl.u32 s1, $0x2  }
0xba: {  	s3 =	sand.u32 $0x4000, s31;
	s1 =	sadd.s32 s1, s30  }
0xbb: {  	s0 =	sor.u32 s3, s0;
	s1 =	sshll.u32 s1, $0x11  }
0xbc: {  	s0 =	sor.u32 s1, s0  }
0xbd: {  	s0 =	sadd.s32 $0x8F2B, s0  }
0xbe: {  	[sflag:s0] =	ssyncadd.remote.s32 $0x1  }
0xbf: {  	_ =	sfence.sel $0xFFFF  }
0xc0: {  	[dreg:$0x0] =	wrdreg $0xFFFFFFFF;
	(pc) =	sbr.abs _section_cstart, $3  }
0xc1: {  	[dreg:$0x1] =	wrdreg $0xFFFFFFFF  }
0xc2: {  	_ =	task.clear_ibuf [dreg:s7], $0x2FFFF;
	_ =	strace $0x9FFFFFFF  }
0xc3: {  	(tm) =	ssettm $0x7FFFFFFF  }
tec
execute0_lowered:
.L_overlay_start_1:
0x0: {  	(tag) =	ssettag $0x1  }
0x1: {  	s0 =	rddreg [dreg:$0x0]  }
0x2: {  	s12 =	rddreg [dreg:$0x1]  }
0x3: {  	s3 =	rddreg [dreg:$0x2]  }
0x4: {  	s4 =	simm.s32 $0x0;
	s5 =	stileid.u32;
	s1 =	srdreg.scid  }
0x5: {  	s30 =	simm.s32 $0x50;
	s29 =	simm.s32 $0xC;
	s2 =	smul.u32 $0x14000, s5  }
0x6: {  	[smem:$0x7FF] =	sst s4;
	s1 =	sand.u32 $0x1, s1;
	s14 =	smul.u32 $0x50000, s5  }
0x7: {  	s13 =	sadd.s32 $0x2400, s0;
	s6 =	sadd.s32 $0x34200, s0;
	s16 =	smul.u32 $0x2710, s5  }
0x8: {  	_ =	strace $0x8000004D;
	s7 =	smul.u32 $0x140000, s1;
	s8 =	sshll.u32 s1, $0x4  }
0x9: {  	s22 =	ssub.s32 $0x2, s1;
	s1 =	smul.u32 $0x27100, s1;
	s8 =	sor.u32 s5, s8  }
0xa: {  	s9 =	sshrl.u32 s2, $0x3;
	s23 =	sshrl.u32 s22, $0x1;
	s5 =	simm.s32 $0x11  }
0xb: {  	s2 =	sadd.s32 s2, s7;
	s20 =	smul.u32 $0x2710, s8;
	s21 =	sadd.s32 s9, s0  }
0xc: {  	s1 =	sadd.s32 s16, s1;
	s8 =	simm.s32 $0x280;
	s2 =	sshrl.u32 s2, $0x3  }
0xd: {  	s16 =	simm.s32 $0x6;
	s19 =	sadd.s32 $0xC200, s21;
	s0 =	sadd.s32 s2, s0  }
0xe: {  	s7 =	sshrl.u32 s20, $0x3;
	s2 =	ssub.s32 s22, s23;
	[dreg:$0xd] =	wrdreg s19  }
0xf: {  	s22 =	sadd.s32 $0x230, s1;
	s23 =	sadd.s32 $0x1E0, s1;
	s24 =	sadd.s32 s13, s7  }
0x10: {  	s19 =	simm.s32 $0x9;
	s10 =	sadd.s32 s12, s7;
	[dreg:$0x4] =	wrdreg s24  }
0x11: {  	s25 =	sadd.s32 $0xA, s7;
	s0 =	sadd.s32 $0x5B400, s0;
	[dreg:$0x5] =	wrdreg s10  }
0x12: {  	s31 =	sadd.s32 $0x14, s7;
	s2 =	smax.u32 s2, $0x1;
	[dreg:$0x10] =	wrdreg s0  }
0x13: {  	s15 =	sadd.s32 $0x1E, s7;
	s26 =	sadd.s32 s13, s25;
	[dreg:$0x11] =	wrdreg s2  }
0x14: {  	s7 =	sadd.s32 $0x4D8, s7;
	s9 =	sadd.s32 s12, s25;
	[dreg:$0x6] =	wrdreg s26  }
0x15: {  	s11 =	sadd.s32 s13, s31;
	s10 =	sadd.s32 s12, s31;
	[dreg:$0x7] =	wrdreg s9  }
0x16: {  	s17 =	sadd.s32 s12, s15;
	s20 =	sadd.s32 s13, s7;
	[dreg:$0x8] =	wrdreg s11  }
0x17: {  	s21 =	sadd.s32 s12, s7;
	s0 =	sshrl.u32 s22, $0x3;
	[dreg:$0x9] =	wrdreg s10  }
0x18: {  	s2 =	sshrl.u32 s23, $0x3;
	s25 =	sadd.s32 $0x190, s1;
	[dreg:$0xb] =	wrdreg s17  }
0x19: {  	s1 =	sadd.s32 $0x140, s1;
	s22 =	simm.s32 $0xB;
	[dreg:$0xe] =	wrdreg s20  }
0x1a: {  	s11 =	sadd.s32 s13, s15;
	s9 =	sshrl.u32 s14, $0x2;
	[dreg:$0xf] =	wrdreg s21  }
0x1b: {  	s24 =	sadd.s32 s0, s12;
	s7 =	sshrl.u32 s25, $0x3;
	[dreg:$0x13] =	wrdreg s1  }
0x1c: {  	s23 =	sadd.s32 s0, s13;
	s26 =	sadd.s32 s2, s12;
	s25 =	sadd.s32 s2, s13  }
0x1d: {  	s14 =	simm.s32 $0x380;
	s15 =	simm.s32 $0x1;
	s17 =	simm.s32 $0x3  }
0x1e: {  	s20 =	simm.s32 $0xA;
	s2 =	simm.s32 $0xD;
	s10 =	simm.s32 $0xE  }
0x1f: {  	s1 =	simm.s32 $0x10;
	s21 =	simm.s32 $0x0;
	[dreg:$0xa] =	wrdreg s11  }
.Ltmp0:
0x20: {  	s18 =	sadd.s32 s9, s3;
	[dreg:$0x12] =	wrdreg s24;
	(pc) =	sbr.rel .LBB2_1-.Ltmp0, $4  }
0x21: {  	[dreg:$0x14] =	wrdreg s26;
	s31 =	sadd.s32 s7, s12;
	s26 =	smov.u32 s13  }
0x22: {  	s28 =	sadd.s32 s7, s13;
	s9 =	simm.s32 $0x400;
	s12 =	simm.s32 $0x200  }
0x23: {  	s7 =	simm.s32 $0x2C00;
	s13 =	simm.s32 $0x7C00;
	[dreg:$0xc] =	wrdreg s18  }
0x24: {  	s11 =	simm.s32 $0xF;
	[dreg:$0x15] =	wrdreg s31;
	s18 =	simm.s32 $0x8  }
.LBB2_4:
0x25: {  	s0 =	rddreg [dreg:$0xe];
	s5 =	simm.s32 $0x11  }
0x26: {  	[tilespmem:s4], [sflag:$0x11] =	stream.linear.gather [hbm4b:s0+s4], $0x50, $0x38;
	[tilespmem:$0x1E400] =	vst v63  }
0x27: {  	_ =	swait.ge [sflag:s5], $0x50  }
0x28: {  	[sflag:s5] =	ssyncset.done $0x0  }
0x29: {  	[sflag:s5] =	ssyncadd.s32 $0xFFFFFFB0  }
0x2a: {  	_ =	swait.ge [sflag:s19], $0x2800  }
0x2b: {  	[sflag:s19] =	ssyncset.done $0x0  }
0x2c: {  	s9 =	simm.s32 $0x400;
	[sflag:s19] =	ssyncadd.s32 $0xFFFFD800  }
0x2d: {  	[tilespmem:s9], [sflag:$0x1] =	stream.indirect.gather [hbm4b:s6+s30], $0x80, s4, s30, $0xb8;
	[tilespmem:$0x1E400] =	vst v63  }
0x2e: {  	_ =	swait.ge [sflag:s15], $0x2800  }
0x2f: {  	[sflag:s15] =	ssyncset.done $0x0  }
0x30: {  	s12 =	simm.s32 $0x200;
	s24 =	rddreg [dreg:$0xf];
	[sflag:s15] =	ssyncadd.s32 $0xFFFFD800  }
0x31: {  	[tilespmem:s12], [sflag:$0x11] =	stream.linear.gather [hbm4b:s24+s4], $0x50, $0x38;
	[tilespmem:$0x1E400] =	vst v63  }
0x32: {  	_ =	swait.ge [sflag:s5], $0x50  }
0x33: {  	[sflag:s5] =	ssyncset.done $0x0  }
0x34: {  	[sflag:s5] =	ssyncadd.s32 $0xFFFFFFB0  }
0x35: {  	[spmem:s3] =	stream.indirect.scatter.add.f32 [tilespmem:s9], [sflag:$0x9], $0x80, s12, s30, $0xb8;
	[tilespmem:$0x1E400] =	vst v63  }
0x36: {  	_ =	swait.ge [sflag:s19], $0x2800  }
0x37: {  	[sflag:s19] =	ssyncset.done $0x0  }
0x38: {  	[sflag:s19] =	ssyncadd.s32 $0xFFFFD800  }
0x39: {  	_ =	swait.ge [sflag:s20], $0x2800  }
0x3a: {  	[sflag:s20] =	ssyncset.done $0x0  }
0x3b: {  	[sflag:s20] =	ssyncadd.s32 $0xFFFFD800  }
0x3c: {  	_ =	swait.ge [sflag:s22], $0x2800  }
0x3d: {  	[sflag:s22] =	ssyncset.done $0x0  }
0x3e: {  	[sflag:s22] =	ssyncadd.s32 $0xFFFFD800  }
0x3f: {  	_ =	swait.ge [sflag:s29], $0x2800  }
0x40: {  	[sflag:s29] =	ssyncset.done $0x0  }
0x41: {  	[sflag:s29] =	ssyncadd.s32 $0xFFFFD800  }
0x42: {  	[bflag:$0x0] =	sbarrier.arrive $0xFFFF  }
0x43: {  	s31 =	rddreg [dreg:$0x10]  }
0x44: {  	s21 =	rddreg [dreg:$0x17]  }
0x45: {  	s24 =	rddreg [dreg:$0x18]  }
0x46: {  	[hbm:s31], [sflag:s21] =	dma.local [spmem:s24], $0x2800  }
0x47: {  	_ =	swait.ge [sflag:s5], $0x2800  }
0x48: {  	s24 =	rddreg [dreg:$0x16]  }
0x49: {  	s31 =	rddreg [dreg:$0x11];
	s21 =	sadd.s32 $0x1, s24  }
0x4a: {  	p0 =	sne.s32 s21, s31  }
.Ltmp1:
0x4b: {  	_ = 	snop;
	(pc) =	sbr.rel @!p0 .LBB2_5-.Ltmp1, $3  }
0x4c: {  	_ =	sdelay $0x1  }
0x4d: {  	[sflag:s5] =	ssyncset.done $0x0  }
0x4e: {  	[sflag:s5] =	ssyncadd.s32 $0xFFFFD800  }
.LBB2_1:
0x4f: {  	[dreg:$0x16] =	wrdreg s21  }
0x50: {  	s0 =	rddreg [dreg:$0x4]  }
0x51: {  	[tilespmem:s4], [sflag:$0x11] =	stream.linear.gather [hbm4b:s0+s4], $0x50, $0x38;
	[tilespmem:$0x1E400] =	vst v63  }
0x52: {  	_ =	swait.ge [sflag:s5], $0x50  }
0x53: {  	[sflag:s5] =	ssyncset.done $0x0  }
0x54: {  	[sflag:s5] =	ssyncadd.s32 $0xFFFFFFB0  }
0x55: {  	[tilespmem:s9], [sflag:$0x1] =	stream.indirect.gather [hbm4b:s6+s30], $0x80, s4, s30, $0xb8;
	[tilespmem:$0x1E400] =	vst v63  }
0x56: {  	s9 =	rddreg [dreg:$0x5]  }
0x57: {  	[tilespmem:s12], [sflag:$0x5] =	stream.linear.gather [hbm4b:s9+s4], $0x50, $0x38;
	[tilespmem:$0x1E400] =	vst v63  }
0x58: {  	s24 =	simm.s32 $0x80;
	s21 =	rddreg [dreg:$0x6]  }
0x59: {  	[tilespmem:s24], [sflag:$0x11] =	stream.linear.gather [hbm4b:s21+s4], $0x50, $0x38;
	[tilespmem:$0x1E400] =	vst v63  }
0x5a: {  	_ =	swait.ge [sflag:s5], $0x50  }
0x5b: {  	[sflag:s5] =	ssyncset.done $0x0  }
0x5c: {  	[sflag:s5] =	ssyncadd.s32 $0xFFFFFFB0  }
0x5d: {  	[tilespmem:s7], [sflag:$0x2] =	stream.indirect.gather [hbm4b:s6+s30], $0x80, s24, s30, $0xb8;
	[tilespmem:$0x1E400] =	vst v63  }
0x5e: {  	s12 =	rddreg [dreg:$0x7]  }
0x5f: {  	[tilespmem:s8], [sflag:$0x6] =	stream.linear.gather [hbm4b:s12+s4], $0x50, $0x38;
	[tilespmem:$0x1E400] =	vst v63  }
0x60: {  	s21 =	rddreg [dreg:$0x8];
	s24 =	simm.s32 $0x100  }
0x61: {  	[tilespmem:s24], [sflag:$0x11] =	stream.linear.gather [hbm4b:s21+s4], $0x50, $0x38;
	[tilespmem:$0x1E400] =	vst v63  }
0x62: {  	_ =	swait.ge [sflag:s5], $0x50  }
0x63: {  	[sflag:s5] =	ssyncset.done $0x0  }
0x64: {  	s12 =	simm.s32 $0x5400;
	[sflag:s5] =	ssyncadd.s32 $0xFFFFFFB0  }
0x65: {  	[tilespmem:s12], [sflag:$0x3] =	stream.indirect.gather [hbm4b:s6+s30], $0x80, s24, s30, $0xb8;
	[tilespmem:$0x1E400] =	vst v63  }
0x66: {  	s21 =	rddreg [dreg:$0x9];
	s24 =	simm.s32 $0x300  }
0x67: {  	[tilespmem:s24], [sflag:$0x7] =	stream.linear.gather [hbm4b:s21+s4], $0x50, $0x38;
	[tilespmem:$0x1E400] =	vst v63  }
0x68: {  	s24 =	stileid.u32  }
0x69: {  	s9 =	rddreg [dreg:$0xa];
	s12 =	simm.s32 $0x180;
	s0 =	sshll.u32 s24, $0x6  }
0x6a: {  	[tilespmem:s12], [sflag:$0x11] =	stream.linear.gather [hbm4b:s9+s4], $0x50, $0x38;
	[tilespmem:$0x1E400] =	vst v63  }
0x6b: {  	s9 =	sor.u32 $0x1C11, s0;
	_ =	swait.ge [sflag:s5], $0x50  }
0x6c: {  	[dreg:$0x17] =	wrdreg s9;
	[sflag:s5] =	ssyncset.done $0x0  }
0x6d: {  	s21 =	rddreg [dreg:$0xb];
	[sflag:s5] =	ssyncadd.s32 $0xFFFFFFB0  }
0x6e: {  	[tilespmem:s13], [sflag:$0x4] =	stream.indirect.gather [hbm4b:s6+s30], $0x80, s12, s30, $0xb8;
	[tilespmem:$0x1E400] =	vst v63  }
0x6f: {  	s12 =	rddreg [dreg:$0xc]  }
0x70: {  	[tilespmem:s14], [sflag:$0x8] =	stream.linear.gather [hbm4b:s21+s4], $0x50, $0x38;
	[tilespmem:$0x1E400] =	vst v63  }
0x71: {  	s24 =	rddreg [dreg:$0xd];
	s21 =	sshrl.u32 s12, $0x3  }
0x72: {  	[dreg:$0x18] =	wrdreg s21  }
0x73: {  	[spmem:s21], [sflag:s9] =	dma.local [hbm:s24], $0x2800  }
0x74: {  	_ =	swait.ge [sflag:s5], $0x2800  }
0x75: {  	[sflag:s5] =	ssyncset.done $0x0  }
0x76: {  	[sflag:s5] =	ssyncadd.s32 $0xFFFFD800  }
0x77: {  	[bflag:$0x0] =	sbarrier.arrive $0xFFFF  }
0x78: {  	s31 =	simm.s32 $0x0;
	s9 =	rddreg [dreg:$0x13]  }
.LBB2_2:
0x79: {  	_ =	swait.ge [sflag:s15], $0x2800  }
0x7a: {  	p0 =	seq.s32 s31, $0x4B0;
	[sflag:s15] =	ssyncset.done $0x0  }
0x7b: {  	s12 =	simm.s32 @p0 $0x5;
	[sflag:s15] =	ssyncadd.s32 $0xFFFFD800  }
0x7c: {  	_ =	swait.ge @p0 [sflag:s12], $0x50  }
0x7d: {  	s0 =	simm.s32 @p0 $0x200;
	[sflag:s12] =	ssyncset.done @p0 $0x0  }
0x7e: {  	s5 =	simm.s32 @p0 $0x400;
	[sflag:s12] =	ssyncadd.s32 @p0 $0xFFFFFFB0;
	s12 =	simm.s32 @p0 $0x50  }
0x7f: {  	[spmem:s3] =	stream.indirect.scatter.add.f32 @p0 [tilespmem:s5], [sflag:$0x9], $0x80, s0, s12, $0xb8;
	[tilespmem:$0x1E400] =	vst v63  }
0x80: {  	s0 =	simm.s32 @p0 $0x2  }
0x81: {  	_ =	swait.ge @p0 [sflag:s0], $0x2800  }
0x82: {  	s5 =	sshrl.u32 @!p0 s9, $0x3;
	[sflag:s0] =	ssyncset.done @p0 $0x0  }
0x83: {  	[sflag:s0] =	ssyncadd.s32 @p0 $0xFFFFD800;
	s0 =	sadd.s32 @!p0 s26, s5;
	s5 =	simm.s32 @!p0 $0x0  }
0x84: {  	[tilespmem:s5], [sflag:$0xD] =	stream.linear.gather @!p0 [hbm4b:s0+s5], $0x50, $0x38;
	[tilespmem:$0x1E400] =	vst v63  }
0x85: {  	s0 =	simm.s32 @!p0 $0x5  }
0x86: {  	_ =	swait.ge @!p0 [sflag:s0], $0x50  }
0x87: {  	s21 =	simm.s32 @!p0 $0x200;
	[sflag:s0] =	ssyncset.done @!p0 $0x0  }
0x88: {  	s24 =	simm.s32 @!p0 $0x400;
	[sflag:s0] =	ssyncadd.s32 @!p0 $0xFFFFFFB0;
	s0 =	simm.s32 @!p0 $0x50  }
0x89: {  	[spmem:s3] =	stream.indirect.scatter.add.f32 @!p0 [tilespmem:s24], [sflag:$0x9], $0x80, s21, s0, $0xb8;
	[tilespmem:$0x1E400] =	vst v63  }
0x8a: {  	s21 =	simm.s32 @!p0 $0x2  }
0x8b: {  	_ =	swait.ge @!p0 [sflag:s21], $0x2800  }
0x8c: {  	[sflag:s21] =	ssyncset.done @!p0 $0x0  }
0x8d: {  	s24 =	simm.s32 @!p0 $0x80;
	[sflag:s21] =	ssyncadd.s32 @!p0 $0xFFFFD800;
	s21 =	sadd.s32 @!p0 s31, s28  }
0x8e: {  	[tilespmem:s24], [sflag:$0xE] =	stream.linear.gather @!p0 [hbm4b:s21+s5], $0x50, $0x38;
	[tilespmem:$0x1E400] =	vst v63  }
0x8f: {  	_ =	swait.ge [sflag:s16], $0x50  }
0x90: {  	[sflag:s16] =	ssyncset.done $0x0  }
0x91: {  	[sflag:s16] =	ssyncadd.s32 $0xFFFFFFB0  }
0x92: {  	[spmem:s3] =	stream.indirect.scatter.add.f32 [tilespmem:s7], [sflag:$0xA], $0x80, s8, s30, $0xb8;
	[tilespmem:$0x1E400] =	vst v63  }
0x93: {  	_ =	swait.ge [sflag:s17], $0x2800  }
0x94: {  	[sflag:s17] =	ssyncset.done $0x0  }
0x95: {  	s21 =	simm.s32 @p0 $0x7;
	[sflag:s17] =	ssyncadd.s32 $0xFFFFD800  }
0x96: {  	_ =	swait.ge @p0 [sflag:s21], $0x50  }
0x97: {  	[sflag:s21] =	ssyncset.done @p0 $0x0  }
0x98: {  	s24 =	simm.s32 @p0 $0x5400;
	[sflag:s21] =	ssyncadd.s32 @p0 $0xFFFFFFB0;
	s21 =	simm.s32 @p0 $0x300  }
0x99: {  	[spmem:s3] =	stream.indirect.scatter.add.f32 @p0 [tilespmem:s24], [sflag:$0xB], $0x80, s21, s12, $0xb8;
	[tilespmem:$0x1E400] =	vst v63  }
0x9a: {  	s12 =	simm.s32 @p0 $0x4  }
0x9b: {  	_ =	swait.ge @p0 [sflag:s12], $0x2800  }
0x9c: {  	[sflag:s12] =	ssyncset.done @p0 $0x0  }
0x9d: {  	s21 =	simm.s32 @!p0 $0x100;
	[sflag:s12] =	ssyncadd.s32 @p0 $0xFFFFD800;
	s12 =	sadd.s32 @!p0 s31, s25  }
0x9e: {  	[tilespmem:s21], [sflag:$0xF] =	stream.linear.gather @!p0 [hbm4b:s12+s5], $0x50, $0x38;
	[tilespmem:$0x1E400] =	vst v63  }
0x9f: {  	s12 =	simm.s32 @!p0 $0x7  }
0xa0: {  	_ =	swait.ge @!p0 [sflag:s12], $0x50  }
0xa1: {  	[sflag:s12] =	ssyncset.done @!p0 $0x0  }
0xa2: {  	s21 =	simm.s32 @!p0 $0x5400;
	[sflag:s12] =	ssyncadd.s32 @!p0 $0xFFFFFFB0;
	s12 =	simm.s32 @!p0 $0x300  }
0xa3: {  	[spmem:s3] =	stream.indirect.scatter.add.f32 @!p0 [tilespmem:s21], [sflag:$0xB], $0x80, s12, s0, $0xb8;
	[tilespmem:$0x1E400] =	vst v63  }
0xa4: {  	s0 =	simm.s32 @!p0 $0x4  }
0xa5: {  	_ =	swait.ge @!p0 [sflag:s0], $0x2800  }
0xa6: {  	[sflag:s0] =	ssyncset.done @!p0 $0x0  }
0xa7: {  	s12 =	simm.s32 @!p0 $0x180;
	[sflag:s0] =	ssyncadd.s32 @!p0 $0xFFFFD800;
	s0 =	sadd.s32 @!p0 s31, s23  }
0xa8: {  	[tilespmem:s12], [sflag:$0x10] =	stream.linear.gather @!p0 [hbm4b:s0+s5], $0x50, $0x38;
	[tilespmem:$0x1E400] =	vst v63  }
.Ltmp2:
0xa9: {  	_ = 	snop;
	(pc) =	sbr.rel @p0 .LBB2_4-.Ltmp2, $4  }
0xaa: {  	_ =	swait.ge [sflag:s18], $0x50  }
0xab: {  	[sflag:s18] =	ssyncset.done $0x0  }
0xac: {  	[sflag:s18] =	ssyncadd.s32 $0xFFFFFFB0  }
0xad: {  	[spmem:s3] =	stream.indirect.scatter.add.f32 [tilespmem:s13], [sflag:$0xC], $0x80, s14, s30, $0xb8;
	[tilespmem:$0x1E400] =	vst v63  }
0xae: {  	_ =	swait.ge [sflag:s2], $0x50  }
0xaf: {  	[sflag:s2] =	ssyncset.done $0x0  }
0xb0: {  	[sflag:s2] =	ssyncadd.s32 $0xFFFFFFB0  }
0xb1: {  	_ =	swait.ge [sflag:s19], $0x2800  }
0xb2: {  	[sflag:s19] =	ssyncset.done $0x0  }
0xb3: {  	s0 =	simm.s32 $0x400;
	[sflag:s19] =	ssyncadd.s32 $0xFFFFD800  }
0xb4: {  	[tilespmem:s0], [sflag:$0x1] =	stream.indirect.gather [hbm4b:s6+s30], $0x80, s4, s30, $0xb8;
	[tilespmem:$0x1E400] =	vst v63  }
0xb5: {  	s21 =	sshrl.u32 s9, $0x3;
	s5 =	rddreg [dreg:$0x1]  }
0xb6: {  	s24 =	simm.s32 $0x200;
	s0 =	sadd.s32 s5, s21  }
0xb7: {  	[tilespmem:s24], [sflag:$0x5] =	stream.linear.gather [hbm4b:s0+s4], $0x50, $0x38;
	[tilespmem:$0x1E400] =	vst v63  }
0xb8: {  	_ =	swait.ge [sflag:s10], $0x50  }
0xb9: {  	[sflag:s10] =	ssyncset.done $0x0  }
0xba: {  	[sflag:s10] =	ssyncadd.s32 $0xFFFFFFB0  }
0xbb: {  	_ =	swait.ge [sflag:s20], $0x2800  }
0xbc: {  	[sflag:s20] =	ssyncset.done $0x0  }
0xbd: {  	s5 =	simm.s32 $0x80;
	s12 =	rddreg [dreg:$0x15];
	[sflag:s20] =	ssyncadd.s32 $0xFFFFD800  }
0xbe: {  	[tilespmem:s7], [sflag:$0x2] =	stream.indirect.gather [hbm4b:s6+s30], $0x80, s5, s30, $0xb8;
	[tilespmem:$0x1E400] =	vst v63  }
0xbf: {  	s0 =	sadd.s32 s31, s12  }
0xc0: {  	[tilespmem:s8], [sflag:$0x6] =	stream.linear.gather [hbm4b:s0+s4], $0x50, $0x38;
	[tilespmem:$0x1E400] =	vst v63  }
0xc1: {  	_ =	swait.ge [sflag:s11], $0x50  }
0xc2: {  	[sflag:s11] =	ssyncset.done $0x0  }
0xc3: {  	[sflag:s11] =	ssyncadd.s32 $0xFFFFFFB0  }
0xc4: {  	_ =	swait.ge [sflag:s22], $0x2800  }
0xc5: {  	s21 =	simm.s32 $0x100;
	[sflag:s22] =	ssyncset.done $0x0  }
0xc6: {  	s24 =	simm.s32 $0x5400;
	s5 =	rddreg [dreg:$0x14];
	[sflag:s22] =	ssyncadd.s32 $0xFFFFD800  }
0xc7: {  	[tilespmem:s24], [sflag:$0x3] =	stream.indirect.gather [hbm4b:s6+s30], $0x80, s21, s30, $0xb8;
	[tilespmem:$0x1E400] =	vst v63  }
0xc8: {  	s12 =	simm.s32 $0x300;
	s0 =	sadd.s32 s31, s5  }
0xc9: {  	[tilespmem:s12], [sflag:$0x7] =	stream.linear.gather [hbm4b:s0+s4], $0x50, $0x38;
	[tilespmem:$0x1E400] =	vst v63  }
0xca: {  	_ =	swait.ge [sflag:s1], $0x50  }
0xcb: {  	[sflag:s1] =	ssyncset.done $0x0  }
0xcc: {  	[sflag:s1] =	ssyncadd.s32 $0xFFFFFFB0  }
0xcd: {  	_ =	swait.ge [sflag:s29], $0x2800  }
.Ltmp3:
0xce: {  	[sflag:s29] =	ssyncset.done $0x0;
	(pc) =	sbr.rel .LBB2_2-.Ltmp3, $4  }
0xcf: {  	s21 =	simm.s32 $0x180;
	s24 =	rddreg [dreg:$0x12];
	[sflag:s29] =	ssyncadd.s32 $0xFFFFD800  }
0xd0: {  	[tilespmem:s13], [sflag:$0x4] =	stream.indirect.gather [hbm4b:s6+s30], $0x80, s21, s30, $0xb8;
	[tilespmem:$0x1E400] =	vst v63  }
0xd1: {  	s9 =	sadd.s32 $0x140, s9;
	s0 =	sadd.s32 s31, s24;
	s31 =	sadd.s32 $0x28, s31  }
0xd2: {  	[tilespmem:s14], [sflag:$0x8] =	stream.linear.gather [hbm4b:s0+s4], $0x50, $0x38;
	[tilespmem:$0x1E400] =	vst v63  }
.LBB2_5:
0xd3: {  	_ =	sfence.sel $0x180000  }
0xd4: {  	[bflag:$0x0] =	sbarrier.arrive $0xFFFF  }
0xd5: {  	_ =	strace $0x9000004D  }
0xd6: {  	s0 =	stileid.u32;
	[bflag:$0x2] =	sbarrier.arrive $0xFFFF  }
0xd7: {  	p0 =	sne.s32 s0, $0x0;
	s0 =	rddreg [dreg:$0x3]  }
0xd8: {  	s0 =	sadd.s32 @!p0 $0x100000, s0  }
0xd9: {  	[sflag:s0] =	ssyncadd.tile.s32 @!p0 $0x1;
	_ =	shalt  }
.Lfunc_end2:
_tile_overlayer_lowered:
.L_overlay_start_2:
0xda: {  	(tag) =	ssettag $0x2  }
0xdb: {  	s0 =	rddreg [dreg:$0x0];
	s2 =	stileid.u32  }
0xdc: {  	s1 =	rddreg [dreg:$0x1];
	p0 =	sne.s32 s2, $0x0  }
0xdd: {  	s3 =	rddreg [dreg:$0x2];
	[bflag:$0x3] =	sbarrier.arrive $0xFFFF;
	s2 =	simm.s32 @!p0 $0x1C11  }
0xde: {  	[timem:s3], [sflag:s2] =	dma.local @!p0 [hbm:s0], s1  }
0xdf: {  	s0 =	simm.s32 @!p0 $0x11  }
0xe0: {  	_ =	swait.ge @!p0 [sflag:s0], s1  }
0xe1: {  	s1 =	ssub.s32 @!p0 $0x0, s1;
	[sflag:s0] =	ssyncset.done @!p0 $0x0  }
0xe2: {  	[sflag:s0] =	ssyncadd.s32 @!p0 s1  }
0xe3: {  	[bflag:$0x3] =	sbarrier.arrive $0xFFFF  }
0xe4: {  	_ =	shalt  }

// kernel: kernel.19.cloned.1.call-start
scs
__scs_entry_jumppad:
0x0: {  	(pc) =	sbr.rel $0x88, $3  }
0x1: {  	(tag) =	ssettag $0x0;
	lr =	simm.s32 $0x1  }
0x2: {  	[smem:$0x3F99] =	sst lr;
	_ =	strace $0xD0000000  }
0x3: {  	_ = 	snop  }
0x4: {  	_ = 	snop  }
0x5: {  	_ = 	snop  }
0x6: {  	_ = 	snop  }
0x7: {  	_ = 	snop  }
__scs_overlays_trampoline_lowered:
0x8: {  	[smem:$0x3FA8] =	sst s0  }
0x9: {  	[smem:$0x3FA9] =	sst s1  }
0xa: {  	[smem:$0x3FAA] =	sst s2  }
0xb: {  	[smem:$0x3FAB] =	sst s3  }
0xc: {  	[smem:$0x3FAC] =	sst s4  }
0xd: {  	[smem:$0x3FAD] =	sst s5  }
0xe: {  	[smem:$0x3FAE] =	sst s6  }
0xf: {  	[smem:$0x3FAF] =	sst s7  }
0x10: {  	[smem:$0x3FB0] =	sst s8  }
0x11: {  	[smem:$0x3FB1] =	sst s9;
	s0 =	simm.s32 @!p0 $0x0  }
0x12: {  	s1 =	sld [smem:$0x3F97];
	s0 =	simm.s32 @p0 $0x1  }
0x13: {  	[smem:$0x3FB2] =	sst s0;
	s0 =	simm.s32 @!p1 $0x0  }
0x14: {  	s2 =	sld [smem:$0x3F96];
	s0 =	simm.s32 @p1 $0x1  }
0x15: {  	[smem:$0x3FB3] =	sst s0;
	s0 =	simm.s32 @!p2 $0x0  }
0x16: {  	s3 =	sld [smem:$0x3FDB];
	s0 =	simm.s32 @p2 $0x1  }
0x17: {  	s4 =	simm.s32 $0x1BF5;
	[smem:$0x3FB5] =	sst s0  }
0x18: {  	s0 =	sld [smem:$0x3F98];
	_ =	swait.ge [sflag:s4], $0x0  }
0x19: {  	s7 =	sld [smem:$0x3F99]  }
0x1a: {  	s8 =	sadd.s32 $0xFFFFE003, lr  }
0x1b: {  	s9 =	sadd.s32 $0xFFFFFEF7, lr;
	s5 =	simm.s32 $0xFFFFFFFF;
	p2 =	slt.u32 s8, $0xFFFFF086  }
0x1c: {  	p1 =	slt.u32 s9, $0xF7A;
	s5 =	simm.s32 @!p2 $0x0  }
0x1d: {  	s5 =	simm.s32 @p1 $0x1;
	p0 =	seq.s32 s7, s2  }
0x1e: {  	s7 =	smul.u32 @!p0 $0xF7A, s2;
	p2 =	seq.s32 @!p0 s5, $0x0  }
0x1f: {  	s9 =	smul.u32 $0xF7A, s1;
	s8 =	simm.s32 @!p0 $0x1BF5;
	p2 =	por !p2, p0  }
0x20: {  	[sflag:s8] =	ssyncset.s32 @!p0 $0xFFFFF086;
	s6 =	sadd.s32 @!p0 s3, s7;
	s7 =	simm.s32 @!p0 $0x108  }
0x21: {  	s3 =	sadd.s32 s3, s9;
	s6 =	sadd.s32 @!p0 $0x88, s6;
	s7 =	simm.s32 @p2 $0x1082  }
0x22: {  	[simem:s7], [sflag:s8] =	dma.local @!p0 [hbm:s6], $0xF7A  }
0x23: {  	s9 =	sor.u32 $0xD0000000, s2;
	s6 =	simm.s32 $0x108;
	_ =	swait.ge @!p0 [sflag:s8], $0x0  }
0x24: {  	s3 =	sadd.s32 $0x88, s3;
	s6 =	simm.s32 @!p1 $0x1082;
	[sflag:s4] =	ssyncset.s32 $0xFFFFF086  }
0x25: {  	[simem:s6], [sflag:s4] =	dma.local [hbm:s3], $0xF7A  }
0x26: {  	[smem:$0x3F99] =	sst s1;
	(tag) =	ssettag s2;
	_ =	strace s9  }
0x27: {  	s1 =	sld [smem:$0x3FA9]  }
0x28: {  	s2 =	sld [smem:$0x3FAA]  }
0x29: {  	s4 =	sld [smem:$0x3FAC]  }
0x2a: {  	p0 =	seq.s32 s5, $0x0;
	s5 =	sld [smem:$0x3FAD]  }
0x2b: {  	s6 =	sld [smem:$0x3FAE]  }
0x2c: {  	s7 =	sld [smem:$0x3FAF]  }
0x2d: {  	s3 =	simm.s32 $0x108;
	s8 =	sld [smem:$0x3FB0]  }
0x2e: {  	s3 =	simm.s32 @!p0 $0x1082;
	s9 =	sld [smem:$0x3FB1]  }
0x2f: {  	lr =	sadd.s32 s0, s3;
	s0 =	sld [smem:$0x3FA8]  }
0x30: {  	s3 =	sld [smem:$0x3FAB]  }
0x31: {  	[smem:$0x3FB4] =	sst s10  }
0x32: {  	s10 =	sld [smem:$0x3FB2];
	_ =	sdelay $0x3  }
0x33: {  	p0 =	seq.s32 s10, $0x1;
	s10 =	sld [smem:$0x3FB4];
	_ =	sdelay $0x3  }
0x34: {  	[smem:$0x3FB4] =	sst s10  }
0x35: {  	s10 =	sld [smem:$0x3FB3];
	_ =	sdelay $0x3  }
0x36: {  	p1 =	seq.s32 s10, $0x1;
	s10 =	sld [smem:$0x3FB4];
	_ =	sdelay $0x3  }
0x37: {  	[smem:$0x3FB4] =	sst s10  }
0x38: {  	s10 =	sld [smem:$0x3FB5]  }
0x39: {  	_ = 	snop;
	(pc) =	sbr.ind lr, $3  }
0x3a: {  	_ = 	snop  }
0x3b: {  	_ = 	snop  }
0x3c: {  	p2 =	seq.s32 s10, $0x1;
	s10 =	sld [smem:$0x3FB4]  }
0x3d: {  	_ =	shalt  }
0x3e: {  	_ =	shalt  }
0x3f: {  	_ =	shalt  }
0x40: {  	_ =	shalt  }
0x41: {  	_ =	shalt  }
0x42: {  	_ =	shalt  }
0x43: {  	_ =	shalt  }
0x44: {  	_ =	shalt  }
0x45: {  	_ =	shalt  }
0x46: {  	_ =	shalt  }
0x47: {  	_ =	shalt  }
0x48: {  	_ =	shalt  }
0x49: {  	_ =	shalt  }
0x4a: {  	_ =	shalt  }
0x4b: {  	_ =	shalt  }
0x4c: {  	_ =	shalt  }
0x4d: {  	_ =	shalt  }
0x4e: {  	_ =	shalt  }
0x4f: {  	_ =	shalt  }
0x50: {  	_ =	shalt  }
0x51: {  	_ =	shalt  }
0x52: {  	_ =	shalt  }
0x53: {  	_ =	shalt  }
0x54: {  	_ =	shalt  }
0x55: {  	_ =	shalt  }
0x56: {  	_ =	shalt  }
0x57: {  	_ =	shalt  }
0x58: {  	_ =	shalt  }
0x59: {  	_ =	shalt  }
0x5a: {  	_ =	shalt  }
0x5b: {  	_ =	shalt  }
0x5c: {  	_ =	shalt  }
0x5d: {  	_ =	shalt  }
0x5e: {  	_ =	shalt  }
0x5f: {  	_ =	shalt  }
0x60: {  	_ =	shalt  }
0x61: {  	_ =	shalt  }
0x62: {  	_ =	shalt  }
0x63: {  	_ =	shalt  }
0x64: {  	_ =	shalt  }
0x65: {  	_ =	shalt  }
0x66: {  	_ =	shalt  }
0x67: {  	_ =	shalt  }
0x68: {  	_ =	shalt  }
0x69: {  	_ =	shalt  }
0x6a: {  	_ =	shalt  }
0x6b: {  	_ =	shalt  }
0x6c: {  	_ =	shalt  }
0x6d: {  	_ =	shalt  }
0x6e: {  	_ =	shalt  }
0x6f: {  	_ =	shalt  }
0x70: {  	_ =	shalt  }
0x71: {  	_ =	shalt  }
0x72: {  	_ =	shalt  }
0x73: {  	_ =	shalt  }
0x74: {  	_ =	shalt  }
0x75: {  	_ =	shalt  }
0x76: {  	_ =	shalt  }
0x77: {  	_ =	shalt  }
0x78: {  	_ =	shalt  }
0x79: {  	_ =	shalt  }
0x7a: {  	_ =	shalt  }
0x7b: {  	_ =	shalt  }
0x7c: {  	_ =	shalt  }
0x7d: {  	_ =	shalt  }
0x7e: {  	_ =	shalt  }
0x7f: {  	_ =	shalt  }
0x80: {  	_ =	shalt  }
0x81: {  	_ =	shalt  }
0x82: {  	_ =	shalt  }
0x83: {  	_ =	shalt  }
0x84: {  	_ =	shalt  }
0x85: {  	_ =	shalt  }
0x86: {  	_ =	shalt  }
0x87: {  	_ =	shalt  }
.Lfunc_end0:
.L_simem_size_0:
called_computation.3_lowered:
.L_overlay_start_0:
0x88: {  	s2 =	sld [smem:$0x3FD9]  }
0x89: {  	s3 =	sld [smem:$0x3FFE];
	_ =	sdelay $0x1  }
0x8a: {  	s1 =	srdreg.scid  }
0x8b: {  	s0 =	sand.u32 $0x1, s1  }
0x8c: {  	s17 =	sshll.u32 s0, $0xA;
	s2 =	sadd.s32 s3, s2  }
0x8d: {  	s2 =	sadd.s32 s2, s17  }
0x8e: {  	[smem:$0x3FC0] =	sst s2  }
0x8f: {  	_ = 	snop  }
0x90: {  	s2 =	sld [smem:$0x3FD0];
	(tm) =	ssettm $0x1  }
0x91: {  	s18 =	sld [smem:$0x3FFB];
	_ =	sdelay $0x3  }
0x92: {  	_ =	strace s18  }
0x93: {  	s3 =	sld [smem:$0x3FFC];
	_ =	sdelay $0x3  }
0x94: {  	_ =	strace s3  }
0x95: {  	s3 =	sld [smem:$0x3FFD];
	_ =	sdelay $0x3  }
0x96: {  	_ =	strace s3  }
0x97: {  	_ =	strace $0x8FFFFFFF  }
0x98: {  	s19 =	sld [smem:$0x3FDB];
	_ =	sdelay $0x1  }
0x99: {  	s4 =	simm.s32 $_scs_section_size  }
0x9a: {  	s5 =	simm.s32 $_size__tile_overlayer_lowered;
	s6 =	simm.s32 $_tile_overlayer_lowered  }
0x9b: {  	s22 =	simm.s32 $0x1BFF;
	s21 =	sshll.u32 s6, $0x1;
	s3 =	sadd.s32 s4, s19  }
0x9c: {  	s7 =	simm.s32 $0x0;
	s20 =	sshll.u32 s5, $0x1;
	s5 =	sadd.s32 s21, s3  }
0x9d: {  	[timem:s7], [sflag:s22] =	dma.local [hbm:s5], s20  }
0x9e: {  	_ =	swait.ge [sflag:s22], s20  }
0x9f: {  	s4 =	ssub.s32 $0x0, s20;
	[sflag:s22] =	ssyncset.done $0x0  }
0xa0: {  	[sflag:s22] =	ssyncadd.s32 s4;
	_ =	sdelay $0x1  }
0xa1: {  	s23 =	simm.s32 $0x1B8B  }
0xa2: {  	_ =	swait.ge [sflag:s23], $0x1  }
0xa3: {  	[sflag:s23] =	ssyncset.done $0x0  }
0xa4: {  	s25 =	simm.s32 $0x1B8E;
	s24 =	sld [smem:$0x3FFE];
	[sflag:s23] =	ssyncadd.s32 $0xFFFFFFFF  }
0xa5: {  	s26 =	simm.s32 $execute0_lowered;
	[smem:$0x3FD2] =	sst s25  }
0xa6: {  	s5 =	sshll.u32 s26, $0x1;
	_ =	strace $0x8000004F;
	[dreg:$0x1] =	wrdreg $0xFFFFFFFF  }
0xa7: {  	s28 =	simm.s32 $_size_execute0_lowered;
	s3 =	sadd.s32 s3, s5;
	[dreg:$0x0] =	wrdreg $0x0  }
0xa8: {  	s5 =	sshll.u32 s28, $0x1;
	[dreg:$0x2] =	wrdreg s3  }
0xa9: {  	[dreg:$0x3] =	wrdreg s5  }
0xaa: {  	[dreg:$0x4] =	wrdreg $0xC0  }
0xab: {  	_ =	task [dreg:s7], $0x5FFFF  }
0xac: {  	[dreg:$0x1] =	wrdreg $0xFFFFFFFF  }
0xad: {  	[dreg:$0x0] =	wrdreg $0x60  }
0xae: {  	[dreg:$0x2] =	wrdreg s24  }
0xaf: {  	[dreg:$0x3] =	wrdreg s2  }
0xb0: {  	[dreg:$0x4] =	wrdreg $0xA4000  }
0xb1: {  	[dreg:$0x5] =	wrdreg $0x9  }
0xb2: {  	_ =	task.clear_ibuf [dreg:s7], $0x6FFFF;
	_ =	strace $0x9000004F  }
0xb3: {  	s29 =	simm.s32 $0x9;
	_ =	strace $0x80000051  }
0xb4: {  	_ =	swait.ge [sflag:s29], $0x1  }
0xb5: {  	[sflag:s29] =	ssyncadd.s32 $0xFFFFFFFF  }
0xb6: {  	_ =	strace $0x90000051  }
0xb7: {  	_ =	sfence  }
0xb8: {  	s30 =	sld [smem:$0x0];
	_ =	sdelay $0x2  }
0xb9: {  	s31 =	sshll.u32 s1, $0xD;
	s1 =	sshrl.u32 s1, $0x2  }
0xba: {  	s3 =	sand.u32 $0x4000, s31;
	s1 =	sadd.s32 s1, s30  }
0xbb: {  	s0 =	sor.u32 s3, s0;
	s1 =	sshll.u32 s1, $0x11  }
0xbc: {  	s0 =	sor.u32 s1, s0  }
0xbd: {  	s0 =	sadd.s32 $0x8F2B, s0  }
0xbe: {  	[sflag:s0] =	ssyncadd.remote.s32 $0x1  }
0xbf: {  	_ =	sfence.sel $0xFFFF  }
0xc0: {  	[dreg:$0x0] =	wrdreg $0xFFFFFFFF;
	(pc) =	sbr.abs _section_cstart, $3  }
0xc1: {  	[dreg:$0x1] =	wrdreg $0xFFFFFFFF  }
0xc2: {  	_ =	task.clear_ibuf [dreg:s7], $0x2FFFF;
	_ =	strace $0x9FFFFFFF  }
0xc3: {  	(tm) =	ssettm $0x7FFFFFFF  }
tec
execute0_lowered:
.L_overlay_start_1:
0x0: {  	(tag) =	ssettag $0x1  }
0x1: {  	s0 =	rddreg [dreg:$0x0]  }
0x2: {  	s12 =	rddreg [dreg:$0x1]  }
0x3: {  	s3 =	rddreg [dreg:$0x2]  }
0x4: {  	s4 =	simm.s32 $0x0;
	s5 =	stileid.u32;
	s1 =	srdreg.scid  }
0x5: {  	s30 =	simm.s32 $0x50;
	s29 =	simm.s32 $0xC;
	s2 =	smul.u32 $0x14000, s5  }
0x6: {  	[smem:$0x7FF] =	sst s4;
	s1 =	sand.u32 $0x1, s1;
	s14 =	smul.u32 $0x50000, s5  }
0x7: {  	s13 =	sadd.s32 $0x2400, s0;
	s6 =	sadd.s32 $0x34200, s0;
	s16 =	smul.u32 $0x2710, s5  }
0x8: {  	_ =	strace $0x80000050;
	s7 =	smul.u32 $0x140000, s1;
	s8 =	sshll.u32 s1, $0x4  }
0x9: {  	s22 =	ssub.s32 $0x2, s1;
	s1 =	smul.u32 $0x27100, s1;
	s8 =	sor.u32 s5, s8  }
0xa: {  	s9 =	sshrl.u32 s2, $0x3;
	s23 =	sshrl.u32 s22, $0x1;
	s5 =	simm.s32 $0x11  }
0xb: {  	s2 =	sadd.s32 s2, s7;
	s20 =	smul.u32 $0x2710, s8;
	s21 =	sadd.s32 s9, s0  }
0xc: {  	s1 =	sadd.s32 s16, s1;
	s8 =	simm.s32 $0x280;
	s2 =	sshrl.u32 s2, $0x3  }
0xd: {  	s16 =	simm.s32 $0x6;
	s19 =	sadd.s32 $0xC200, s21;
	s0 =	sadd.s32 s2, s0  }
0xe: {  	s7 =	sshrl.u32 s20, $0x3;
	s2 =	ssub.s32 s22, s23;
	[dreg:$0xd] =	wrdreg s19  }
0xf: {  	s22 =	sadd.s32 $0x230, s1;
	s23 =	sadd.s32 $0x1E0, s1;
	s24 =	sadd.s32 s13, s7  }
0x10: {  	s19 =	simm.s32 $0x9;
	s10 =	sadd.s32 s12, s7;
	[dreg:$0x4] =	wrdreg s24  }
0x11: {  	s25 =	sadd.s32 $0xA, s7;
	s0 =	sadd.s32 $0x5B400, s0;
	[dreg:$0x5] =	wrdreg s10  }
0x12: {  	s31 =	sadd.s32 $0x14, s7;
	s2 =	smax.u32 s2, $0x1;
	[dreg:$0x10] =	wrdreg s0  }
0x13: {  	s15 =	sadd.s32 $0x1E, s7;
	s26 =	sadd.s32 s13, s25;
	[dreg:$0x11] =	wrdreg s2  }
0x14: {  	s7 =	sadd.s32 $0x4D8, s7;
	s9 =	sadd.s32 s12, s25;
	[dreg:$0x6] =	wrdreg s26  }
0x15: {  	s11 =	sadd.s32 s13, s31;
	s10 =	sadd.s32 s12, s31;
	[dreg:$0x7] =	wrdreg s9  }
0x16: {  	s17 =	sadd.s32 s12, s15;
	s20 =	sadd.s32 s13, s7;
	[dreg:$0x8] =	wrdreg s11  }
0x17: {  	s21 =	sadd.s32 s12, s7;
	s0 =	sshrl.u32 s22, $0x3;
	[dreg:$0x9] =	wrdreg s10  }
0x18: {  	s2 =	sshrl.u32 s23, $0x3;
	s25 =	sadd.s32 $0x190, s1;
	[dreg:$0xb] =	wrdreg s17  }
0x19: {  	s1 =	sadd.s32 $0x140, s1;
	s22 =	simm.s32 $0xB;
	[dreg:$0xe] =	wrdreg s20  }
0x1a: {  	s11 =	sadd.s32 s13, s15;
	s9 =	sshrl.u32 s14, $0x2;
	[dreg:$0xf] =	wrdreg s21  }
0x1b: {  	s24 =	sadd.s32 s0, s12;
	s7 =	sshrl.u32 s25, $0x3;
	[dreg:$0x13] =	wrdreg s1  }
0x1c: {  	s23 =	sadd.s32 s0, s13;
	s26 =	sadd.s32 s2, s12;
	s25 =	sadd.s32 s2, s13  }
0x1d: {  	s14 =	simm.s32 $0x380;
	s15 =	simm.s32 $0x1;
	s17 =	simm.s32 $0x3  }
0x1e: {  	s20 =	simm.s32 $0xA;
	s2 =	simm.s32 $0xD;
	s10 =	simm.s32 $0xE  }
0x1f: {  	s1 =	simm.s32 $0x10;
	s21 =	simm.s32 $0x0;
	[dreg:$0xa] =	wrdreg s11  }
.Ltmp0:
0x20: {  	s18 =	sadd.s32 s9, s3;
	[dreg:$0x12] =	wrdreg s24;
	(pc) =	sbr.rel .LBB2_1-.Ltmp0, $4  }
0x21: {  	[dreg:$0x14] =	wrdreg s26;
	s31 =	sadd.s32 s7, s12;
	s26 =	smov.u32 s13  }
0x22: {  	s28 =	sadd.s32 s7, s13;
	s9 =	simm.s32 $0x400;
	s12 =	simm.s32 $0x200  }
0x23: {  	s7 =	simm.s32 $0x2C00;
	s13 =	simm.s32 $0x7C00;
	[dreg:$0xc] =	wrdreg s18  }
0x24: {  	s11 =	simm.s32 $0xF;
	[dreg:$0x15] =	wrdreg s31;
	s18 =	simm.s32 $0x8  }
.LBB2_4:
0x25: {  	s0 =	rddreg [dreg:$0xe];
	s5 =	simm.s32 $0x11  }
0x26: {  	[tilespmem:s4], [sflag:$0x11] =	stream.linear.gather [hbm4b:s0+s4], $0x50, $0x38;
	[tilespmem:$0x1E400] =	vst v63  }
0x27: {  	_ =	swait.ge [sflag:s5], $0x50  }
0x28: {  	[sflag:s5] =	ssyncset.done $0x0  }
0x29: {  	[sflag:s5] =	ssyncadd.s32 $0xFFFFFFB0  }
0x2a: {  	_ =	swait.ge [sflag:s19], $0x2800  }
0x2b: {  	[sflag:s19] =	ssyncset.done $0x0  }
0x2c: {  	s9 =	simm.s32 $0x400;
	[sflag:s19] =	ssyncadd.s32 $0xFFFFD800  }
0x2d: {  	[tilespmem:s9], [sflag:$0x1] =	stream.indirect.gather [hbm4b:s6+s30], $0x80, s4, s30, $0xb8;
	[tilespmem:$0x1E400] =	vst v63  }
0x2e: {  	_ =	swait.ge [sflag:s15], $0x2800  }
0x2f: {  	[sflag:s15] =	ssyncset.done $0x0  }
0x30: {  	s12 =	simm.s32 $0x200;
	s24 =	rddreg [dreg:$0xf];
	[sflag:s15] =	ssyncadd.s32 $0xFFFFD800  }
0x31: {  	[tilespmem:s12], [sflag:$0x11] =	stream.linear.gather [hbm4b:s24+s4], $0x50, $0x38;
	[tilespmem:$0x1E400] =	vst v63  }
0x32: {  	_ =	swait.ge [sflag:s5], $0x50  }
0x33: {  	[sflag:s5] =	ssyncset.done $0x0  }
0x34: {  	[sflag:s5] =	ssyncadd.s32 $0xFFFFFFB0  }
0x35: {  	[spmem:s3] =	stream.indirect.scatter.add.f32 [tilespmem:s9], [sflag:$0x9], $0x80, s12, s30, $0xb8;
	[tilespmem:$0x1E400] =	vst v63  }
0x36: {  	_ =	swait.ge [sflag:s19], $0x2800  }
0x37: {  	[sflag:s19] =	ssyncset.done $0x0  }
0x38: {  	[sflag:s19] =	ssyncadd.s32 $0xFFFFD800  }
0x39: {  	_ =	swait.ge [sflag:s20], $0x2800  }
0x3a: {  	[sflag:s20] =	ssyncset.done $0x0  }
0x3b: {  	[sflag:s20] =	ssyncadd.s32 $0xFFFFD800  }
0x3c: {  	_ =	swait.ge [sflag:s22], $0x2800  }
0x3d: {  	[sflag:s22] =	ssyncset.done $0x0  }
0x3e: {  	[sflag:s22] =	ssyncadd.s32 $0xFFFFD800  }
0x3f: {  	_ =	swait.ge [sflag:s29], $0x2800  }
0x40: {  	[sflag:s29] =	ssyncset.done $0x0  }
0x41: {  	[sflag:s29] =	ssyncadd.s32 $0xFFFFD800  }
0x42: {  	[bflag:$0x0] =	sbarrier.arrive $0xFFFF  }
0x43: {  	s31 =	rddreg [dreg:$0x10]  }
0x44: {  	s21 =	rddreg [dreg:$0x17]  }
0x45: {  	s24 =	rddreg [dreg:$0x18]  }
0x46: {  	[hbm:s31], [sflag:s21] =	dma.local [spmem:s24], $0x2800  }
0x47: {  	_ =	swait.ge [sflag:s5], $0x2800  }
0x48: {  	s24 =	rddreg [dreg:$0x16]  }
0x49: {  	s31 =	rddreg [dreg:$0x11];
	s21 =	sadd.s32 $0x1, s24  }
0x4a: {  	p0 =	sne.s32 s21, s31  }
.Ltmp1:
0x4b: {  	_ = 	snop;
	(pc) =	sbr.rel @!p0 .LBB2_5-.Ltmp1, $3  }
0x4c: {  	_ =	sdelay $0x1  }
0x4d: {  	[sflag:s5] =	ssyncset.done $0x0  }
0x4e: {  	[sflag:s5] =	ssyncadd.s32 $0xFFFFD800  }
.LBB2_1:
0x4f: {  	[dreg:$0x16] =	wrdreg s21  }
0x50: {  	s0 =	rddreg [dreg:$0x4]  }
0x51: {  	[tilespmem:s4], [sflag:$0x11] =	stream.linear.gather [hbm4b:s0+s4], $0x50, $0x38;
	[tilespmem:$0x1E400] =	vst v63  }
0x52: {  	_ =	swait.ge [sflag:s5], $0x50  }
0x53: {  	[sflag:s5] =	ssyncset.done $0x0  }
0x54: {  	[sflag:s5] =	ssyncadd.s32 $0xFFFFFFB0  }
0x55: {  	[tilespmem:s9], [sflag:$0x1] =	stream.indirect.gather [hbm4b:s6+s30], $0x80, s4, s30, $0xb8;
	[tilespmem:$0x1E400] =	vst v63  }
0x56: {  	s9 =	rddreg [dreg:$0x5]  }
0x57: {  	[tilespmem:s12], [sflag:$0x5] =	stream.linear.gather [hbm4b:s9+s4], $0x50, $0x38;
	[tilespmem:$0x1E400] =	vst v63  }
0x58: {  	s24 =	simm.s32 $0x80;
	s21 =	rddreg [dreg:$0x6]  }
0x59: {  	[tilespmem:s24], [sflag:$0x11] =	stream.linear.gather [hbm4b:s21+s4], $0x50, $0x38;
	[tilespmem:$0x1E400] =	vst v63  }
0x5a: {  	_ =	swait.ge [sflag:s5], $0x50  }
0x5b: {  	[sflag:s5] =	ssyncset.done $0x0  }
0x5c: {  	[sflag:s5] =	ssyncadd.s32 $0xFFFFFFB0  }
0x5d: {  	[tilespmem:s7], [sflag:$0x2] =	stream.indirect.gather [hbm4b:s6+s30], $0x80, s24, s30, $0xb8;
	[tilespmem:$0x1E400] =	vst v63  }
0x5e: {  	s12 =	rddreg [dreg:$0x7]  }
0x5f: {  	[tilespmem:s8], [sflag:$0x6] =	stream.linear.gather [hbm4b:s12+s4], $0x50, $0x38;
	[tilespmem:$0x1E400] =	vst v63  }
0x60: {  	s21 =	rddreg [dreg:$0x8];
	s24 =	simm.s32 $0x100  }
0x61: {  	[tilespmem:s24], [sflag:$0x11] =	stream.linear.gather [hbm4b:s21+s4], $0x50, $0x38;
	[tilespmem:$0x1E400] =	vst v63  }
0x62: {  	_ =	swait.ge [sflag:s5], $0x50  }
0x63: {  	[sflag:s5] =	ssyncset.done $0x0  }
0x64: {  	s12 =	simm.s32 $0x5400;
	[sflag:s5] =	ssyncadd.s32 $0xFFFFFFB0  }
0x65: {  	[tilespmem:s12], [sflag:$0x3] =	stream.indirect.gather [hbm4b:s6+s30], $0x80, s24, s30, $0xb8;
	[tilespmem:$0x1E400] =	vst v63  }
0x66: {  	s21 =	rddreg [dreg:$0x9];
	s24 =	simm.s32 $0x300  }
0x67: {  	[tilespmem:s24], [sflag:$0x7] =	stream.linear.gather [hbm4b:s21+s4], $0x50, $0x38;
	[tilespmem:$0x1E400] =	vst v63  }
0x68: {  	s24 =	stileid.u32  }
0x69: {  	s9 =	rddreg [dreg:$0xa];
	s12 =	simm.s32 $0x180;
	s0 =	sshll.u32 s24, $0x6  }
0x6a: {  	[tilespmem:s12], [sflag:$0x11] =	stream.linear.gather [hbm4b:s9+s4], $0x50, $0x38;
	[tilespmem:$0x1E400] =	vst v63  }
0x6b: {  	s9 =	sor.u32 $0x1C11, s0;
	_ =	swait.ge [sflag:s5], $0x50  }
0x6c: {  	[dreg:$0x17] =	wrdreg s9;
	[sflag:s5] =	ssyncset.done $0x0  }
0x6d: {  	s21 =	rddreg [dreg:$0xb];
	[sflag:s5] =	ssyncadd.s32 $0xFFFFFFB0  }
0x6e: {  	[tilespmem:s13], [sflag:$0x4] =	stream.indirect.gather [hbm4b:s6+s30], $0x80, s12, s30, $0xb8;
	[tilespmem:$0x1E400] =	vst v63  }
0x6f: {  	s12 =	rddreg [dreg:$0xc]  }
0x70: {  	[tilespmem:s14], [sflag:$0x8] =	stream.linear.gather [hbm4b:s21+s4], $0x50, $0x38;
	[tilespmem:$0x1E400] =	vst v63  }
0x71: {  	s24 =	rddreg [dreg:$0xd];
	s21 =	sshrl.u32 s12, $0x3  }
0x72: {  	[dreg:$0x18] =	wrdreg s21  }
0x73: {  	[spmem:s21], [sflag:s9] =	dma.local [hbm:s24], $0x2800  }
0x74: {  	_ =	swait.ge [sflag:s5], $0x2800  }
0x75: {  	[sflag:s5] =	ssyncset.done $0x0  }
0x76: {  	[sflag:s5] =	ssyncadd.s32 $0xFFFFD800  }
0x77: {  	[bflag:$0x0] =	sbarrier.arrive $0xFFFF  }
0x78: {  	s31 =	simm.s32 $0x0;
	s9 =	rddreg [dreg:$0x13]  }
.LBB2_2:
0x79: {  	_ =	swait.ge [sflag:s15], $0x2800  }
0x7a: {  	p0 =	seq.s32 s31, $0x4B0;
	[sflag:s15] =	ssyncset.done $0x0  }
0x7b: {  	s12 =	simm.s32 @p0 $0x5;
	[sflag:s15] =	ssyncadd.s32 $0xFFFFD800  }
0x7c: {  	_ =	swait.ge @p0 [sflag:s12], $0x50  }
0x7d: {  	s0 =	simm.s32 @p0 $0x200;
	[sflag:s12] =	ssyncset.done @p0 $0x0  }
0x7e: {  	s5 =	simm.s32 @p0 $0x400;
	[sflag:s12] =	ssyncadd.s32 @p0 $0xFFFFFFB0;
	s12 =	simm.s32 @p0 $0x50  }
0x7f: {  	[spmem:s3] =	stream.indirect.scatter.add.f32 @p0 [tilespmem:s5], [sflag:$0x9], $0x80, s0, s12, $0xb8;
	[tilespmem:$0x1E400] =	vst v63  }
0x80: {  	s0 =	simm.s32 @p0 $0x2  }
0x81: {  	_ =	swait.ge @p0 [sflag:s0], $0x2800  }
0x82: {  	s5 =	sshrl.u32 @!p0 s9, $0x3;
	[sflag:s0] =	ssyncset.done @p0 $0x0  }
0x83: {  	[sflag:s0] =	ssyncadd.s32 @p0 $0xFFFFD800;
	s0 =	sadd.s32 @!p0 s26, s5;
	s5 =	simm.s32 @!p0 $0x0  }
0x84: {  	[tilespmem:s5], [sflag:$0xD] =	stream.linear.gather @!p0 [hbm4b:s0+s5], $0x50, $0x38;
	[tilespmem:$0x1E400] =	vst v63  }
0x85: {  	s0 =	simm.s32 @!p0 $0x5  }
0x86: {  	_ =	swait.ge @!p0 [sflag:s0], $0x50  }
0x87: {  	s21 =	simm.s32 @!p0 $0x200;
	[sflag:s0] =	ssyncset.done @!p0 $0x0  }
0x88: {  	s24 =	simm.s32 @!p0 $0x400;
	[sflag:s0] =	ssyncadd.s32 @!p0 $0xFFFFFFB0;
	s0 =	simm.s32 @!p0 $0x50  }
0x89: {  	[spmem:s3] =	stream.indirect.scatter.add.f32 @!p0 [tilespmem:s24], [sflag:$0x9], $0x80, s21, s0, $0xb8;
	[tilespmem:$0x1E400] =	vst v63  }
0x8a: {  	s21 =	simm.s32 @!p0 $0x2  }
0x8b: {  	_ =	swait.ge @!p0 [sflag:s21], $0x2800  }
0x8c: {  	[sflag:s21] =	ssyncset.done @!p0 $0x0  }
0x8d: {  	s24 =	simm.s32 @!p0 $0x80;
	[sflag:s21] =	ssyncadd.s32 @!p0 $0xFFFFD800;
	s21 =	sadd.s32 @!p0 s31, s28  }
0x8e: {  	[tilespmem:s24], [sflag:$0xE] =	stream.linear.gather @!p0 [hbm4b:s21+s5], $0x50, $0x38;
	[tilespmem:$0x1E400] =	vst v63  }
0x8f: {  	_ =	swait.ge [sflag:s16], $0x50  }
0x90: {  	[sflag:s16] =	ssyncset.done $0x0  }
0x91: {  	[sflag:s16] =	ssyncadd.s32 $0xFFFFFFB0  }
0x92: {  	[spmem:s3] =	stream.indirect.scatter.add.f32 [tilespmem:s7], [sflag:$0xA], $0x80, s8, s30, $0xb8;
	[tilespmem:$0x1E400] =	vst v63  }
0x93: {  	_ =	swait.ge [sflag:s17], $0x2800  }
0x94: {  	[sflag:s17] =	ssyncset.done $0x0  }
0x95: {  	s21 =	simm.s32 @p0 $0x7;
	[sflag:s17] =	ssyncadd.s32 $0xFFFFD800  }
0x96: {  	_ =	swait.ge @p0 [sflag:s21], $0x50  }
0x97: {  	[sflag:s21] =	ssyncset.done @p0 $0x0  }
0x98: {  	s24 =	simm.s32 @p0 $0x5400;
	[sflag:s21] =	ssyncadd.s32 @p0 $0xFFFFFFB0;
	s21 =	simm.s32 @p0 $0x300  }
0x99: {  	[spmem:s3] =	stream.indirect.scatter.add.f32 @p0 [tilespmem:s24], [sflag:$0xB], $0x80, s21, s12, $0xb8;
	[tilespmem:$0x1E400] =	vst v63  }
0x9a: {  	s12 =	simm.s32 @p0 $0x4  }
0x9b: {  	_ =	swait.ge @p0 [sflag:s12], $0x2800  }
0x9c: {  	[sflag:s12] =	ssyncset.done @p0 $0x0  }
0x9d: {  	s21 =	simm.s32 @!p0 $0x100;
	[sflag:s12] =	ssyncadd.s32 @p0 $0xFFFFD800;
	s12 =	sadd.s32 @!p0 s31, s25  }
0x9e: {  	[tilespmem:s21], [sflag:$0xF] =	stream.linear.gather @!p0 [hbm4b:s12+s5], $0x50, $0x38;
	[tilespmem:$0x1E400] =	vst v63  }
0x9f: {  	s12 =	simm.s32 @!p0 $0x7  }
0xa0: {  	_ =	swait.ge @!p0 [sflag:s12], $0x50  }
0xa1: {  	[sflag:s12] =	ssyncset.done @!p0 $0x0  }
0xa2: {  	s21 =	simm.s32 @!p0 $0x5400;
	[sflag:s12] =	ssyncadd.s32 @!p0 $0xFFFFFFB0;
	s12 =	simm.s32 @!p0 $0x300  }
0xa3: {  	[spmem:s3] =	stream.indirect.scatter.add.f32 @!p0 [tilespmem:s21], [sflag:$0xB], $0x80, s12, s0, $0xb8;
	[tilespmem:$0x1E400] =	vst v63  }
0xa4: {  	s0 =	simm.s32 @!p0 $0x4  }
0xa5: {  	_ =	swait.ge @!p0 [sflag:s0], $0x2800  }
0xa6: {  	[sflag:s0] =	ssyncset.done @!p0 $0x0  }
0xa7: {  	s12 =	simm.s32 @!p0 $0x180;
	[sflag:s0] =	ssyncadd.s32 @!p0 $0xFFFFD800;
	s0 =	sadd.s32 @!p0 s31, s23  }
0xa8: {  	[tilespmem:s12], [sflag:$0x10] =	stream.linear.gather @!p0 [hbm4b:s0+s5], $0x50, $0x38;
	[tilespmem:$0x1E400] =	vst v63  }
.Ltmp2:
0xa9: {  	_ = 	snop;
	(pc) =	sbr.rel @p0 .LBB2_4-.Ltmp2, $4  }
0xaa: {  	_ =	swait.ge [sflag:s18], $0x50  }
0xab: {  	[sflag:s18] =	ssyncset.done $0x0  }
0xac: {  	[sflag:s18] =	ssyncadd.s32 $0xFFFFFFB0  }
0xad: {  	[spmem:s3] =	stream.indirect.scatter.add.f32 [tilespmem:s13], [sflag:$0xC], $0x80, s14, s30, $0xb8;
	[tilespmem:$0x1E400] =	vst v63  }
0xae: {  	_ =	swait.ge [sflag:s2], $0x50  }
0xaf: {  	[sflag:s2] =	ssyncset.done $0x0  }
0xb0: {  	[sflag:s2] =	ssyncadd.s32 $0xFFFFFFB0  }
0xb1: {  	_ =	swait.ge [sflag:s19], $0x2800  }
0xb2: {  	[sflag:s19] =	ssyncset.done $0x0  }
0xb3: {  	s0 =	simm.s32 $0x400;
	[sflag:s19] =	ssyncadd.s32 $0xFFFFD800  }
0xb4: {  	[tilespmem:s0], [sflag:$0x1] =	stream.indirect.gather [hbm4b:s6+s30], $0x80, s4, s30, $0xb8;
	[tilespmem:$0x1E400] =	vst v63  }
0xb5: {  	s21 =	sshrl.u32 s9, $0x3;
	s5 =	rddreg [dreg:$0x1]  }
0xb6: {  	s24 =	simm.s32 $0x200;
	s0 =	sadd.s32 s5, s21  }
0xb7: {  	[tilespmem:s24], [sflag:$0x5] =	stream.linear.gather [hbm4b:s0+s4], $0x50, $0x38;
	[tilespmem:$0x1E400] =	vst v63  }
0xb8: {  	_ =	swait.ge [sflag:s10], $0x50  }
0xb9: {  	[sflag:s10] =	ssyncset.done $0x0  }
0xba: {  	[sflag:s10] =	ssyncadd.s32 $0xFFFFFFB0  }
0xbb: {  	_ =	swait.ge [sflag:s20], $0x2800  }
0xbc: {  	[sflag:s20] =	ssyncset.done $0x0  }
0xbd: {  	s5 =	simm.s32 $0x80;
	s12 =	rddreg [dreg:$0x15];
	[sflag:s20] =	ssyncadd.s32 $0xFFFFD800  }
0xbe: {  	[tilespmem:s7], [sflag:$0x2] =	stream.indirect.gather [hbm4b:s6+s30], $0x80, s5, s30, $0xb8;
	[tilespmem:$0x1E400] =	vst v63  }
0xbf: {  	s0 =	sadd.s32 s31, s12  }
0xc0: {  	[tilespmem:s8], [sflag:$0x6] =	stream.linear.gather [hbm4b:s0+s4], $0x50, $0x38;
	[tilespmem:$0x1E400] =	vst v63  }
0xc1: {  	_ =	swait.ge [sflag:s11], $0x50  }
0xc2: {  	[sflag:s11] =	ssyncset.done $0x0  }
0xc3: {  	[sflag:s11] =	ssyncadd.s32 $0xFFFFFFB0  }
0xc4: {  	_ =	swait.ge [sflag:s22], $0x2800  }
0xc5: {  	s21 =	simm.s32 $0x100;
	[sflag:s22] =	ssyncset.done $0x0  }
0xc6: {  	s24 =	simm.s32 $0x5400;
	s5 =	rddreg [dreg:$0x14];
	[sflag:s22] =	ssyncadd.s32 $0xFFFFD800  }
0xc7: {  	[tilespmem:s24], [sflag:$0x3] =	stream.indirect.gather [hbm4b:s6+s30], $0x80, s21, s30, $0xb8;
	[tilespmem:$0x1E400] =	vst v63  }
0xc8: {  	s12 =	simm.s32 $0x300;
	s0 =	sadd.s32 s31, s5  }
0xc9: {  	[tilespmem:s12], [sflag:$0x7] =	stream.linear.gather [hbm4b:s0+s4], $0x50, $0x38;
	[tilespmem:$0x1E400] =	vst v63  }
0xca: {  	_ =	swait.ge [sflag:s1], $0x50  }
0xcb: {  	[sflag:s1] =	ssyncset.done $0x0  }
0xcc: {  	[sflag:s1] =	ssyncadd.s32 $0xFFFFFFB0  }
0xcd: {  	_ =	swait.ge [sflag:s29], $0x2800  }
.Ltmp3:
0xce: {  	[sflag:s29] =	ssyncset.done $0x0;
	(pc) =	sbr.rel .LBB2_2-.Ltmp3, $4  }
0xcf: {  	s21 =	simm.s32 $0x180;
	s24 =	rddreg [dreg:$0x12];
	[sflag:s29] =	ssyncadd.s32 $0xFFFFD800  }
0xd0: {  	[tilespmem:s13], [sflag:$0x4] =	stream.indirect.gather [hbm4b:s6+s30], $0x80, s21, s30, $0xb8;
	[tilespmem:$0x1E400] =	vst v63  }
0xd1: {  	s9 =	sadd.s32 $0x140, s9;
	s0 =	sadd.s32 s31, s24;
	s31 =	sadd.s32 $0x28, s31  }
0xd2: {  	[tilespmem:s14], [sflag:$0x8] =	stream.linear.gather [hbm4b:s0+s4], $0x50, $0x38;
	[tilespmem:$0x1E400] =	vst v63  }
.LBB2_5:
0xd3: {  	_ =	sfence.sel $0x180000  }
0xd4: {  	[bflag:$0x0] =	sbarrier.arrive $0xFFFF  }
0xd5: {  	_ =	strace $0x90000050  }
0xd6: {  	s0 =	stileid.u32;
	[bflag:$0x2] =	sbarrier.arrive $0xFFFF  }
0xd7: {  	p0 =	sne.s32 s0, $0x0;
	s0 =	rddreg [dreg:$0x3]  }
0xd8: {  	s0 =	sadd.s32 @!p0 $0x100000, s0  }
0xd9: {  	[sflag:s0] =	ssyncadd.tile.s32 @!p0 $0x1;
	_ =	shalt  }
.Lfunc_end2:
_tile_overlayer_lowered:
.L_overlay_start_2:
0xda: {  	(tag) =	ssettag $0x2  }
0xdb: {  	s0 =	rddreg [dreg:$0x0];
	s2 =	stileid.u32  }
0xdc: {  	s1 =	rddreg [dreg:$0x1];
	p0 =	sne.s32 s2, $0x0  }
0xdd: {  	s3 =	rddreg [dreg:$0x2];
	[bflag:$0x3] =	sbarrier.arrive $0xFFFF;
	s2 =	simm.s32 @!p0 $0x1C11  }
0xde: {  	[timem:s3], [sflag:s2] =	dma.local @!p0 [hbm:s0], s1  }
0xdf: {  	s0 =	simm.s32 @!p0 $0x11  }
0xe0: {  	_ =	swait.ge @!p0 [sflag:s0], s1  }
0xe1: {  	s1 =	ssub.s32 @!p0 $0x0, s1;
	[sflag:s0] =	ssyncset.done @!p0 $0x0  }
0xe2: {  	[sflag:s0] =	ssyncadd.s32 @!p0 s1  }
0xe3: {  	[bflag:$0x3] =	sbarrier.arrive $0xFFFF  }
0xe4: {  	_ =	shalt  }

</sc_bundles>
